<compile_context>
chip_gen: v7x
topology: tpu7x:2x2x1
jax: 0.10.2.dev20260603
libtpu: 0.0.44.dev20260713+nightly
codegen_flags: <defaults>
</compile_context>

<pallas_src>
import functools

import jax
import jax.numpy as jnp
from jax import lax
from jax.experimental import pallas as pl
from jax.experimental.pallas import tpu as pltpu
from jax.experimental.pallas import tpu_sc as plsc

NC = 2
NS = 16
NW = NC * NS


def _make_sc_gather(d, base0, nk, chunk, nbuf=3, lag=2):
    b_per_w = nk // NW
    nch = b_per_w // chunk
    mesh = plsc.VectorSubcoreMesh(core_axis_name="c", subcore_axis_name="s")

    @functools.partial(
        pl.kernel,
        mesh=mesh,
        out_type=jax.ShapeDtypeStruct((nk, d), jnp.float32),
        scratch_types=(
            [pltpu.VMEM((b_per_w,), jnp.int32)]
            + [pltpu.VMEM((chunk, d), jnp.float32)] * nbuf
            + [pltpu.SemaphoreType.DMA] * (2 * nbuf)
        ),
    )
    def sc_gather(table_hbm, idx_hbm, out_hbm, idx_v, *scr):
        rows = scr[:nbuf]
        gsem = scr[nbuf:2 * nbuf]
        wsem = scr[2 * nbuf:]
        wid = lax.axis_index("s") * NC + lax.axis_index("c")
        base = wid * b_per_w
        pltpu.sync_copy(idx_hbm.at[pl.ds(base0 + base, b_per_w)], idx_v)
        gh = [None] * nbuf
        wh = [None] * nbuf

        def write(c):
            pj = c % nbuf
            gh[pj].wait()
            wh[pj] = pltpu.async_copy(
                rows[pj],
                out_hbm.at[pl.ds(base + c * chunk, chunk)],
                wsem[pj])

        for c in range(nch):
            bi = c % nbuf
            if wh[bi] is not None:
                wh[bi].wait()
            gh[bi] = pltpu.async_copy(
                table_hbm.at[idx_v.at[pl.ds(c * chunk, chunk)]],
                rows[bi], gsem[bi])
            if c >= lag:
                write(c - lag)
        for c in range(max(0, nch - lag), nch):
            write(c)
        for h in wh:
            if h is not None:
                h.wait()

    return sc_gather


def _ln_math(g_ref, pos_ref, seg_ref, w_ref, o_ref):
    h = g_ref[...] + pos_ref[...]
    t0 = w_ref[0:1, :]
    t1 = w_ref[1:2, :]
    h = h + t0 + seg_ref[...].astype(jnp.float32) * (t1 - t0)
    mean = jnp.mean(h, axis=1, keepdims=True)
    c = h - mean
    var = jnp.mean(c * c, axis=1, keepdims=True)
    o_ref[...] = (c * lax.rsqrt(var + 1e-12) * w_ref[2:3, :]
                  + w_ref[3:4, :])


def _ln_body_first(g_ref, pos_ref, seg_ref, w_ref, o_ref):
    _ln_math(g_ref, pos_ref, seg_ref, w_ref, o_ref)


def _ln_body_alias(buf_ref, g_ref, pos_ref, seg_ref, w_ref, o_ref):
    del buf_ref
    _ln_math(g_ref, pos_ref, seg_ref, w_ref, o_ref)


def kernel(input_ids, segment_ids, W_word, W_pos, W_type, gamma, beta):
    b, s = input_ids.shape
    vocab, d = W_word.shape
    n = b * s

    sizes = (1024, 1024, 1024, 1024)
    offs = (0, 1024, 2048, 3072)
    tss = (1024, 1024, 1024, 1024)

    ids = input_ids.astype(jnp.int32)
    ids_perm = jnp.concatenate(
        [ids[:, off:off + sk].reshape(b * sk)
         for off, sk in zip(offs, sizes)])
    seg_f = segment_ids.reshape(n, 1).astype(jnp.int8)
    w_small = jnp.concatenate(
        [W_type, gamma.reshape(1, d), beta.reshape(1, d)], axis=0)

    staged = [_make_sc_gather(d, b * off, b * sk, chunk=16, nbuf=6,
                              lag=4)(W_word, ids_perm)
              for off, sk in zip(offs, sizes)]

    out_buf = None
    for kk, (off, sk, ts) in enumerate(zip(offs, sizes, tss)):
        nblk = s // ts
        pb = sk // ts
        ob = off // ts
        g_spec = pl.BlockSpec((ts, d), lambda j, i, pb=pb: (i * pb + j, 0))
        pos_spec = pl.BlockSpec((ts, d), lambda j, i, ob=ob: (ob + j, 0))
        seg_spec = pl.BlockSpec(
            (ts, 1), lambda j, i, ob=ob: (i * nblk + ob + j, 0))
        w_spec = pl.BlockSpec((4, d), lambda j, i: (0, 0))
        out_spec = pl.BlockSpec(
            (ts, d), lambda j, i, ob=ob: (i * nblk + ob + j, 0))
        if out_buf is None:
            out_buf = pl.pallas_call(
                _ln_body_first,
                grid=(pb, b),
                in_specs=[g_spec, pos_spec, seg_spec, w_spec],
                out_specs=out_spec,
                out_shape=jax.ShapeDtypeStruct((n, d), jnp.float32),
            )(staged[kk], W_pos, seg_f, w_small)
        else:
            out_buf = pl.pallas_call(
                _ln_body_alias,
                grid=(pb, b),
                in_specs=[pl.BlockSpec((8, 128), lambda j, i: (0, 0)),
                          g_spec, pos_spec, seg_spec, w_spec],
                out_specs=out_spec,
                out_shape=jax.ShapeDtypeStruct((n, d), jnp.float32),
                input_output_aliases={0: 0},
            )(out_buf, staged[kk], W_pos, seg_f, w_small)

    return out_buf.reshape(b, s, d)

# --- scband reference (transcript-rebuilt; emitter-appended) ---
"""Pipeline reference for scband-embeddings-16965120819960 (READ-ONLY COPY).

The authoritative reference and input builder live on the scoring server;
editing this copy changes nothing except your own understanding.
"""

import jax, jax.numpy as jnp
import numpy as np

VOCAB = 100000
D_MODEL = 1024
MAX_LEN = 4096
BATCH = 4
SEQ = 4096


def setup_inputs(seed: int = 0) -> dict:
    key = jax.random.key(seed)
    k1, k2, k3, k4, k5 = jax.random.split(key, 5)
    input_ids = jax.random.randint(k1, (BATCH, SEQ), 0, VOCAB, dtype=jnp.int64 if jax.config.jax_enable_x64 else jnp.int32)
    segment_ids = jax.random.randint(k2, (BATCH, SEQ), 0, 2, dtype=jnp.int64 if jax.config.jax_enable_x64 else jnp.int32)
    W_word = jax.random.normal(k3, (VOCAB, D_MODEL), dtype=jnp.float32) * 0.02
    W_pos = jax.random.normal(k4, (MAX_LEN, D_MODEL), dtype=jnp.float32) * 0.02
    W_type = jax.random.normal(k5, (2, D_MODEL), dtype=jnp.float32) * 0.02
    gamma = jnp.ones((D_MODEL,), dtype=jnp.float32)
    beta = jnp.zeros((D_MODEL,), dtype=jnp.float32)
    return {
        "input_ids": input_ids,
        "segment_ids": segment_ids,
        "W_word": W_word,
        "W_pos": W_pos,
        "W_type": W_type,
        "gamma": gamma,
        "beta": beta,
    }


def reference(input_ids, segment_ids, W_word, W_pos, W_type, gamma, beta):
    # word embeddings: gather rows from table
    w_e = jnp.take(W_word, input_ids, axis=0)  # [B, S, D]
    # position embeddings: arange over seq, broadcast over batch
    pos_ids = jnp.arange(input_ids.shape[1])
    p_e = jnp.take(W_pos, pos_ids, axis=0)[None, :, :]  # [1, S, D]
    # token type embeddings
    t_e = jnp.take(W_type, segment_ids, axis=0)  # [B, S, D]
    h = w_e + p_e + t_e
    # LayerNorm over last dim
    mean = jnp.mean(h, axis=-1, keepdims=True)
    var = jnp.var(h, axis=-1, keepdims=True)
    norm = (h - mean) / jnp.sqrt(var + 1e-12)
    out = norm * gamma + beta
    # dropout is identity in eval/deterministic mode
    return out

if __name__ == "__main__":
    import jax
    _d = setup_inputs()
    print(jax.jit(kernel)(*tuple(_d.values())))

</pallas_src>

<mosaic_0001>
#map = affine_map<(d0, d1) -> (0, 0)>
#map1 = affine_map<(d0, d1) -> (0)>
module attributes {stable_mosaic.version = 14 : i64} {
  func.func @sc_gather(%arg0: i32, %arg1: i32, %arg2: memref<100000x1024xf32, #tpu.memory_space<hbm>>, %arg3: memref<16384xi32, #tpu.memory_space<hbm>>, %arg4: memref<4096x1024xf32, #tpu.memory_space<hbm>>, %arg5: memref<128xi32, #tpu.memory_space<vmem>>, %arg6: memref<16x1024xf32, #tpu.memory_space<vmem>>, %arg7: memref<16x1024xf32, #tpu.memory_space<vmem>>, %arg8: memref<16x1024xf32, #tpu.memory_space<vmem>>, %arg9: memref<16x1024xf32, #tpu.memory_space<vmem>>, %arg10: memref<16x1024xf32, #tpu.memory_space<vmem>>, %arg11: memref<16x1024xf32, #tpu.memory_space<vmem>>, %arg12: memref<!tpu.dma_semaphore, #tpu.memory_space<semaphore_mem>>, %arg13: memref<!tpu.dma_semaphore, #tpu.memory_space<semaphore_mem>>, %arg14: memref<!tpu.dma_semaphore, #tpu.memory_space<semaphore_mem>>, %arg15: memref<!tpu.dma_semaphore, #tpu.memory_space<semaphore_mem>>, %arg16: memref<!tpu.dma_semaphore, #tpu.memory_space<semaphore_mem>>, %arg17: memref<!tpu.dma_semaphore, #tpu.memory_space<semaphore_mem>>, %arg18: memref<!tpu.dma_semaphore, #tpu.memory_space<semaphore_mem>>, %arg19: memref<!tpu.dma_semaphore, #tpu.memory_space<semaphore_mem>>, %arg20: memref<!tpu.dma_semaphore, #tpu.memory_space<semaphore_mem>>, %arg21: memref<!tpu.dma_semaphore, #tpu.memory_space<semaphore_mem>>, %arg22: memref<!tpu.dma_semaphore, #tpu.memory_space<semaphore_mem>>, %arg23: memref<!tpu.dma_semaphore, #tpu.memory_space<semaphore_mem>>) attributes {dimension_semantics = [#tpu.dimension_semantics<core_parallel>, #tpu.dimension_semantics<subcore_parallel>], iteration_bounds = array<i64: 2, 16>, scalar_prefetch = 0 : i64, scratch_operands = 19 : i64, tpu.core_type = #tpu.core_type<sc_vector_subcore>, window_params = [{transform_indices = #map}, {transform_indices = #map1}, {transform_indices = #map}]} {
    %mul3A = arith.constant 2 : i32
    %mul3A_0 = arith.muli %arg1, %mul3A : i32
    %add3A = arith.addi %mul3A_0, %arg0 : i32
    %mul3A_1 = arith.constant 128 : i32
    %mul3A_2 = arith.muli %add3A, %mul3A_1 : i32
    %add3A_3 = arith.constant 4096 : i32
    %add3A_4 = arith.addi %add3A_3, %mul3A_2 : i32
    "tpu.region"() ({
      %run_scoped3A = tpu.sem_alloc : memref<!tpu.dma_semaphore, #tpu.memory_space<semaphore_mem>>
      %dma_start3A_163 = tpu.memref_slice %arg3[%add3A_4] : memref<16384xi32, #tpu.memory_space<hbm>> -> memref<128xi32, #tpu.memory_space<hbm>>
      %dma_start3A_164 = tpu.memref_slice %arg3[%add3A_4] : memref<16384xi32, #tpu.memory_space<hbm>> -> memref<128xi32, #tpu.memory_space<hbm>>
      tpu.enqueue_dma source(%dma_start3A_164 : memref<128xi32, #tpu.memory_space<hbm>>) target(%arg5 : memref<128xi32, #tpu.memory_space<vmem>>) target_semaphore(%run_scoped3A : memref<!tpu.dma_semaphore, #tpu.memory_space<semaphore_mem>>)
      %dma_wait3A_165 = tpu.memref_slice %arg3[%add3A_4] : memref<16384xi32, #tpu.memory_space<hbm>> -> memref<128xi32, #tpu.memory_space<hbm>>
      %dma_wait3A_166 = tpu.memref_slice %arg3[%add3A_4] : memref<16384xi32, #tpu.memory_space<hbm>> -> memref<128xi32, #tpu.memory_space<hbm>>
      tpu.wait_dma2 semaphore(%run_scoped3A : memref<!tpu.dma_semaphore, #tpu.memory_space<semaphore_mem>>) src(%dma_wait3A_166 : memref<128xi32, #tpu.memory_space<hbm>>) dst(%arg5 : memref<128xi32, #tpu.memory_space<vmem>>)
      tpu.yield
    }) : () -> ()
    %dma_start3A = arith.constant 0 : i32
    %dma_start3A_5 = tpu.memref_slice %arg5[%dma_start3A] : memref<128xi32, #tpu.memory_space<vmem>> -> memref<16xi32, #tpu.memory_space<vmem>>
    %dma_start3A_6 = arith.constant 0 : i32
    %dma_start3A_7 = arith.constant 0 : i32
    %dma_start3A_8 = tpu.memref_slice %arg2[%dma_start3A_6, %dma_start3A_7] : memref<100000x1024xf32, #tpu.memory_space<hbm>> -> memref<100000x1024xf32, #tpu.memory_space<hbm>>
    tpu.enqueue_indirect_dma source(%dma_start3A_8 : memref<100000x1024xf32, #tpu.memory_space<hbm>>) target(%arg6 : memref<16x1024xf32, #tpu.memory_space<vmem>>) offsets(%dma_start3A_5 : memref<16xi32, #tpu.memory_space<vmem>>) semaphore(%arg12 : memref<!tpu.dma_semaphore, #tpu.memory_space<semaphore_mem>>)
    %dma_start3A_9 = arith.constant 16 : i32
    %dma_start3A_10 = tpu.memref_slice %arg5[%dma_start3A_9] : memref<128xi32, #tpu.memory_space<vmem>> -> memref<16xi32, #tpu.memory_space<vmem>>
    %dma_start3A_11 = arith.constant 0 : i32
    %dma_start3A_12 = arith.constant 0 : i32
    %dma_start3A_13 = tpu.memref_slice %arg2[%dma_start3A_11, %dma_start3A_12] : memref<100000x1024xf32, #tpu.memory_space<hbm>> -> memref<100000x1024xf32, #tpu.memory_space<hbm>>
    tpu.enqueue_indirect_dma source(%dma_start3A_13 : memref<100000x1024xf32, #tpu.memory_space<hbm>>) target(%arg7 : memref<16x1024xf32, #tpu.memory_space<vmem>>) offsets(%dma_start3A_10 : memref<16xi32, #tpu.memory_space<vmem>>) semaphore(%arg13 : memref<!tpu.dma_semaphore, #tpu.memory_space<semaphore_mem>>)
    %dma_start3A_14 = arith.constant 32 : i32
    %dma_start3A_15 = tpu.memref_slice %arg5[%dma_start3A_14] : memref<128xi32, #tpu.memory_space<vmem>> -> memref<16xi32, #tpu.memory_space<vmem>>
    %dma_start3A_16 = arith.constant 0 : i32
    %dma_start3A_17 = arith.constant 0 : i32
    %dma_start3A_18 = tpu.memref_slice %arg2[%dma_start3A_16, %dma_start3A_17] : memref<100000x1024xf32, #tpu.memory_space<hbm>> -> memref<100000x1024xf32, #tpu.memory_space<hbm>>
    tpu.enqueue_indirect_dma source(%dma_start3A_18 : memref<100000x1024xf32, #tpu.memory_space<hbm>>) target(%arg8 : memref<16x1024xf32, #tpu.memory_space<vmem>>) offsets(%dma_start3A_15 : memref<16xi32, #tpu.memory_space<vmem>>) semaphore(%arg14 : memref<!tpu.dma_semaphore, #tpu.memory_space<semaphore_mem>>)
    %dma_start3A_19 = arith.constant 48 : i32
    %dma_start3A_20 = tpu.memref_slice %arg5[%dma_start3A_19] : memref<128xi32, #tpu.memory_space<vmem>> -> memref<16xi32, #tpu.memory_space<vmem>>
    %dma_start3A_21 = arith.constant 0 : i32
    %dma_start3A_22 = arith.constant 0 : i32
    %dma_start3A_23 = tpu.memref_slice %arg2[%dma_start3A_21, %dma_start3A_22] : memref<100000x1024xf32, #tpu.memory_space<hbm>> -> memref<100000x1024xf32, #tpu.memory_space<hbm>>
    tpu.enqueue_indirect_dma source(%dma_start3A_23 : memref<100000x1024xf32, #tpu.memory_space<hbm>>) target(%arg9 : memref<16x1024xf32, #tpu.memory_space<vmem>>) offsets(%dma_start3A_20 : memref<16xi32, #tpu.memory_space<vmem>>) semaphore(%arg15 : memref<!tpu.dma_semaphore, #tpu.memory_space<semaphore_mem>>)
    %dma_start3A_24 = arith.constant 64 : i32
    %dma_start3A_25 = tpu.memref_slice %arg5[%dma_start3A_24] : memref<128xi32, #tpu.memory_space<vmem>> -> memref<16xi32, #tpu.memory_space<vmem>>
    %dma_start3A_26 = arith.constant 0 : i32
    %dma_start3A_27 = arith.constant 0 : i32
    %dma_start3A_28 = tpu.memref_slice %arg2[%dma_start3A_26, %dma_start3A_27] : memref<100000x1024xf32, #tpu.memory_space<hbm>> -> memref<100000x1024xf32, #tpu.memory_space<hbm>>
    tpu.enqueue_indirect_dma source(%dma_start3A_28 : memref<100000x1024xf32, #tpu.memory_space<hbm>>) target(%arg10 : memref<16x1024xf32, #tpu.memory_space<vmem>>) offsets(%dma_start3A_25 : memref<16xi32, #tpu.memory_space<vmem>>) semaphore(%arg16 : memref<!tpu.dma_semaphore, #tpu.memory_space<semaphore_mem>>)
    %dma_wait3A = arith.constant 0 : i32
    %dma_wait3A_29 = tpu.memref_slice %arg5[%dma_wait3A] : memref<128xi32, #tpu.memory_space<vmem>> -> memref<16xi32, #tpu.memory_space<vmem>>
    %dma_wait3A_30 = arith.constant 0 : i32
    %dma_wait3A_31 = arith.constant 0 : i32
    %dma_wait3A_32 = tpu.memref_slice %arg2[%dma_wait3A_30, %dma_wait3A_31] : memref<100000x1024xf32, #tpu.memory_space<hbm>> -> memref<100000x1024xf32, #tpu.memory_space<hbm>>
    tpu.wait_indirect_dma semaphore(%arg12 : memref<!tpu.dma_semaphore, #tpu.memory_space<semaphore_mem>>) src(%dma_wait3A_32 : memref<100000x1024xf32, #tpu.memory_space<hbm>>) dst(%arg6 : memref<16x1024xf32, #tpu.memory_space<vmem>>)
    %add3A_33 = arith.constant 0 : i32
    %add3A_34 = arith.addi %mul3A_2, %add3A_33 : i32
    %dma_start3A_35 = arith.constant 0 : i32
    %dma_start3A_36 = tpu.memref_slice %arg4[%add3A_34, %dma_start3A_35] : memref<4096x1024xf32, #tpu.memory_space<hbm>> -> memref<16x1024xf32, #tpu.memory_space<hbm>>
    %dma_start3A_37 = arith.constant 0 : i32
    %dma_start3A_38 = tpu.memref_slice %arg4[%add3A_34, %dma_start3A_37] : memref<4096x1024xf32, #tpu.memory_space<hbm>> -> memref<16x1024xf32, #tpu.memory_space<hbm>>
    tpu.enqueue_dma source(%arg6 : memref<16x1024xf32, #tpu.memory_space<vmem>>) target(%dma_start3A_38 : memref<16x1024xf32, #tpu.memory_space<hbm>>) target_semaphore(%arg18 : memref<!tpu.dma_semaphore, #tpu.memory_space<semaphore_mem>>)
    %dma_start3A_39 = arith.constant 80 : i32
    %dma_start3A_40 = tpu.memref_slice %arg5[%dma_start3A_39] : memref<128xi32, #tpu.memory_space<vmem>> -> memref<16xi32, #tpu.memory_space<vmem>>
    %dma_start3A_41 = arith.constant 0 : i32
    %dma_start3A_42 = arith.constant 0 : i32
    %dma_start3A_43 = tpu.memref_slice %arg2[%dma_start3A_41, %dma_start3A_42] : memref<100000x1024xf32, #tpu.memory_space<hbm>> -> memref<100000x1024xf32, #tpu.memory_space<hbm>>
    tpu.enqueue_indirect_dma source(%dma_start3A_43 : memref<100000x1024xf32, #tpu.memory_space<hbm>>) target(%arg11 : memref<16x1024xf32, #tpu.memory_space<vmem>>) offsets(%dma_start3A_40 : memref<16xi32, #tpu.memory_space<vmem>>) semaphore(%arg17 : memref<!tpu.dma_semaphore, #tpu.memory_space<semaphore_mem>>)
    %dma_wait3A_44 = arith.constant 16 : i32
    %dma_wait3A_45 = tpu.memref_slice %arg5[%dma_wait3A_44] : memref<128xi32, #tpu.memory_space<vmem>> -> memref<16xi32, #tpu.memory_space<vmem>>
    %dma_wait3A_46 = arith.constant 0 : i32
    %dma_wait3A_47 = arith.constant 0 : i32
    %dma_wait3A_48 = tpu.memref_slice %arg2[%dma_wait3A_46, %dma_wait3A_47] : memref<100000x1024xf32, #tpu.memory_space<hbm>> -> memref<100000x1024xf32, #tpu.memory_space<hbm>>
    tpu.wait_indirect_dma semaphore(%arg13 : memref<!tpu.dma_semaphore, #tpu.memory_space<semaphore_mem>>) src(%dma_wait3A_48 : memref<100000x1024xf32, #tpu.memory_space<hbm>>) dst(%arg7 : memref<16x1024xf32, #tpu.memory_space<vmem>>)
    %add3A_49 = arith.constant 16 : i32
    %add3A_50 = arith.addi %mul3A_2, %add3A_49 : i32
    %dma_start3A_51 = arith.constant 0 : i32
    %dma_start3A_52 = tpu.memref_slice %arg4[%add3A_50, %dma_start3A_51] : memref<4096x1024xf32, #tpu.memory_space<hbm>> -> memref<16x1024xf32, #tpu.memory_space<hbm>>
    %dma_start3A_53 = arith.constant 0 : i32
    %dma_start3A_54 = tpu.memref_slice %arg4[%add3A_50, %dma_start3A_53] : memref<4096x1024xf32, #tpu.memory_space<hbm>> -> memref<16x1024xf32, #tpu.memory_space<hbm>>
    tpu.enqueue_dma source(%arg7 : memref<16x1024xf32, #tpu.memory_space<vmem>>) target(%dma_start3A_54 : memref<16x1024xf32, #tpu.memory_space<hbm>>) target_semaphore(%arg19 : memref<!tpu.dma_semaphore, #tpu.memory_space<semaphore_mem>>)
    %dma_wait3A_55 = arith.constant 0 : i32
    %dma_wait3A_56 = tpu.memref_slice %arg4[%add3A_34, %dma_wait3A_55] : memref<4096x1024xf32, #tpu.memory_space<hbm>> -> memref<16x1024xf32, #tpu.memory_space<hbm>>
    %dma_wait3A_57 = arith.constant 0 : i32
    %dma_wait3A_58 = tpu.memref_slice %arg4[%add3A_34, %dma_wait3A_57] : memref<4096x1024xf32, #tpu.memory_space<hbm>> -> memref<16x1024xf32, #tpu.memory_space<hbm>>
    tpu.wait_dma2 semaphore(%arg18 : memref<!tpu.dma_semaphore, #tpu.memory_space<semaphore_mem>>) src(%arg6 : memref<16x1024xf32, #tpu.memory_space<vmem>>) dst(%dma_wait3A_58 : memref<16x1024xf32, #tpu.memory_space<hbm>>)
    %dma_start3A_59 = arith.constant 96 : i32
    %dma_start3A_60 = tpu.memref_slice %arg5[%dma_start3A_59] : memref<128xi32, #tpu.memory_space<vmem>> -> memref<16xi32, #tpu.memory_space<vmem>>
    %dma_start3A_61 = arith.constant 0 : i32
    %dma_start3A_62 = arith.constant 0 : i32
    %dma_start3A_63 = tpu.memref_slice %arg2[%dma_start3A_61, %dma_start3A_62] : memref<100000x1024xf32, #tpu.memory_space<hbm>> -> memref<100000x1024xf32, #tpu.memory_space<hbm>>
    tpu.enqueue_indirect_dma source(%dma_start3A_63 : memref<100000x1024xf32, #tpu.memory_space<hbm>>) target(%arg6 : memref<16x1024xf32, #tpu.memory_space<vmem>>) offsets(%dma_start3A_60 : memref<16xi32, #tpu.memory_space<vmem>>) semaphore(%arg12 : memref<!tpu.dma_semaphore, #tpu.memory_space<semaphore_mem>>)
    %dma_wait3A_64 = arith.constant 32 : i32
    %dma_wait3A_65 = tpu.memref_slice %arg5[%dma_wait3A_64] : memref<128xi32, #tpu.memory_space<vmem>> -> memref<16xi32, #tpu.memory_space<vmem>>
    %dma_wait3A_66 = arith.constant 0 : i32
    %dma_wait3A_67 = arith.constant 0 : i32
    %dma_wait3A_68 = tpu.memref_slice %arg2[%dma_wait3A_66, %dma_wait3A_67] : memref<100000x1024xf32, #tpu.memory_space<hbm>> -> memref<100000x1024xf32, #tpu.memory_space<hbm>>
    tpu.wait_indirect_dma semaphore(%arg14 : memref<!tpu.dma_semaphore, #tpu.memory_space<semaphore_mem>>) src(%dma_wait3A_68 : memref<100000x1024xf32, #tpu.memory_space<hbm>>) dst(%arg8 : memref<16x1024xf32, #tpu.memory_space<vmem>>)
    %add3A_69 = arith.constant 32 : i32
    %add3A_70 = arith.addi %mul3A_2, %add3A_69 : i32
    %dma_start3A_71 = arith.constant 0 : i32
    %dma_start3A_72 = tpu.memref_slice %arg4[%add3A_70, %dma_start3A_71] : memref<4096x1024xf32, #tpu.memory_space<hbm>> -> memref<16x1024xf32, #tpu.memory_space<hbm>>
    %dma_start3A_73 = arith.constant 0 : i32
    %dma_start3A_74 = tpu.memref_slice %arg4[%add3A_70, %dma_start3A_73] : memref<4096x1024xf32, #tpu.memory_space<hbm>> -> memref<16x1024xf32, #tpu.memory_space<hbm>>
    tpu.enqueue_dma source(%arg8 : memref<16x1024xf32, #tpu.memory_space<vmem>>) target(%dma_start3A_74 : memref<16x1024xf32, #tpu.memory_space<hbm>>) target_semaphore(%arg20 : memref<!tpu.dma_semaphore, #tpu.memory_space<semaphore_mem>>)
    %dma_wait3A_75 = arith.constant 0 : i32
    %dma_wait3A_76 = tpu.memref_slice %arg4[%add3A_50, %dma_wait3A_75] : memref<4096x1024xf32, #tpu.memory_space<hbm>> -> memref<16x1024xf32, #tpu.memory_space<hbm>>
    %dma_wait3A_77 = arith.constant 0 : i32
    %dma_wait3A_78 = tpu.memref_slice %arg4[%add3A_50, %dma_wait3A_77] : memref<4096x1024xf32, #tpu.memory_space<hbm>> -> memref<16x1024xf32, #tpu.memory_space<hbm>>
    tpu.wait_dma2 semaphore(%arg19 : memref<!tpu.dma_semaphore, #tpu.memory_space<semaphore_mem>>) src(%arg7 : memref<16x1024xf32, #tpu.memory_space<vmem>>) dst(%dma_wait3A_78 : memref<16x1024xf32, #tpu.memory_space<hbm>>)
    %dma_start3A_79 = arith.constant 112 : i32
    %dma_start3A_80 = tpu.memref_slice %arg5[%dma_start3A_79] : memref<128xi32, #tpu.memory_space<vmem>> -> memref<16xi32, #tpu.memory_space<vmem>>
    %dma_start3A_81 = arith.constant 0 : i32
    %dma_start3A_82 = arith.constant 0 : i32
    %dma_start3A_83 = tpu.memref_slice %arg2[%dma_start3A_81, %dma_start3A_82] : memref<100000x1024xf32, #tpu.memory_space<hbm>> -> memref<100000x1024xf32, #tpu.memory_space<hbm>>
    tpu.enqueue_indirect_dma source(%dma_start3A_83 : memref<100000x1024xf32, #tpu.memory_space<hbm>>) target(%arg7 : memref<16x1024xf32, #tpu.memory_space<vmem>>) offsets(%dma_start3A_80 : memref<16xi32, #tpu.memory_space<vmem>>) semaphore(%arg13 : memref<!tpu.dma_semaphore, #tpu.memory_space<semaphore_mem>>)
    %dma_wait3A_84 = arith.constant 48 : i32
    %dma_wait3A_85 = tpu.memref_slice %arg5[%dma_wait3A_84] : memref<128xi32, #tpu.memory_space<vmem>> -> memref<16xi32, #tpu.memory_space<vmem>>
    %dma_wait3A_86 = arith.constant 0 : i32
    %dma_wait3A_87 = arith.constant 0 : i32
    %dma_wait3A_88 = tpu.memref_slice %arg2[%dma_wait3A_86, %dma_wait3A_87] : memref<100000x1024xf32, #tpu.memory_space<hbm>> -> memref<100000x1024xf32, #tpu.memory_space<hbm>>
    tpu.wait_indirect_dma semaphore(%arg15 : memref<!tpu.dma_semaphore, #tpu.memory_space<semaphore_mem>>) src(%dma_wait3A_88 : memref<100000x1024xf32, #tpu.memory_space<hbm>>) dst(%arg9 : memref<16x1024xf32, #tpu.memory_space<vmem>>)
    %add3A_89 = arith.constant 48 : i32
    %add3A_90 = arith.addi %mul3A_2, %add3A_89 : i32
    %dma_start3A_91 = arith.constant 0 : i32
    %dma_start3A_92 = tpu.memref_slice %arg4[%add3A_90, %dma_start3A_91] : memref<4096x1024xf32, #tpu.memory_space<hbm>> -> memref<16x1024xf32, #tpu.memory_space<hbm>>
    %dma_start3A_93 = arith.constant 0 : i32
    %dma_start3A_94 = tpu.memref_slice %arg4[%add3A_90, %dma_start3A_93] : memref<4096x1024xf32, #tpu.memory_space<hbm>> -> memref<16x1024xf32, #tpu.memory_space<hbm>>
    tpu.enqueue_dma source(%arg9 : memref<16x1024xf32, #tpu.memory_space<vmem>>) target(%dma_start3A_94 : memref<16x1024xf32, #tpu.memory_space<hbm>>) target_semaphore(%arg21 : memref<!tpu.dma_semaphore, #tpu.memory_space<semaphore_mem>>)
    %dma_wait3A_95 = arith.constant 64 : i32
    %dma_wait3A_96 = tpu.memref_slice %arg5[%dma_wait3A_95] : memref<128xi32, #tpu.memory_space<vmem>> -> memref<16xi32, #tpu.memory_space<vmem>>
    %dma_wait3A_97 = arith.constant 0 : i32
    %dma_wait3A_98 = arith.constant 0 : i32
    %dma_wait3A_99 = tpu.memref_slice %arg2[%dma_wait3A_97, %dma_wait3A_98] : memref<100000x1024xf32, #tpu.memory_space<hbm>> -> memref<100000x1024xf32, #tpu.memory_space<hbm>>
    tpu.wait_indirect_dma semaphore(%arg16 : memref<!tpu.dma_semaphore, #tpu.memory_space<semaphore_mem>>) src(%dma_wait3A_99 : memref<100000x1024xf32, #tpu.memory_space<hbm>>) dst(%arg10 : memref<16x1024xf32, #tpu.memory_space<vmem>>)
    %add3A_100 = arith.constant 64 : i32
    %add3A_101 = arith.addi %mul3A_2, %add3A_100 : i32
    %dma_start3A_102 = arith.constant 0 : i32
    %dma_start3A_103 = tpu.memref_slice %arg4[%add3A_101, %dma_start3A_102] : memref<4096x1024xf32, #tpu.memory_space<hbm>> -> memref<16x1024xf32, #tpu.memory_space<hbm>>
    %dma_start3A_104 = arith.constant 0 : i32
    %dma_start3A_105 = tpu.memref_slice %arg4[%add3A_101, %dma_start3A_104] : memref<4096x1024xf32, #tpu.memory_space<hbm>> -> memref<16x1024xf32, #tpu.memory_space<hbm>>
    tpu.enqueue_dma source(%arg10 : memref<16x1024xf32, #tpu.memory_space<vmem>>) target(%dma_start3A_105 : memref<16x1024xf32, #tpu.memory_space<hbm>>) target_semaphore(%arg22 : memref<!tpu.dma_semaphore, #tpu.memory_space<semaphore_mem>>)
    %dma_wait3A_106 = arith.constant 80 : i32
    %dma_wait3A_107 = tpu.memref_slice %arg5[%dma_wait3A_106] : memref<128xi32, #tpu.memory_space<vmem>> -> memref<16xi32, #tpu.memory_space<vmem>>
    %dma_wait3A_108 = arith.constant 0 : i32
    %dma_wait3A_109 = arith.constant 0 : i32
    %dma_wait3A_110 = tpu.memref_slice %arg2[%dma_wait3A_108, %dma_wait3A_109] : memref<100000x1024xf32, #tpu.memory_space<hbm>> -> memref<100000x1024xf32, #tpu.memory_space<hbm>>
    tpu.wait_indirect_dma semaphore(%arg17 : memref<!tpu.dma_semaphore, #tpu.memory_space<semaphore_mem>>) src(%dma_wait3A_110 : memref<100000x1024xf32, #tpu.memory_space<hbm>>) dst(%arg11 : memref<16x1024xf32, #tpu.memory_space<vmem>>)
    %add3A_111 = arith.constant 80 : i32
    %add3A_112 = arith.addi %mul3A_2, %add3A_111 : i32
    %dma_start3A_113 = arith.constant 0 : i32
    %dma_start3A_114 = tpu.memref_slice %arg4[%add3A_112, %dma_start3A_113] : memref<4096x1024xf32, #tpu.memory_space<hbm>> -> memref<16x1024xf32, #tpu.memory_space<hbm>>
    %dma_start3A_115 = arith.constant 0 : i32
    %dma_start3A_116 = tpu.memref_slice %arg4[%add3A_112, %dma_start3A_115] : memref<4096x1024xf32, #tpu.memory_space<hbm>> -> memref<16x1024xf32, #tpu.memory_space<hbm>>
    tpu.enqueue_dma source(%arg11 : memref<16x1024xf32, #tpu.memory_space<vmem>>) target(%dma_start3A_116 : memref<16x1024xf32, #tpu.memory_space<hbm>>) target_semaphore(%arg23 : memref<!tpu.dma_semaphore, #tpu.memory_space<semaphore_mem>>)
    %dma_wait3A_117 = arith.constant 96 : i32
    %dma_wait3A_118 = tpu.memref_slice %arg5[%dma_wait3A_117] : memref<128xi32, #tpu.memory_space<vmem>> -> memref<16xi32, #tpu.memory_space<vmem>>
    %dma_wait3A_119 = arith.constant 0 : i32
    %dma_wait3A_120 = arith.constant 0 : i32
    %dma_wait3A_121 = tpu.memref_slice %arg2[%dma_wait3A_119, %dma_wait3A_120] : memref<100000x1024xf32, #tpu.memory_space<hbm>> -> memref<100000x1024xf32, #tpu.memory_space<hbm>>
    tpu.wait_indirect_dma semaphore(%arg12 : memref<!tpu.dma_semaphore, #tpu.memory_space<semaphore_mem>>) src(%dma_wait3A_121 : memref<100000x1024xf32, #tpu.memory_space<hbm>>) dst(%arg6 : memref<16x1024xf32, #tpu.memory_space<vmem>>)
    %add3A_122 = arith.constant 96 : i32
    %add3A_123 = arith.addi %mul3A_2, %add3A_122 : i32
    %dma_start3A_124 = arith.constant 0 : i32
    %dma_start3A_125 = tpu.memref_slice %arg4[%add3A_123, %dma_start3A_124] : memref<4096x1024xf32, #tpu.memory_space<hbm>> -> memref<16x1024xf32, #tpu.memory_space<hbm>>
    %dma_start3A_126 = arith.constant 0 : i32
    %dma_start3A_127 = tpu.memref_slice %arg4[%add3A_123, %dma_start3A_126] : memref<4096x1024xf32, #tpu.memory_space<hbm>> -> memref<16x1024xf32, #tpu.memory_space<hbm>>
    tpu.enqueue_dma source(%arg6 : memref<16x1024xf32, #tpu.memory_space<vmem>>) target(%dma_start3A_127 : memref<16x1024xf32, #tpu.memory_space<hbm>>) target_semaphore(%arg18 : memref<!tpu.dma_semaphore, #tpu.memory_space<semaphore_mem>>)
    %dma_wait3A_128 = arith.constant 112 : i32
    %dma_wait3A_129 = tpu.memref_slice %arg5[%dma_wait3A_128] : memref<128xi32, #tpu.memory_space<vmem>> -> memref<16xi32, #tpu.memory_space<vmem>>
    %dma_wait3A_130 = arith.constant 0 : i32
    %dma_wait3A_131 = arith.constant 0 : i32
    %dma_wait3A_132 = tpu.memref_slice %arg2[%dma_wait3A_130, %dma_wait3A_131] : memref<100000x1024xf32, #tpu.memory_space<hbm>> -> memref<100000x1024xf32, #tpu.memory_space<hbm>>
    tpu.wait_indirect_dma semaphore(%arg13 : memref<!tpu.dma_semaphore, #tpu.memory_space<semaphore_mem>>) src(%dma_wait3A_132 : memref<100000x1024xf32, #tpu.memory_space<hbm>>) dst(%arg7 : memref<16x1024xf32, #tpu.memory_space<vmem>>)
    %add3A_133 = arith.constant 112 : i32
    %add3A_134 = arith.addi %mul3A_2, %add3A_133 : i32
    %dma_start3A_135 = arith.constant 0 : i32
    %dma_start3A_136 = tpu.memref_slice %arg4[%add3A_134, %dma_start3A_135] : memref<4096x1024xf32, #tpu.memory_space<hbm>> -> memref<16x1024xf32, #tpu.memory_space<hbm>>
    %dma_start3A_137 = arith.constant 0 : i32
    %dma_start3A_138 = tpu.memref_slice %arg4[%add3A_134, %dma_start3A_137] : memref<4096x1024xf32, #tpu.memory_space<hbm>> -> memref<16x1024xf32, #tpu.memory_space<hbm>>
    tpu.enqueue_dma source(%arg7 : memref<16x1024xf32, #tpu.memory_space<vmem>>) target(%dma_start3A_138 : memref<16x1024xf32, #tpu.memory_space<hbm>>) target_semaphore(%arg19 : memref<!tpu.dma_semaphore, #tpu.memory_space<semaphore_mem>>)
    %dma_wait3A_139 = arith.constant 0 : i32
    %dma_wait3A_140 = tpu.memref_slice %arg4[%add3A_123, %dma_wait3A_139] : memref<4096x1024xf32, #tpu.memory_space<hbm>> -> memref<16x1024xf32, #tpu.memory_space<hbm>>
    %dma_wait3A_141 = arith.constant 0 : i32
    %dma_wait3A_142 = tpu.memref_slice %arg4[%add3A_123, %dma_wait3A_141] : memref<4096x1024xf32, #tpu.memory_space<hbm>> -> memref<16x1024xf32, #tpu.memory_space<hbm>>
    tpu.wait_dma2 semaphore(%arg18 : memref<!tpu.dma_semaphore, #tpu.memory_space<semaphore_mem>>) src(%arg6 : memref<16x1024xf32, #tpu.memory_space<vmem>>) dst(%dma_wait3A_142 : memref<16x1024xf32, #tpu.memory_space<hbm>>)
    %dma_wait3A_143 = arith.constant 0 : i32
    %dma_wait3A_144 = tpu.memref_slice %arg4[%add3A_134, %dma_wait3A_143] : memref<4096x1024xf32, #tpu.memory_space<hbm>> -> memref<16x1024xf32, #tpu.memory_space<hbm>>
    %dma_wait3A_145 = arith.constant 0 : i32
    %dma_wait3A_146 = tpu.memref_slice %arg4[%add3A_134, %dma_wait3A_145] : memref<4096x1024xf32, #tpu.memory_space<hbm>> -> memref<16x1024xf32, #tpu.memory_space<hbm>>
    tpu.wait_dma2 semaphore(%arg19 : memref<!tpu.dma_semaphore, #tpu.memory_space<semaphore_mem>>) src(%arg7 : memref<16x1024xf32, #tpu.memory_space<vmem>>) dst(%dma_wait3A_146 : memref<16x1024xf32, #tpu.memory_space<hbm>>)
    %dma_wait3A_147 = arith.constant 0 : i32
    %dma_wait3A_148 = tpu.memref_slice %arg4[%add3A_70, %dma_wait3A_147] : memref<4096x1024xf32, #tpu.memory_space<hbm>> -> memref<16x1024xf32, #tpu.memory_space<hbm>>
    %dma_wait3A_149 = arith.constant 0 : i32
    %dma_wait3A_150 = tpu.memref_slice %arg4[%add3A_70, %dma_wait3A_149] : memref<4096x1024xf32, #tpu.memory_space<hbm>> -> memref<16x1024xf32, #tpu.memory_space<hbm>>
    tpu.wait_dma2 semaphore(%arg20 : memref<!tpu.dma_semaphore, #tpu.memory_space<semaphore_mem>>) src(%arg8 : memref<16x1024xf32, #tpu.memory_space<vmem>>) dst(%dma_wait3A_150 : memref<16x1024xf32, #tpu.memory_space<hbm>>)
    %dma_wait3A_151 = arith.constant 0 : i32
    %dma_wait3A_152 = tpu.memref_slice %arg4[%add3A_90, %dma_wait3A_151] : memref<4096x1024xf32, #tpu.memory_space<hbm>> -> memref<16x1024xf32, #tpu.memory_space<hbm>>
    %dma_wait3A_153 = arith.constant 0 : i32
    %dma_wait3A_154 = tpu.memref_slice %arg4[%add3A_90, %dma_wait3A_153] : memref<4096x1024xf32, #tpu.memory_space<hbm>> -> memref<16x1024xf32, #tpu.memory_space<hbm>>
    tpu.wait_dma2 semaphore(%arg21 : memref<!tpu.dma_semaphore, #tpu.memory_space<semaphore_mem>>) src(%arg9 : memref<16x1024xf32, #tpu.memory_space<vmem>>) dst(%dma_wait3A_154 : memref<16x1024xf32, #tpu.memory_space<hbm>>)
    %dma_wait3A_155 = arith.constant 0 : i32
    %dma_wait3A_156 = tpu.memref_slice %arg4[%add3A_101, %dma_wait3A_155] : memref<4096x1024xf32, #tpu.memory_space<hbm>> -> memref<16x1024xf32, #tpu.memory_space<hbm>>
    %dma_wait3A_157 = arith.constant 0 : i32
    %dma_wait3A_158 = tpu.memref_slice %arg4[%add3A_101, %dma_wait3A_157] : memref<4096x1024xf32, #tpu.memory_space<hbm>> -> memref<16x1024xf32, #tpu.memory_space<hbm>>
    tpu.wait_dma2 semaphore(%arg22 : memref<!tpu.dma_semaphore, #tpu.memory_space<semaphore_mem>>) src(%arg10 : memref<16x1024xf32, #tpu.memory_space<vmem>>) dst(%dma_wait3A_158 : memref<16x1024xf32, #tpu.memory_space<hbm>>)
    %dma_wait3A_159 = arith.constant 0 : i32
    %dma_wait3A_160 = tpu.memref_slice %arg4[%add3A_112, %dma_wait3A_159] : memref<4096x1024xf32, #tpu.memory_space<hbm>> -> memref<16x1024xf32, #tpu.memory_space<hbm>>
    %dma_wait3A_161 = arith.constant 0 : i32
    %dma_wait3A_162 = tpu.memref_slice %arg4[%add3A_112, %dma_wait3A_161] : memref<4096x1024xf32, #tpu.memory_space<hbm>> -> memref<16x1024xf32, #tpu.memory_space<hbm>>
    tpu.wait_dma2 semaphore(%arg23 : memref<!tpu.dma_semaphore, #tpu.memory_space<semaphore_mem>>) src(%arg11 : memref<16x1024xf32, #tpu.memory_space<vmem>>) dst(%dma_wait3A_162 : memref<16x1024xf32, #tpu.memory_space<hbm>>)
    return
  }
}

#map = affine_map<(d0, d1) -> (0, 0)>
#map1 = affine_map<(d0, d1) -> (0)>
module attributes {stable_mosaic.version = 14 : i64} {
  func.func @sc_gather(%arg0: i32, %arg1: i32, %arg2: memref<100000x1024xf32, #tpu.memory_space<hbm>>, %arg3: memref<16384xi32, #tpu.memory_space<hbm>>, %arg4: memref<4096x1024xf32, #tpu.memory_space<hbm>>, %arg5: memref<128xi32, #tpu.memory_space<vmem>>, %arg6: memref<16x1024xf32, #tpu.memory_space<vmem>>, %arg7: memref<16x1024xf32, #tpu.memory_space<vmem>>, %arg8: memref<16x1024xf32, #tpu.memory_space<vmem>>, %arg9: memref<16x1024xf32, #tpu.memory_space<vmem>>, %arg10: memref<16x1024xf32, #tpu.memory_space<vmem>>, %arg11: memref<16x1024xf32, #tpu.memory_space<vmem>>, %arg12: memref<!tpu.dma_semaphore, #tpu.memory_space<semaphore_mem>>, %arg13: memref<!tpu.dma_semaphore, #tpu.memory_space<semaphore_mem>>, %arg14: memref<!tpu.dma_semaphore, #tpu.memory_space<semaphore_mem>>, %arg15: memref<!tpu.dma_semaphore, #tpu.memory_space<semaphore_mem>>, %arg16: memref<!tpu.dma_semaphore, #tpu.memory_space<semaphore_mem>>, %arg17: memref<!tpu.dma_semaphore, #tpu.memory_space<semaphore_mem>>, %arg18: memref<!tpu.dma_semaphore, #tpu.memory_space<semaphore_mem>>, %arg19: memref<!tpu.dma_semaphore, #tpu.memory_space<semaphore_mem>>, %arg20: memref<!tpu.dma_semaphore, #tpu.memory_space<semaphore_mem>>, %arg21: memref<!tpu.dma_semaphore, #tpu.memory_space<semaphore_mem>>, %arg22: memref<!tpu.dma_semaphore, #tpu.memory_space<semaphore_mem>>, %arg23: memref<!tpu.dma_semaphore, #tpu.memory_space<semaphore_mem>>) attributes {dimension_semantics = [#tpu.dimension_semantics<core_parallel>, #tpu.dimension_semantics<subcore_parallel>], iteration_bounds = array<i64: 2, 16>, scalar_prefetch = 0 : i64, scratch_operands = 19 : i64, tpu.core_type = #tpu.core_type<sc_vector_subcore>, window_params = [{transform_indices = #map}, {transform_indices = #map1}, {transform_indices = #map}]} {
    %mul3A = arith.constant 2 : i32
    %mul3A_0 = arith.muli %arg1, %mul3A : i32
    %add3A = arith.addi %mul3A_0, %arg0 : i32
    %mul3A_1 = arith.constant 128 : i32
    %mul3A_2 = arith.muli %add3A, %mul3A_1 : i32
    %add3A_3 = arith.constant 12288 : i32
    %add3A_4 = arith.addi %add3A_3, %mul3A_2 : i32
    "tpu.region"() ({
      %run_scoped3A = tpu.sem_alloc : memref<!tpu.dma_semaphore, #tpu.memory_space<semaphore_mem>>
      %dma_start3A_163 = tpu.memref_slice %arg3[%add3A_4] : memref<16384xi32, #tpu.memory_space<hbm>> -> memref<128xi32, #tpu.memory_space<hbm>>
      %dma_start3A_164 = tpu.memref_slice %arg3[%add3A_4] : memref<16384xi32, #tpu.memory_space<hbm>> -> memref<128xi32, #tpu.memory_space<hbm>>
      tpu.enqueue_dma source(%dma_start3A_164 : memref<128xi32, #tpu.memory_space<hbm>>) target(%arg5 : memref<128xi32, #tpu.memory_space<vmem>>) target_semaphore(%run_scoped3A : memref<!tpu.dma_semaphore, #tpu.memory_space<semaphore_mem>>)
      %dma_wait3A_165 = tpu.memref_slice %arg3[%add3A_4] : memref<16384xi32, #tpu.memory_space<hbm>> -> memref<128xi32, #tpu.memory_space<hbm>>
      %dma_wait3A_166 = tpu.memref_slice %arg3[%add3A_4] : memref<16384xi32, #tpu.memory_space<hbm>> -> memref<128xi32, #tpu.memory_space<hbm>>
      tpu.wait_dma2 semaphore(%run_scoped3A : memref<!tpu.dma_semaphore, #tpu.memory_space<semaphore_mem>>) src(%dma_wait3A_166 : memref<128xi32, #tpu.memory_space<hbm>>) dst(%arg5 : memref<128xi32, #tpu.memory_space<vmem>>)
      tpu.yield
    }) : () -> ()
    %dma_start3A = arith.constant 0 : i32
    %dma_start3A_5 = tpu.memref_slice %arg5[%dma_start3A] : memref<128xi32, #tpu.memory_space<vmem>> -> memref<16xi32, #tpu.memory_space<vmem>>
    %dma_start3A_6 = arith.constant 0 : i32
    %dma_start3A_7 = arith.constant 0 : i32
    %dma_start3A_8 = tpu.memref_slice %arg2[%dma_start3A_6, %dma_start3A_7] : memref<100000x1024xf32, #tpu.memory_space<hbm>> -> memref<100000x1024xf32, #tpu.memory_space<hbm>>
    tpu.enqueue_indirect_dma source(%dma_start3A_8 : memref<100000x1024xf32, #tpu.memory_space<hbm>>) target(%arg6 : memref<16x1024xf32, #tpu.memory_space<vmem>>) offsets(%dma_start3A_5 : memref<16xi32, #tpu.memory_space<vmem>>) semaphore(%arg12 : memref<!tpu.dma_semaphore, #tpu.memory_space<semaphore_mem>>)
    %dma_start3A_9 = arith.constant 16 : i32
    %dma_start3A_10 = tpu.memref_slice %arg5[%dma_start3A_9] : memref<128xi32, #tpu.memory_space<vmem>> -> memref<16xi32, #tpu.memory_space<vmem>>
    %dma_start3A_11 = arith.constant 0 : i32
    %dma_start3A_12 = arith.constant 0 : i32
    %dma_start3A_13 = tpu.memref_slice %arg2[%dma_start3A_11, %dma_start3A_12] : memref<100000x1024xf32, #tpu.memory_space<hbm>> -> memref<100000x1024xf32, #tpu.memory_space<hbm>>
    tpu.enqueue_indirect_dma source(%dma_start3A_13 : memref<100000x1024xf32, #tpu.memory_space<hbm>>) target(%arg7 : memref<16x1024xf32, #tpu.memory_space<vmem>>) offsets(%dma_start3A_10 : memref<16xi32, #tpu.memory_space<vmem>>) semaphore(%arg13 : memref<!tpu.dma_semaphore, #tpu.memory_space<semaphore_mem>>)
    %dma_start3A_14 = arith.constant 32 : i32
    %dma_start3A_15 = tpu.memref_slice %arg5[%dma_start3A_14] : memref<128xi32, #tpu.memory_space<vmem>> -> memref<16xi32, #tpu.memory_space<vmem>>
    %dma_start3A_16 = arith.constant 0 : i32
    %dma_start3A_17 = arith.constant 0 : i32
    %dma_start3A_18 = tpu.memref_slice %arg2[%dma_start3A_16, %dma_start3A_17] : memref<100000x1024xf32, #tpu.memory_space<hbm>> -> memref<100000x1024xf32, #tpu.memory_space<hbm>>
    tpu.enqueue_indirect_dma source(%dma_start3A_18 : memref<100000x1024xf32, #tpu.memory_space<hbm>>) target(%arg8 : memref<16x1024xf32, #tpu.memory_space<vmem>>) offsets(%dma_start3A_15 : memref<16xi32, #tpu.memory_space<vmem>>) semaphore(%arg14 : memref<!tpu.dma_semaphore, #tpu.memory_space<semaphore_mem>>)
    %dma_start3A_19 = arith.constant 48 : i32
    %dma_start3A_20 = tpu.memref_slice %arg5[%dma_start3A_19] : memref<128xi32, #tpu.memory_space<vmem>> -> memref<16xi32, #tpu.memory_space<vmem>>
    %dma_start3A_21 = arith.constant 0 : i32
    %dma_start3A_22 = arith.constant 0 : i32
    %dma_start3A_23 = tpu.memref_slice %arg2[%dma_start3A_21, %dma_start3A_22] : memref<100000x1024xf32, #tpu.memory_space<hbm>> -> memref<100000x1024xf32, #tpu.memory_space<hbm>>
    tpu.enqueue_indirect_dma source(%dma_start3A_23 : memref<100000x1024xf32, #tpu.memory_space<hbm>>) target(%arg9 : memref<16x1024xf32, #tpu.memory_space<vmem>>) offsets(%dma_start3A_20 : memref<16xi32, #tpu.memory_space<vmem>>) semaphore(%arg15 : memref<!tpu.dma_semaphore, #tpu.memory_space<semaphore_mem>>)
    %dma_start3A_24 = arith.constant 64 : i32
    %dma_start3A_25 = tpu.memref_slice %arg5[%dma_start3A_24] : memref<128xi32, #tpu.memory_space<vmem>> -> memref<16xi32, #tpu.memory_space<vmem>>
    %dma_start3A_26 = arith.constant 0 : i32
    %dma_start3A_27 = arith.constant 0 : i32
    %dma_start3A_28 = tpu.memref_slice %arg2[%dma_start3A_26, %dma_start3A_27] : memref<100000x1024xf32, #tpu.memory_space<hbm>> -> memref<100000x1024xf32, #tpu.memory_space<hbm>>
    tpu.enqueue_indirect_dma source(%dma_start3A_28 : memref<100000x1024xf32, #tpu.memory_space<hbm>>) target(%arg10 : memref<16x1024xf32, #tpu.memory_space<vmem>>) offsets(%dma_start3A_25 : memref<16xi32, #tpu.memory_space<vmem>>) semaphore(%arg16 : memref<!tpu.dma_semaphore, #tpu.memory_space<semaphore_mem>>)
    %dma_wait3A = arith.constant 0 : i32
    %dma_wait3A_29 = tpu.memref_slice %arg5[%dma_wait3A] : memref<128xi32, #tpu.memory_space<vmem>> -> memref<16xi32, #tpu.memory_space<vmem>>
    %dma_wait3A_30 = arith.constant 0 : i32
    %dma_wait3A_31 = arith.constant 0 : i32
    %dma_wait3A_32 = tpu.memref_slice %arg2[%dma_wait3A_30, %dma_wait3A_31] : memref<100000x1024xf32, #tpu.memory_space<hbm>> -> memref<100000x1024xf32, #tpu.memory_space<hbm>>
    tpu.wait_indirect_dma semaphore(%arg12 : memref<!tpu.dma_semaphore, #tpu.memory_space<semaphore_mem>>) src(%dma_wait3A_32 : memref<100000x1024xf32, #tpu.memory_space<hbm>>) dst(%arg6 : memref<16x1024xf32, #tpu.memory_space<vmem>>)
    %add3A_33 = arith.constant 0 : i32
    %add3A_34 = arith.addi %mul3A_2, %add3A_33 : i32
    %dma_start3A_35 = arith.constant 0 : i32
    %dma_start3A_36 = tpu.memref_slice %arg4[%add3A_34, %dma_start3A_35] : memref<4096x1024xf32, #tpu.memory_space<hbm>> -> memref<16x1024xf32, #tpu.memory_space<hbm>>
    %dma_start3A_37 = arith.constant 0 : i32
    %dma_start3A_38 = tpu.memref_slice %arg4[%add3A_34, %dma_start3A_37] : memref<4096x1024xf32, #tpu.memory_space<hbm>> -> memref<16x1024xf32, #tpu.memory_space<hbm>>
    tpu.enqueue_dma source(%arg6 : memref<16x1024xf32, #tpu.memory_space<vmem>>) target(%dma_start3A_38 : memref<16x1024xf32, #tpu.memory_space<hbm>>) target_semaphore(%arg18 : memref<!tpu.dma_semaphore, #tpu.memory_space<semaphore_mem>>)
    %dma_start3A_39 = arith.constant 80 : i32
    %dma_start3A_40 = tpu.memref_slice %arg5[%dma_start3A_39] : memref<128xi32, #tpu.memory_space<vmem>> -> memref<16xi32, #tpu.memory_space<vmem>>
    %dma_start3A_41 = arith.constant 0 : i32
    %dma_start3A_42 = arith.constant 0 : i32
    %dma_start3A_43 = tpu.memref_slice %arg2[%dma_start3A_41, %dma_start3A_42] : memref<100000x1024xf32, #tpu.memory_space<hbm>> -> memref<100000x1024xf32, #tpu.memory_space<hbm>>
    tpu.enqueue_indirect_dma source(%dma_start3A_43 : memref<100000x1024xf32, #tpu.memory_space<hbm>>) target(%arg11 : memref<16x1024xf32, #tpu.memory_space<vmem>>) offsets(%dma_start3A_40 : memref<16xi32, #tpu.memory_space<vmem>>) semaphore(%arg17 : memref<!tpu.dma_semaphore, #tpu.memory_space<semaphore_mem>>)
    %dma_wait3A_44 = arith.constant 16 : i32
    %dma_wait3A_45 = tpu.memref_slice %arg5[%dma_wait3A_44] : memref<128xi32, #tpu.memory_space<vmem>> -> memref<16xi32, #tpu.memory_space<vmem>>
    %dma_wait3A_46 = arith.constant 0 : i32
    %dma_wait3A_47 = arith.constant 0 : i32
    %dma_wait3A_48 = tpu.memref_slice %arg2[%dma_wait3A_46, %dma_wait3A_47] : memref<100000x1024xf32, #tpu.memory_space<hbm>> -> memref<100000x1024xf32, #tpu.memory_space<hbm>>
    tpu.wait_indirect_dma semaphore(%arg13 : memref<!tpu.dma_semaphore, #tpu.memory_space<semaphore_mem>>) src(%dma_wait3A_48 : memref<100000x1024xf32, #tpu.memory_space<hbm>>) dst(%arg7 : memref<16x1024xf32, #tpu.memory_space<vmem>>)
    %add3A_49 = arith.constant 16 : i32
    %add3A_50 = arith.addi %mul3A_2, %add3A_49 : i32
    %dma_start3A_51 = arith.constant 0 : i32
    %dma_start3A_52 = tpu.memref_slice %arg4[%add3A_50, %dma_start3A_51] : memref<4096x1024xf32, #tpu.memory_space<hbm>> -> memref<16x1024xf32, #tpu.memory_space<hbm>>
    %dma_start3A_53 = arith.constant 0 : i32
    %dma_start3A_54 = tpu.memref_slice %arg4[%add3A_50, %dma_start3A_53] : memref<4096x1024xf32, #tpu.memory_space<hbm>> -> memref<16x1024xf32, #tpu.memory_space<hbm>>
    tpu.enqueue_dma source(%arg7 : memref<16x1024xf32, #tpu.memory_space<vmem>>) target(%dma_start3A_54 : memref<16x1024xf32, #tpu.memory_space<hbm>>) target_semaphore(%arg19 : memref<!tpu.dma_semaphore, #tpu.memory_space<semaphore_mem>>)
    %dma_wait3A_55 = arith.constant 0 : i32
    %dma_wait3A_56 = tpu.memref_slice %arg4[%add3A_34, %dma_wait3A_55] : memref<4096x1024xf32, #tpu.memory_space<hbm>> -> memref<16x1024xf32, #tpu.memory_space<hbm>>
    %dma_wait3A_57 = arith.constant 0 : i32
    %dma_wait3A_58 = tpu.memref_slice %arg4[%add3A_34, %dma_wait3A_57] : memref<4096x1024xf32, #tpu.memory_space<hbm>> -> memref<16x1024xf32, #tpu.memory_space<hbm>>
    tpu.wait_dma2 semaphore(%arg18 : memref<!tpu.dma_semaphore, #tpu.memory_space<semaphore_mem>>) src(%arg6 : memref<16x1024xf32, #tpu.memory_space<vmem>>) dst(%dma_wait3A_58 : memref<16x1024xf32, #tpu.memory_space<hbm>>)
    %dma_start3A_59 = arith.constant 96 : i32
    %dma_start3A_60 = tpu.memref_slice %arg5[%dma_start3A_59] : memref<128xi32, #tpu.memory_space<vmem>> -> memref<16xi32, #tpu.memory_space<vmem>>
    %dma_start3A_61 = arith.constant 0 : i32
    %dma_start3A_62 = arith.constant 0 : i32
    %dma_start3A_63 = tpu.memref_slice %arg2[%dma_start3A_61, %dma_start3A_62] : memref<100000x1024xf32, #tpu.memory_space<hbm>> -> memref<100000x1024xf32, #tpu.memory_space<hbm>>
    tpu.enqueue_indirect_dma source(%dma_start3A_63 : memref<100000x1024xf32, #tpu.memory_space<hbm>>) target(%arg6 : memref<16x1024xf32, #tpu.memory_space<vmem>>) offsets(%dma_start3A_60 : memref<16xi32, #tpu.memory_space<vmem>>) semaphore(%arg12 : memref<!tpu.dma_semaphore, #tpu.memory_space<semaphore_mem>>)
    %dma_wait3A_64 = arith.constant 32 : i32
    %dma_wait3A_65 = tpu.memref_slice %arg5[%dma_wait3A_64] : memref<128xi32, #tpu.memory_space<vmem>> -> memref<16xi32, #tpu.memory_space<vmem>>
    %dma_wait3A_66 = arith.constant 0 : i32
    %dma_wait3A_67 = arith.constant 0 : i32
    %dma_wait3A_68 = tpu.memref_slice %arg2[%dma_wait3A_66, %dma_wait3A_67] : memref<100000x1024xf32, #tpu.memory_space<hbm>> -> memref<100000x1024xf32, #tpu.memory_space<hbm>>
    tpu.wait_indirect_dma semaphore(%arg14 : memref<!tpu.dma_semaphore, #tpu.memory_space<semaphore_mem>>) src(%dma_wait3A_68 : memref<100000x1024xf32, #tpu.memory_space<hbm>>) dst(%arg8 : memref<16x1024xf32, #tpu.memory_space<vmem>>)
    %add3A_69 = arith.constant 32 : i32
    %add3A_70 = arith.addi %mul3A_2, %add3A_69 : i32
    %dma_start3A_71 = arith.constant 0 : i32
    %dma_start3A_72 = tpu.memref_slice %arg4[%add3A_70, %dma_start3A_71] : memref<4096x1024xf32, #tpu.memory_space<hbm>> -> memref<16x1024xf32, #tpu.memory_space<hbm>>
    %dma_start3A_73 = arith.constant 0 : i32
    %dma_start3A_74 = tpu.memref_slice %arg4[%add3A_70, %dma_start3A_73] : memref<4096x1024xf32, #tpu.memory_space<hbm>> -> memref<16x1024xf32, #tpu.memory_space<hbm>>
    tpu.enqueue_dma source(%arg8 : memref<16x1024xf32, #tpu.memory_space<vmem>>) target(%dma_start3A_74 : memref<16x1024xf32, #tpu.memory_space<hbm>>) target_semaphore(%arg20 : memref<!tpu.dma_semaphore, #tpu.memory_space<semaphore_mem>>)
    %dma_wait3A_75 = arith.constant 0 : i32
    %dma_wait3A_76 = tpu.memref_slice %arg4[%add3A_50, %dma_wait3A_75] : memref<4096x1024xf32, #tpu.memory_space<hbm>> -> memref<16x1024xf32, #tpu.memory_space<hbm>>
    %dma_wait3A_77 = arith.constant 0 : i32
    %dma_wait3A_78 = tpu.memref_slice %arg4[%add3A_50, %dma_wait3A_77] : memref<4096x1024xf32, #tpu.memory_space<hbm>> -> memref<16x1024xf32, #tpu.memory_space<hbm>>
    tpu.wait_dma2 semaphore(%arg19 : memref<!tpu.dma_semaphore, #tpu.memory_space<semaphore_mem>>) src(%arg7 : memref<16x1024xf32, #tpu.memory_space<vmem>>) dst(%dma_wait3A_78 : memref<16x1024xf32, #tpu.memory_space<hbm>>)
    %dma_start3A_79 = arith.constant 112 : i32
    %dma_start3A_80 = tpu.memref_slice %arg5[%dma_start3A_79] : memref<128xi32, #tpu.memory_space<vmem>> -> memref<16xi32, #tpu.memory_space<vmem>>
    %dma_start3A_81 = arith.constant 0 : i32
    %dma_start3A_82 = arith.constant 0 : i32
    %dma_start3A_83 = tpu.memref_slice %arg2[%dma_start3A_81, %dma_start3A_82] : memref<100000x1024xf32, #tpu.memory_space<hbm>> -> memref<100000x1024xf32, #tpu.memory_space<hbm>>
    tpu.enqueue_indirect_dma source(%dma_start3A_83 : memref<100000x1024xf32, #tpu.memory_space<hbm>>) target(%arg7 : memref<16x1024xf32, #tpu.memory_space<vmem>>) offsets(%dma_start3A_80 : memref<16xi32, #tpu.memory_space<vmem>>) semaphore(%arg13 : memref<!tpu.dma_semaphore, #tpu.memory_space<semaphore_mem>>)
    %dma_wait3A_84 = arith.constant 48 : i32
    %dma_wait3A_85 = tpu.memref_slice %arg5[%dma_wait3A_84] : memref<128xi32, #tpu.memory_space<vmem>> -> memref<16xi32, #tpu.memory_space<vmem>>
    %dma_wait3A_86 = arith.constant 0 : i32
    %dma_wait3A_87 = arith.constant 0 : i32
    %dma_wait3A_88 = tpu.memref_slice %arg2[%dma_wait3A_86, %dma_wait3A_87] : memref<100000x1024xf32, #tpu.memory_space<hbm>> -> memref<100000x1024xf32, #tpu.memory_space<hbm>>
    tpu.wait_indirect_dma semaphore(%arg15 : memref<!tpu.dma_semaphore, #tpu.memory_space<semaphore_mem>>) src(%dma_wait3A_88 : memref<100000x1024xf32, #tpu.memory_space<hbm>>) dst(%arg9 : memref<16x1024xf32, #tpu.memory_space<vmem>>)
    %add3A_89 = arith.constant 48 : i32
    %add3A_90 = arith.addi %mul3A_2, %add3A_89 : i32
    %dma_start3A_91 = arith.constant 0 : i32
    %dma_start3A_92 = tpu.memref_slice %arg4[%add3A_90, %dma_start3A_91] : memref<4096x1024xf32, #tpu.memory_space<hbm>> -> memref<16x1024xf32, #tpu.memory_space<hbm>>
    %dma_start3A_93 = arith.constant 0 : i32
    %dma_start3A_94 = tpu.memref_slice %arg4[%add3A_90, %dma_start3A_93] : memref<4096x1024xf32, #tpu.memory_space<hbm>> -> memref<16x1024xf32, #tpu.memory_space<hbm>>
    tpu.enqueue_dma source(%arg9 : memref<16x1024xf32, #tpu.memory_space<vmem>>) target(%dma_start3A_94 : memref<16x1024xf32, #tpu.memory_space<hbm>>) target_semaphore(%arg21 : memref<!tpu.dma_semaphore, #tpu.memory_space<semaphore_mem>>)
    %dma_wait3A_95 = arith.constant 64 : i32
    %dma_wait3A_96 = tpu.memref_slice %arg5[%dma_wait3A_95] : memref<128xi32, #tpu.memory_space<vmem>> -> memref<16xi32, #tpu.memory_space<vmem>>
    %dma_wait3A_97 = arith.constant 0 : i32
    %dma_wait3A_98 = arith.constant 0 : i32
    %dma_wait3A_99 = tpu.memref_slice %arg2[%dma_wait3A_97, %dma_wait3A_98] : memref<100000x1024xf32, #tpu.memory_space<hbm>> -> memref<100000x1024xf32, #tpu.memory_space<hbm>>
    tpu.wait_indirect_dma semaphore(%arg16 : memref<!tpu.dma_semaphore, #tpu.memory_space<semaphore_mem>>) src(%dma_wait3A_99 : memref<100000x1024xf32, #tpu.memory_space<hbm>>) dst(%arg10 : memref<16x1024xf32, #tpu.memory_space<vmem>>)
    %add3A_100 = arith.constant 64 : i32
    %add3A_101 = arith.addi %mul3A_2, %add3A_100 : i32
    %dma_start3A_102 = arith.constant 0 : i32
    %dma_start3A_103 = tpu.memref_slice %arg4[%add3A_101, %dma_start3A_102] : memref<4096x1024xf32, #tpu.memory_space<hbm>> -> memref<16x1024xf32, #tpu.memory_space<hbm>>
    %dma_start3A_104 = arith.constant 0 : i32
    %dma_start3A_105 = tpu.memref_slice %arg4[%add3A_101, %dma_start3A_104] : memref<4096x1024xf32, #tpu.memory_space<hbm>> -> memref<16x1024xf32, #tpu.memory_space<hbm>>
    tpu.enqueue_dma source(%arg10 : memref<16x1024xf32, #tpu.memory_space<vmem>>) target(%dma_start3A_105 : memref<16x1024xf32, #tpu.memory_space<hbm>>) target_semaphore(%arg22 : memref<!tpu.dma_semaphore, #tpu.memory_space<semaphore_mem>>)
    %dma_wait3A_106 = arith.constant 80 : i32
    %dma_wait3A_107 = tpu.memref_slice %arg5[%dma_wait3A_106] : memref<128xi32, #tpu.memory_space<vmem>> -> memref<16xi32, #tpu.memory_space<vmem>>
    %dma_wait3A_108 = arith.constant 0 : i32
    %dma_wait3A_109 = arith.constant 0 : i32
    %dma_wait3A_110 = tpu.memref_slice %arg2[%dma_wait3A_108, %dma_wait3A_109] : memref<100000x1024xf32, #tpu.memory_space<hbm>> -> memref<100000x1024xf32, #tpu.memory_space<hbm>>
    tpu.wait_indirect_dma semaphore(%arg17 : memref<!tpu.dma_semaphore, #tpu.memory_space<semaphore_mem>>) src(%dma_wait3A_110 : memref<100000x1024xf32, #tpu.memory_space<hbm>>) dst(%arg11 : memref<16x1024xf32, #tpu.memory_space<vmem>>)
    %add3A_111 = arith.constant 80 : i32
    %add3A_112 = arith.addi %mul3A_2, %add3A_111 : i32
    %dma_start3A_113 = arith.constant 0 : i32
    %dma_start3A_114 = tpu.memref_slice %arg4[%add3A_112, %dma_start3A_113] : memref<4096x1024xf32, #tpu.memory_space<hbm>> -> memref<16x1024xf32, #tpu.memory_space<hbm>>
    %dma_start3A_115 = arith.constant 0 : i32
    %dma_start3A_116 = tpu.memref_slice %arg4[%add3A_112, %dma_start3A_115] : memref<4096x1024xf32, #tpu.memory_space<hbm>> -> memref<16x1024xf32, #tpu.memory_space<hbm>>
    tpu.enqueue_dma source(%arg11 : memref<16x1024xf32, #tpu.memory_space<vmem>>) target(%dma_start3A_116 : memref<16x1024xf32, #tpu.memory_space<hbm>>) target_semaphore(%arg23 : memref<!tpu.dma_semaphore, #tpu.memory_space<semaphore_mem>>)
    %dma_wait3A_117 = arith.constant 96 : i32
    %dma_wait3A_118 = tpu.memref_slice %arg5[%dma_wait3A_117] : memref<128xi32, #tpu.memory_space<vmem>> -> memref<16xi32, #tpu.memory_space<vmem>>
    %dma_wait3A_119 = arith.constant 0 : i32
    %dma_wait3A_120 = arith.constant 0 : i32
    %dma_wait3A_121 = tpu.memref_slice %arg2[%dma_wait3A_119, %dma_wait3A_120] : memref<100000x1024xf32, #tpu.memory_space<hbm>> -> memref<100000x1024xf32, #tpu.memory_space<hbm>>
    tpu.wait_indirect_dma semaphore(%arg12 : memref<!tpu.dma_semaphore, #tpu.memory_space<semaphore_mem>>) src(%dma_wait3A_121 : memref<100000x1024xf32, #tpu.memory_space<hbm>>) dst(%arg6 : memref<16x1024xf32, #tpu.memory_space<vmem>>)
    %add3A_122 = arith.constant 96 : i32
    %add3A_123 = arith.addi %mul3A_2, %add3A_122 : i32
    %dma_start3A_124 = arith.constant 0 : i32
    %dma_start3A_125 = tpu.memref_slice %arg4[%add3A_123, %dma_start3A_124] : memref<4096x1024xf32, #tpu.memory_space<hbm>> -> memref<16x1024xf32, #tpu.memory_space<hbm>>
    %dma_start3A_126 = arith.constant 0 : i32
    %dma_start3A_127 = tpu.memref_slice %arg4[%add3A_123, %dma_start3A_126] : memref<4096x1024xf32, #tpu.memory_space<hbm>> -> memref<16x1024xf32, #tpu.memory_space<hbm>>
    tpu.enqueue_dma source(%arg6 : memref<16x1024xf32, #tpu.memory_space<vmem>>) target(%dma_start3A_127 : memref<16x1024xf32, #tpu.memory_space<hbm>>) target_semaphore(%arg18 : memref<!tpu.dma_semaphore, #tpu.memory_space<semaphore_mem>>)
    %dma_wait3A_128 = arith.constant 112 : i32
    %dma_wait3A_129 = tpu.memref_slice %arg5[%dma_wait3A_128] : memref<128xi32, #tpu.memory_space<vmem>> -> memref<16xi32, #tpu.memory_space<vmem>>
    %dma_wait3A_130 = arith.constant 0 : i32
    %dma_wait3A_131 = arith.constant 0 : i32
    %dma_wait3A_132 = tpu.memref_slice %arg2[%dma_wait3A_130, %dma_wait3A_131] : memref<100000x1024xf32, #tpu.memory_space<hbm>> -> memref<100000x1024xf32, #tpu.memory_space<hbm>>
    tpu.wait_indirect_dma semaphore(%arg13 : memref<!tpu.dma_semaphore, #tpu.memory_space<semaphore_mem>>) src(%dma_wait3A_132 : memref<100000x1024xf32, #tpu.memory_space<hbm>>) dst(%arg7 : memref<16x1024xf32, #tpu.memory_space<vmem>>)
    %add3A_133 = arith.constant 112 : i32
    %add3A_134 = arith.addi %mul3A_2, %add3A_133 : i32
    %dma_start3A_135 = arith.constant 0 : i32
    %dma_start3A_136 = tpu.memref_slice %arg4[%add3A_134, %dma_start3A_135] : memref<4096x1024xf32, #tpu.memory_space<hbm>> -> memref<16x1024xf32, #tpu.memory_space<hbm>>
    %dma_start3A_137 = arith.constant 0 : i32
    %dma_start3A_138 = tpu.memref_slice %arg4[%add3A_134, %dma_start3A_137] : memref<4096x1024xf32, #tpu.memory_space<hbm>> -> memref<16x1024xf32, #tpu.memory_space<hbm>>
    tpu.enqueue_dma source(%arg7 : memref<16x1024xf32, #tpu.memory_space<vmem>>) target(%dma_start3A_138 : memref<16x1024xf32, #tpu.memory_space<hbm>>) target_semaphore(%arg19 : memref<!tpu.dma_semaphore, #tpu.memory_space<semaphore_mem>>)
    %dma_wait3A_139 = arith.constant 0 : i32
    %dma_wait3A_140 = tpu.memref_slice %arg4[%add3A_123, %dma_wait3A_139] : memref<4096x1024xf32, #tpu.memory_space<hbm>> -> memref<16x1024xf32, #tpu.memory_space<hbm>>
    %dma_wait3A_141 = arith.constant 0 : i32
    %dma_wait3A_142 = tpu.memref_slice %arg4[%add3A_123, %dma_wait3A_141] : memref<4096x1024xf32, #tpu.memory_space<hbm>> -> memref<16x1024xf32, #tpu.memory_space<hbm>>
    tpu.wait_dma2 semaphore(%arg18 : memref<!tpu.dma_semaphore, #tpu.memory_space<semaphore_mem>>) src(%arg6 : memref<16x1024xf32, #tpu.memory_space<vmem>>) dst(%dma_wait3A_142 : memref<16x1024xf32, #tpu.memory_space<hbm>>)
    %dma_wait3A_143 = arith.constant 0 : i32
    %dma_wait3A_144 = tpu.memref_slice %arg4[%add3A_134, %dma_wait3A_143] : memref<4096x1024xf32, #tpu.memory_space<hbm>> -> memref<16x1024xf32, #tpu.memory_space<hbm>>
    %dma_wait3A_145 = arith.constant 0 : i32
    %dma_wait3A_146 = tpu.memref_slice %arg4[%add3A_134, %dma_wait3A_145] : memref<4096x1024xf32, #tpu.memory_space<hbm>> -> memref<16x1024xf32, #tpu.memory_space<hbm>>
    tpu.wait_dma2 semaphore(%arg19 : memref<!tpu.dma_semaphore, #tpu.memory_space<semaphore_mem>>) src(%arg7 : memref<16x1024xf32, #tpu.memory_space<vmem>>) dst(%dma_wait3A_146 : memref<16x1024xf32, #tpu.memory_space<hbm>>)
    %dma_wait3A_147 = arith.constant 0 : i32
    %dma_wait3A_148 = tpu.memref_slice %arg4[%add3A_70, %dma_wait3A_147] : memref<4096x1024xf32, #tpu.memory_space<hbm>> -> memref<16x1024xf32, #tpu.memory_space<hbm>>
    %dma_wait3A_149 = arith.constant 0 : i32
    %dma_wait3A_150 = tpu.memref_slice %arg4[%add3A_70, %dma_wait3A_149] : memref<4096x1024xf32, #tpu.memory_space<hbm>> -> memref<16x1024xf32, #tpu.memory_space<hbm>>
    tpu.wait_dma2 semaphore(%arg20 : memref<!tpu.dma_semaphore, #tpu.memory_space<semaphore_mem>>) src(%arg8 : memref<16x1024xf32, #tpu.memory_space<vmem>>) dst(%dma_wait3A_150 : memref<16x1024xf32, #tpu.memory_space<hbm>>)
    %dma_wait3A_151 = arith.constant 0 : i32
    %dma_wait3A_152 = tpu.memref_slice %arg4[%add3A_90, %dma_wait3A_151] : memref<4096x1024xf32, #tpu.memory_space<hbm>> -> memref<16x1024xf32, #tpu.memory_space<hbm>>
    %dma_wait3A_153 = arith.constant 0 : i32
    %dma_wait3A_154 = tpu.memref_slice %arg4[%add3A_90, %dma_wait3A_153] : memref<4096x1024xf32, #tpu.memory_space<hbm>> -> memref<16x1024xf32, #tpu.memory_space<hbm>>
    tpu.wait_dma2 semaphore(%arg21 : memref<!tpu.dma_semaphore, #tpu.memory_space<semaphore_mem>>) src(%arg9 : memref<16x1024xf32, #tpu.memory_space<vmem>>) dst(%dma_wait3A_154 : memref<16x1024xf32, #tpu.memory_space<hbm>>)
    %dma_wait3A_155 = arith.constant 0 : i32
    %dma_wait3A_156 = tpu.memref_slice %arg4[%add3A_101, %dma_wait3A_155] : memref<4096x1024xf32, #tpu.memory_space<hbm>> -> memref<16x1024xf32, #tpu.memory_space<hbm>>
    %dma_wait3A_157 = arith.constant 0 : i32
    %dma_wait3A_158 = tpu.memref_slice %arg4[%add3A_101, %dma_wait3A_157] : memref<4096x1024xf32, #tpu.memory_space<hbm>> -> memref<16x1024xf32, #tpu.memory_space<hbm>>
    tpu.wait_dma2 semaphore(%arg22 : memref<!tpu.dma_semaphore, #tpu.memory_space<semaphore_mem>>) src(%arg10 : memref<16x1024xf32, #tpu.memory_space<vmem>>) dst(%dma_wait3A_158 : memref<16x1024xf32, #tpu.memory_space<hbm>>)
    %dma_wait3A_159 = arith.constant 0 : i32
    %dma_wait3A_160 = tpu.memref_slice %arg4[%add3A_112, %dma_wait3A_159] : memref<4096x1024xf32, #tpu.memory_space<hbm>> -> memref<16x1024xf32, #tpu.memory_space<hbm>>
    %dma_wait3A_161 = arith.constant 0 : i32
    %dma_wait3A_162 = tpu.memref_slice %arg4[%add3A_112, %dma_wait3A_161] : memref<4096x1024xf32, #tpu.memory_space<hbm>> -> memref<16x1024xf32, #tpu.memory_space<hbm>>
    tpu.wait_dma2 semaphore(%arg23 : memref<!tpu.dma_semaphore, #tpu.memory_space<semaphore_mem>>) src(%arg11 : memref<16x1024xf32, #tpu.memory_space<vmem>>) dst(%dma_wait3A_162 : memref<16x1024xf32, #tpu.memory_space<hbm>>)
    return
  }
}

#map = affine_map<(d0, d1) -> (0, 0)>
#map1 = affine_map<(d0, d1) -> (0)>
module attributes {stable_mosaic.version = 14 : i64} {
  func.func @sc_gather(%arg0: i32, %arg1: i32, %arg2: memref<100000x1024xf32, #tpu.memory_space<hbm>>, %arg3: memref<16384xi32, #tpu.memory_space<hbm>>, %arg4: memref<4096x1024xf32, #tpu.memory_space<hbm>>, %arg5: memref<128xi32, #tpu.memory_space<vmem>>, %arg6: memref<16x1024xf32, #tpu.memory_space<vmem>>, %arg7: memref<16x1024xf32, #tpu.memory_space<vmem>>, %arg8: memref<16x1024xf32, #tpu.memory_space<vmem>>, %arg9: memref<16x1024xf32, #tpu.memory_space<vmem>>, %arg10: memref<16x1024xf32, #tpu.memory_space<vmem>>, %arg11: memref<16x1024xf32, #tpu.memory_space<vmem>>, %arg12: memref<!tpu.dma_semaphore, #tpu.memory_space<semaphore_mem>>, %arg13: memref<!tpu.dma_semaphore, #tpu.memory_space<semaphore_mem>>, %arg14: memref<!tpu.dma_semaphore, #tpu.memory_space<semaphore_mem>>, %arg15: memref<!tpu.dma_semaphore, #tpu.memory_space<semaphore_mem>>, %arg16: memref<!tpu.dma_semaphore, #tpu.memory_space<semaphore_mem>>, %arg17: memref<!tpu.dma_semaphore, #tpu.memory_space<semaphore_mem>>, %arg18: memref<!tpu.dma_semaphore, #tpu.memory_space<semaphore_mem>>, %arg19: memref<!tpu.dma_semaphore, #tpu.memory_space<semaphore_mem>>, %arg20: memref<!tpu.dma_semaphore, #tpu.memory_space<semaphore_mem>>, %arg21: memref<!tpu.dma_semaphore, #tpu.memory_space<semaphore_mem>>, %arg22: memref<!tpu.dma_semaphore, #tpu.memory_space<semaphore_mem>>, %arg23: memref<!tpu.dma_semaphore, #tpu.memory_space<semaphore_mem>>) attributes {dimension_semantics = [#tpu.dimension_semantics<core_parallel>, #tpu.dimension_semantics<subcore_parallel>], iteration_bounds = array<i64: 2, 16>, scalar_prefetch = 0 : i64, scratch_operands = 19 : i64, tpu.core_type = #tpu.core_type<sc_vector_subcore>, window_params = [{transform_indices = #map}, {transform_indices = #map1}, {transform_indices = #map}]} {
    %mul3A = arith.constant 2 : i32
    %mul3A_0 = arith.muli %arg1, %mul3A : i32
    %add3A = arith.addi %mul3A_0, %arg0 : i32
    %mul3A_1 = arith.constant 128 : i32
    %mul3A_2 = arith.muli %add3A, %mul3A_1 : i32
    %add3A_3 = arith.constant 0 : i32
    %add3A_4 = arith.addi %add3A_3, %mul3A_2 : i32
    "tpu.region"() ({
      %run_scoped3A = tpu.sem_alloc : memref<!tpu.dma_semaphore, #tpu.memory_space<semaphore_mem>>
      %dma_start3A_163 = tpu.memref_slice %arg3[%add3A_4] : memref<16384xi32, #tpu.memory_space<hbm>> -> memref<128xi32, #tpu.memory_space<hbm>>
      %dma_start3A_164 = tpu.memref_slice %arg3[%add3A_4] : memref<16384xi32, #tpu.memory_space<hbm>> -> memref<128xi32, #tpu.memory_space<hbm>>
      tpu.enqueue_dma source(%dma_start3A_164 : memref<128xi32, #tpu.memory_space<hbm>>) target(%arg5 : memref<128xi32, #tpu.memory_space<vmem>>) target_semaphore(%run_scoped3A : memref<!tpu.dma_semaphore, #tpu.memory_space<semaphore_mem>>)
      %dma_wait3A_165 = tpu.memref_slice %arg3[%add3A_4] : memref<16384xi32, #tpu.memory_space<hbm>> -> memref<128xi32, #tpu.memory_space<hbm>>
      %dma_wait3A_166 = tpu.memref_slice %arg3[%add3A_4] : memref<16384xi32, #tpu.memory_space<hbm>> -> memref<128xi32, #tpu.memory_space<hbm>>
      tpu.wait_dma2 semaphore(%run_scoped3A : memref<!tpu.dma_semaphore, #tpu.memory_space<semaphore_mem>>) src(%dma_wait3A_166 : memref<128xi32, #tpu.memory_space<hbm>>) dst(%arg5 : memref<128xi32, #tpu.memory_space<vmem>>)
      tpu.yield
    }) : () -> ()
    %dma_start3A = arith.constant 0 : i32
    %dma_start3A_5 = tpu.memref_slice %arg5[%dma_start3A] : memref<128xi32, #tpu.memory_space<vmem>> -> memref<16xi32, #tpu.memory_space<vmem>>
    %dma_start3A_6 = arith.constant 0 : i32
    %dma_start3A_7 = arith.constant 0 : i32
    %dma_start3A_8 = tpu.memref_slice %arg2[%dma_start3A_6, %dma_start3A_7] : memref<100000x1024xf32, #tpu.memory_space<hbm>> -> memref<100000x1024xf32, #tpu.memory_space<hbm>>
    tpu.enqueue_indirect_dma source(%dma_start3A_8 : memref<100000x1024xf32, #tpu.memory_space<hbm>>) target(%arg6 : memref<16x1024xf32, #tpu.memory_space<vmem>>) offsets(%dma_start3A_5 : memref<16xi32, #tpu.memory_space<vmem>>) semaphore(%arg12 : memref<!tpu.dma_semaphore, #tpu.memory_space<semaphore_mem>>)
    %dma_start3A_9 = arith.constant 16 : i32
    %dma_start3A_10 = tpu.memref_slice %arg5[%dma_start3A_9] : memref<128xi32, #tpu.memory_space<vmem>> -> memref<16xi32, #tpu.memory_space<vmem>>
    %dma_start3A_11 = arith.constant 0 : i32
    %dma_start3A_12 = arith.constant 0 : i32
    %dma_start3A_13 = tpu.memref_slice %arg2[%dma_start3A_11, %dma_start3A_12] : memref<100000x1024xf32, #tpu.memory_space<hbm>> -> memref<100000x1024xf32, #tpu.memory_space<hbm>>
    tpu.enqueue_indirect_dma source(%dma_start3A_13 : memref<100000x1024xf32, #tpu.memory_space<hbm>>) target(%arg7 : memref<16x1024xf32, #tpu.memory_space<vmem>>) offsets(%dma_start3A_10 : memref<16xi32, #tpu.memory_space<vmem>>) semaphore(%arg13 : memref<!tpu.dma_semaphore, #tpu.memory_space<semaphore_mem>>)
    %dma_start3A_14 = arith.constant 32 : i32
    %dma_start3A_15 = tpu.memref_slice %arg5[%dma_start3A_14] : memref<128xi32, #tpu.memory_space<vmem>> -> memref<16xi32, #tpu.memory_space<vmem>>
    %dma_start3A_16 = arith.constant 0 : i32
    %dma_start3A_17 = arith.constant 0 : i32
    %dma_start3A_18 = tpu.memref_slice %arg2[%dma_start3A_16, %dma_start3A_17] : memref<100000x1024xf32, #tpu.memory_space<hbm>> -> memref<100000x1024xf32, #tpu.memory_space<hbm>>
    tpu.enqueue_indirect_dma source(%dma_start3A_18 : memref<100000x1024xf32, #tpu.memory_space<hbm>>) target(%arg8 : memref<16x1024xf32, #tpu.memory_space<vmem>>) offsets(%dma_start3A_15 : memref<16xi32, #tpu.memory_space<vmem>>) semaphore(%arg14 : memref<!tpu.dma_semaphore, #tpu.memory_space<semaphore_mem>>)
    %dma_start3A_19 = arith.constant 48 : i32
    %dma_start3A_20 = tpu.memref_slice %arg5[%dma_start3A_19] : memref<128xi32, #tpu.memory_space<vmem>> -> memref<16xi32, #tpu.memory_space<vmem>>
    %dma_start3A_21 = arith.constant 0 : i32
    %dma_start3A_22 = arith.constant 0 : i32
    %dma_start3A_23 = tpu.memref_slice %arg2[%dma_start3A_21, %dma_start3A_22] : memref<100000x1024xf32, #tpu.memory_space<hbm>> -> memref<100000x1024xf32, #tpu.memory_space<hbm>>
    tpu.enqueue_indirect_dma source(%dma_start3A_23 : memref<100000x1024xf32, #tpu.memory_space<hbm>>) target(%arg9 : memref<16x1024xf32, #tpu.memory_space<vmem>>) offsets(%dma_start3A_20 : memref<16xi32, #tpu.memory_space<vmem>>) semaphore(%arg15 : memref<!tpu.dma_semaphore, #tpu.memory_space<semaphore_mem>>)
    %dma_start3A_24 = arith.constant 64 : i32
    %dma_start3A_25 = tpu.memref_slice %arg5[%dma_start3A_24] : memref<128xi32, #tpu.memory_space<vmem>> -> memref<16xi32, #tpu.memory_space<vmem>>
    %dma_start3A_26 = arith.constant 0 : i32
    %dma_start3A_27 = arith.constant 0 : i32
    %dma_start3A_28 = tpu.memref_slice %arg2[%dma_start3A_26, %dma_start3A_27] : memref<100000x1024xf32, #tpu.memory_space<hbm>> -> memref<100000x1024xf32, #tpu.memory_space<hbm>>
    tpu.enqueue_indirect_dma source(%dma_start3A_28 : memref<100000x1024xf32, #tpu.memory_space<hbm>>) target(%arg10 : memref<16x1024xf32, #tpu.memory_space<vmem>>) offsets(%dma_start3A_25 : memref<16xi32, #tpu.memory_space<vmem>>) semaphore(%arg16 : memref<!tpu.dma_semaphore, #tpu.memory_space<semaphore_mem>>)
    %dma_wait3A = arith.constant 0 : i32
    %dma_wait3A_29 = tpu.memref_slice %arg5[%dma_wait3A] : memref<128xi32, #tpu.memory_space<vmem>> -> memref<16xi32, #tpu.memory_space<vmem>>
    %dma_wait3A_30 = arith.constant 0 : i32
    %dma_wait3A_31 = arith.constant 0 : i32
    %dma_wait3A_32 = tpu.memref_slice %arg2[%dma_wait3A_30, %dma_wait3A_31] : memref<100000x1024xf32, #tpu.memory_space<hbm>> -> memref<100000x1024xf32, #tpu.memory_space<hbm>>
    tpu.wait_indirect_dma semaphore(%arg12 : memref<!tpu.dma_semaphore, #tpu.memory_space<semaphore_mem>>) src(%dma_wait3A_32 : memref<100000x1024xf32, #tpu.memory_space<hbm>>) dst(%arg6 : memref<16x1024xf32, #tpu.memory_space<vmem>>)
    %add3A_33 = arith.constant 0 : i32
    %add3A_34 = arith.addi %mul3A_2, %add3A_33 : i32
    %dma_start3A_35 = arith.constant 0 : i32
    %dma_start3A_36 = tpu.memref_slice %arg4[%add3A_34, %dma_start3A_35] : memref<4096x1024xf32, #tpu.memory_space<hbm>> -> memref<16x1024xf32, #tpu.memory_space<hbm>>
    %dma_start3A_37 = arith.constant 0 : i32
    %dma_start3A_38 = tpu.memref_slice %arg4[%add3A_34, %dma_start3A_37] : memref<4096x1024xf32, #tpu.memory_space<hbm>> -> memref<16x1024xf32, #tpu.memory_space<hbm>>
    tpu.enqueue_dma source(%arg6 : memref<16x1024xf32, #tpu.memory_space<vmem>>) target(%dma_start3A_38 : memref<16x1024xf32, #tpu.memory_space<hbm>>) target_semaphore(%arg18 : memref<!tpu.dma_semaphore, #tpu.memory_space<semaphore_mem>>)
    %dma_start3A_39 = arith.constant 80 : i32
    %dma_start3A_40 = tpu.memref_slice %arg5[%dma_start3A_39] : memref<128xi32, #tpu.memory_space<vmem>> -> memref<16xi32, #tpu.memory_space<vmem>>
    %dma_start3A_41 = arith.constant 0 : i32
    %dma_start3A_42 = arith.constant 0 : i32
    %dma_start3A_43 = tpu.memref_slice %arg2[%dma_start3A_41, %dma_start3A_42] : memref<100000x1024xf32, #tpu.memory_space<hbm>> -> memref<100000x1024xf32, #tpu.memory_space<hbm>>
    tpu.enqueue_indirect_dma source(%dma_start3A_43 : memref<100000x1024xf32, #tpu.memory_space<hbm>>) target(%arg11 : memref<16x1024xf32, #tpu.memory_space<vmem>>) offsets(%dma_start3A_40 : memref<16xi32, #tpu.memory_space<vmem>>) semaphore(%arg17 : memref<!tpu.dma_semaphore, #tpu.memory_space<semaphore_mem>>)
    %dma_wait3A_44 = arith.constant 16 : i32
    %dma_wait3A_45 = tpu.memref_slice %arg5[%dma_wait3A_44] : memref<128xi32, #tpu.memory_space<vmem>> -> memref<16xi32, #tpu.memory_space<vmem>>
    %dma_wait3A_46 = arith.constant 0 : i32
    %dma_wait3A_47 = arith.constant 0 : i32
    %dma_wait3A_48 = tpu.memref_slice %arg2[%dma_wait3A_46, %dma_wait3A_47] : memref<100000x1024xf32, #tpu.memory_space<hbm>> -> memref<100000x1024xf32, #tpu.memory_space<hbm>>
    tpu.wait_indirect_dma semaphore(%arg13 : memref<!tpu.dma_semaphore, #tpu.memory_space<semaphore_mem>>) src(%dma_wait3A_48 : memref<100000x1024xf32, #tpu.memory_space<hbm>>) dst(%arg7 : memref<16x1024xf32, #tpu.memory_space<vmem>>)
    %add3A_49 = arith.constant 16 : i32
    %add3A_50 = arith.addi %mul3A_2, %add3A_49 : i32
    %dma_start3A_51 = arith.constant 0 : i32
    %dma_start3A_52 = tpu.memref_slice %arg4[%add3A_50, %dma_start3A_51] : memref<4096x1024xf32, #tpu.memory_space<hbm>> -> memref<16x1024xf32, #tpu.memory_space<hbm>>
    %dma_start3A_53 = arith.constant 0 : i32
    %dma_start3A_54 = tpu.memref_slice %arg4[%add3A_50, %dma_start3A_53] : memref<4096x1024xf32, #tpu.memory_space<hbm>> -> memref<16x1024xf32, #tpu.memory_space<hbm>>
    tpu.enqueue_dma source(%arg7 : memref<16x1024xf32, #tpu.memory_space<vmem>>) target(%dma_start3A_54 : memref<16x1024xf32, #tpu.memory_space<hbm>>) target_semaphore(%arg19 : memref<!tpu.dma_semaphore, #tpu.memory_space<semaphore_mem>>)
    %dma_wait3A_55 = arith.constant 0 : i32
    %dma_wait3A_56 = tpu.memref_slice %arg4[%add3A_34, %dma_wait3A_55] : memref<4096x1024xf32, #tpu.memory_space<hbm>> -> memref<16x1024xf32, #tpu.memory_space<hbm>>
    %dma_wait3A_57 = arith.constant 0 : i32
    %dma_wait3A_58 = tpu.memref_slice %arg4[%add3A_34, %dma_wait3A_57] : memref<4096x1024xf32, #tpu.memory_space<hbm>> -> memref<16x1024xf32, #tpu.memory_space<hbm>>
    tpu.wait_dma2 semaphore(%arg18 : memref<!tpu.dma_semaphore, #tpu.memory_space<semaphore_mem>>) src(%arg6 : memref<16x1024xf32, #tpu.memory_space<vmem>>) dst(%dma_wait3A_58 : memref<16x1024xf32, #tpu.memory_space<hbm>>)
    %dma_start3A_59 = arith.constant 96 : i32
    %dma_start3A_60 = tpu.memref_slice %arg5[%dma_start3A_59] : memref<128xi32, #tpu.memory_space<vmem>> -> memref<16xi32, #tpu.memory_space<vmem>>
    %dma_start3A_61 = arith.constant 0 : i32
    %dma_start3A_62 = arith.constant 0 : i32
    %dma_start3A_63 = tpu.memref_slice %arg2[%dma_start3A_61, %dma_start3A_62] : memref<100000x1024xf32, #tpu.memory_space<hbm>> -> memref<100000x1024xf32, #tpu.memory_space<hbm>>
    tpu.enqueue_indirect_dma source(%dma_start3A_63 : memref<100000x1024xf32, #tpu.memory_space<hbm>>) target(%arg6 : memref<16x1024xf32, #tpu.memory_space<vmem>>) offsets(%dma_start3A_60 : memref<16xi32, #tpu.memory_space<vmem>>) semaphore(%arg12 : memref<!tpu.dma_semaphore, #tpu.memory_space<semaphore_mem>>)
    %dma_wait3A_64 = arith.constant 32 : i32
    %dma_wait3A_65 = tpu.memref_slice %arg5[%dma_wait3A_64] : memref<128xi32, #tpu.memory_space<vmem>> -> memref<16xi32, #tpu.memory_space<vmem>>
    %dma_wait3A_66 = arith.constant 0 : i32
    %dma_wait3A_67 = arith.constant 0 : i32
    %dma_wait3A_68 = tpu.memref_slice %arg2[%dma_wait3A_66, %dma_wait3A_67] : memref<100000x1024xf32, #tpu.memory_space<hbm>> -> memref<100000x1024xf32, #tpu.memory_space<hbm>>
    tpu.wait_indirect_dma semaphore(%arg14 : memref<!tpu.dma_semaphore, #tpu.memory_space<semaphore_mem>>) src(%dma_wait3A_68 : memref<100000x1024xf32, #tpu.memory_space<hbm>>) dst(%arg8 : memref<16x1024xf32, #tpu.memory_space<vmem>>)
    %add3A_69 = arith.constant 32 : i32
    %add3A_70 = arith.addi %mul3A_2, %add3A_69 : i32
    %dma_start3A_71 = arith.constant 0 : i32
    %dma_start3A_72 = tpu.memref_slice %arg4[%add3A_70, %dma_start3A_71] : memref<4096x1024xf32, #tpu.memory_space<hbm>> -> memref<16x1024xf32, #tpu.memory_space<hbm>>
    %dma_start3A_73 = arith.constant 0 : i32
    %dma_start3A_74 = tpu.memref_slice %arg4[%add3A_70, %dma_start3A_73] : memref<4096x1024xf32, #tpu.memory_space<hbm>> -> memref<16x1024xf32, #tpu.memory_space<hbm>>
    tpu.enqueue_dma source(%arg8 : memref<16x1024xf32, #tpu.memory_space<vmem>>) target(%dma_start3A_74 : memref<16x1024xf32, #tpu.memory_space<hbm>>) target_semaphore(%arg20 : memref<!tpu.dma_semaphore, #tpu.memory_space<semaphore_mem>>)
    %dma_wait3A_75 = arith.constant 0 : i32
    %dma_wait3A_76 = tpu.memref_slice %arg4[%add3A_50, %dma_wait3A_75] : memref<4096x1024xf32, #tpu.memory_space<hbm>> -> memref<16x1024xf32, #tpu.memory_space<hbm>>
    %dma_wait3A_77 = arith.constant 0 : i32
    %dma_wait3A_78 = tpu.memref_slice %arg4[%add3A_50, %dma_wait3A_77] : memref<4096x1024xf32, #tpu.memory_space<hbm>> -> memref<16x1024xf32, #tpu.memory_space<hbm>>
    tpu.wait_dma2 semaphore(%arg19 : memref<!tpu.dma_semaphore, #tpu.memory_space<semaphore_mem>>) src(%arg7 : memref<16x1024xf32, #tpu.memory_space<vmem>>) dst(%dma_wait3A_78 : memref<16x1024xf32, #tpu.memory_space<hbm>>)
    %dma_start3A_79 = arith.constant 112 : i32
    %dma_start3A_80 = tpu.memref_slice %arg5[%dma_start3A_79] : memref<128xi32, #tpu.memory_space<vmem>> -> memref<16xi32, #tpu.memory_space<vmem>>
    %dma_start3A_81 = arith.constant 0 : i32
    %dma_start3A_82 = arith.constant 0 : i32
    %dma_start3A_83 = tpu.memref_slice %arg2[%dma_start3A_81, %dma_start3A_82] : memref<100000x1024xf32, #tpu.memory_space<hbm>> -> memref<100000x1024xf32, #tpu.memory_space<hbm>>
    tpu.enqueue_indirect_dma source(%dma_start3A_83 : memref<100000x1024xf32, #tpu.memory_space<hbm>>) target(%arg7 : memref<16x1024xf32, #tpu.memory_space<vmem>>) offsets(%dma_start3A_80 : memref<16xi32, #tpu.memory_space<vmem>>) semaphore(%arg13 : memref<!tpu.dma_semaphore, #tpu.memory_space<semaphore_mem>>)
    %dma_wait3A_84 = arith.constant 48 : i32
    %dma_wait3A_85 = tpu.memref_slice %arg5[%dma_wait3A_84] : memref<128xi32, #tpu.memory_space<vmem>> -> memref<16xi32, #tpu.memory_space<vmem>>
    %dma_wait3A_86 = arith.constant 0 : i32
    %dma_wait3A_87 = arith.constant 0 : i32
    %dma_wait3A_88 = tpu.memref_slice %arg2[%dma_wait3A_86, %dma_wait3A_87] : memref<100000x1024xf32, #tpu.memory_space<hbm>> -> memref<100000x1024xf32, #tpu.memory_space<hbm>>
    tpu.wait_indirect_dma semaphore(%arg15 : memref<!tpu.dma_semaphore, #tpu.memory_space<semaphore_mem>>) src(%dma_wait3A_88 : memref<100000x1024xf32, #tpu.memory_space<hbm>>) dst(%arg9 : memref<16x1024xf32, #tpu.memory_space<vmem>>)
    %add3A_89 = arith.constant 48 : i32
    %add3A_90 = arith.addi %mul3A_2, %add3A_89 : i32
    %dma_start3A_91 = arith.constant 0 : i32
    %dma_start3A_92 = tpu.memref_slice %arg4[%add3A_90, %dma_start3A_91] : memref<4096x1024xf32, #tpu.memory_space<hbm>> -> memref<16x1024xf32, #tpu.memory_space<hbm>>
    %dma_start3A_93 = arith.constant 0 : i32
    %dma_start3A_94 = tpu.memref_slice %arg4[%add3A_90, %dma_start3A_93] : memref<4096x1024xf32, #tpu.memory_space<hbm>> -> memref<16x1024xf32, #tpu.memory_space<hbm>>
    tpu.enqueue_dma source(%arg9 : memref<16x1024xf32, #tpu.memory_space<vmem>>) target(%dma_start3A_94 : memref<16x1024xf32, #tpu.memory_space<hbm>>) target_semaphore(%arg21 : memref<!tpu.dma_semaphore, #tpu.memory_space<semaphore_mem>>)
    %dma_wait3A_95 = arith.constant 64 : i32
    %dma_wait3A_96 = tpu.memref_slice %arg5[%dma_wait3A_95] : memref<128xi32, #tpu.memory_space<vmem>> -> memref<16xi32, #tpu.memory_space<vmem>>
    %dma_wait3A_97 = arith.constant 0 : i32
    %dma_wait3A_98 = arith.constant 0 : i32
    %dma_wait3A_99 = tpu.memref_slice %arg2[%dma_wait3A_97, %dma_wait3A_98] : memref<100000x1024xf32, #tpu.memory_space<hbm>> -> memref<100000x1024xf32, #tpu.memory_space<hbm>>
    tpu.wait_indirect_dma semaphore(%arg16 : memref<!tpu.dma_semaphore, #tpu.memory_space<semaphore_mem>>) src(%dma_wait3A_99 : memref<100000x1024xf32, #tpu.memory_space<hbm>>) dst(%arg10 : memref<16x1024xf32, #tpu.memory_space<vmem>>)
    %add3A_100 = arith.constant 64 : i32
    %add3A_101 = arith.addi %mul3A_2, %add3A_100 : i32
    %dma_start3A_102 = arith.constant 0 : i32
    %dma_start3A_103 = tpu.memref_slice %arg4[%add3A_101, %dma_start3A_102] : memref<4096x1024xf32, #tpu.memory_space<hbm>> -> memref<16x1024xf32, #tpu.memory_space<hbm>>
    %dma_start3A_104 = arith.constant 0 : i32
    %dma_start3A_105 = tpu.memref_slice %arg4[%add3A_101, %dma_start3A_104] : memref<4096x1024xf32, #tpu.memory_space<hbm>> -> memref<16x1024xf32, #tpu.memory_space<hbm>>
    tpu.enqueue_dma source(%arg10 : memref<16x1024xf32, #tpu.memory_space<vmem>>) target(%dma_start3A_105 : memref<16x1024xf32, #tpu.memory_space<hbm>>) target_semaphore(%arg22 : memref<!tpu.dma_semaphore, #tpu.memory_space<semaphore_mem>>)
    %dma_wait3A_106 = arith.constant 80 : i32
    %dma_wait3A_107 = tpu.memref_slice %arg5[%dma_wait3A_106] : memref<128xi32, #tpu.memory_space<vmem>> -> memref<16xi32, #tpu.memory_space<vmem>>
    %dma_wait3A_108 = arith.constant 0 : i32
    %dma_wait3A_109 = arith.constant 0 : i32
    %dma_wait3A_110 = tpu.memref_slice %arg2[%dma_wait3A_108, %dma_wait3A_109] : memref<100000x1024xf32, #tpu.memory_space<hbm>> -> memref<100000x1024xf32, #tpu.memory_space<hbm>>
    tpu.wait_indirect_dma semaphore(%arg17 : memref<!tpu.dma_semaphore, #tpu.memory_space<semaphore_mem>>) src(%dma_wait3A_110 : memref<100000x1024xf32, #tpu.memory_space<hbm>>) dst(%arg11 : memref<16x1024xf32, #tpu.memory_space<vmem>>)
    %add3A_111 = arith.constant 80 : i32
    %add3A_112 = arith.addi %mul3A_2, %add3A_111 : i32
    %dma_start3A_113 = arith.constant 0 : i32
    %dma_start3A_114 = tpu.memref_slice %arg4[%add3A_112, %dma_start3A_113] : memref<4096x1024xf32, #tpu.memory_space<hbm>> -> memref<16x1024xf32, #tpu.memory_space<hbm>>
    %dma_start3A_115 = arith.constant 0 : i32
    %dma_start3A_116 = tpu.memref_slice %arg4[%add3A_112, %dma_start3A_115] : memref<4096x1024xf32, #tpu.memory_space<hbm>> -> memref<16x1024xf32, #tpu.memory_space<hbm>>
    tpu.enqueue_dma source(%arg11 : memref<16x1024xf32, #tpu.memory_space<vmem>>) target(%dma_start3A_116 : memref<16x1024xf32, #tpu.memory_space<hbm>>) target_semaphore(%arg23 : memref<!tpu.dma_semaphore, #tpu.memory_space<semaphore_mem>>)
    %dma_wait3A_117 = arith.constant 96 : i32
    %dma_wait3A_118 = tpu.memref_slice %arg5[%dma_wait3A_117] : memref<128xi32, #tpu.memory_space<vmem>> -> memref<16xi32, #tpu.memory_space<vmem>>
    %dma_wait3A_119 = arith.constant 0 : i32
    %dma_wait3A_120 = arith.constant 0 : i32
    %dma_wait3A_121 = tpu.memref_slice %arg2[%dma_wait3A_119, %dma_wait3A_120] : memref<100000x1024xf32, #tpu.memory_space<hbm>> -> memref<100000x1024xf32, #tpu.memory_space<hbm>>
    tpu.wait_indirect_dma semaphore(%arg12 : memref<!tpu.dma_semaphore, #tpu.memory_space<semaphore_mem>>) src(%dma_wait3A_121 : memref<100000x1024xf32, #tpu.memory_space<hbm>>) dst(%arg6 : memref<16x1024xf32, #tpu.memory_space<vmem>>)
    %add3A_122 = arith.constant 96 : i32
    %add3A_123 = arith.addi %mul3A_2, %add3A_122 : i32
    %dma_start3A_124 = arith.constant 0 : i32
    %dma_start3A_125 = tpu.memref_slice %arg4[%add3A_123, %dma_start3A_124] : memref<4096x1024xf32, #tpu.memory_space<hbm>> -> memref<16x1024xf32, #tpu.memory_space<hbm>>
    %dma_start3A_126 = arith.constant 0 : i32
    %dma_start3A_127 = tpu.memref_slice %arg4[%add3A_123, %dma_start3A_126] : memref<4096x1024xf32, #tpu.memory_space<hbm>> -> memref<16x1024xf32, #tpu.memory_space<hbm>>
    tpu.enqueue_dma source(%arg6 : memref<16x1024xf32, #tpu.memory_space<vmem>>) target(%dma_start3A_127 : memref<16x1024xf32, #tpu.memory_space<hbm>>) target_semaphore(%arg18 : memref<!tpu.dma_semaphore, #tpu.memory_space<semaphore_mem>>)
    %dma_wait3A_128 = arith.constant 112 : i32
    %dma_wait3A_129 = tpu.memref_slice %arg5[%dma_wait3A_128] : memref<128xi32, #tpu.memory_space<vmem>> -> memref<16xi32, #tpu.memory_space<vmem>>
    %dma_wait3A_130 = arith.constant 0 : i32
    %dma_wait3A_131 = arith.constant 0 : i32
    %dma_wait3A_132 = tpu.memref_slice %arg2[%dma_wait3A_130, %dma_wait3A_131] : memref<100000x1024xf32, #tpu.memory_space<hbm>> -> memref<100000x1024xf32, #tpu.memory_space<hbm>>
    tpu.wait_indirect_dma semaphore(%arg13 : memref<!tpu.dma_semaphore, #tpu.memory_space<semaphore_mem>>) src(%dma_wait3A_132 : memref<100000x1024xf32, #tpu.memory_space<hbm>>) dst(%arg7 : memref<16x1024xf32, #tpu.memory_space<vmem>>)
    %add3A_133 = arith.constant 112 : i32
    %add3A_134 = arith.addi %mul3A_2, %add3A_133 : i32
    %dma_start3A_135 = arith.constant 0 : i32
    %dma_start3A_136 = tpu.memref_slice %arg4[%add3A_134, %dma_start3A_135] : memref<4096x1024xf32, #tpu.memory_space<hbm>> -> memref<16x1024xf32, #tpu.memory_space<hbm>>
    %dma_start3A_137 = arith.constant 0 : i32
    %dma_start3A_138 = tpu.memref_slice %arg4[%add3A_134, %dma_start3A_137] : memref<4096x1024xf32, #tpu.memory_space<hbm>> -> memref<16x1024xf32, #tpu.memory_space<hbm>>
    tpu.enqueue_dma source(%arg7 : memref<16x1024xf32, #tpu.memory_space<vmem>>) target(%dma_start3A_138 : memref<16x1024xf32, #tpu.memory_space<hbm>>) target_semaphore(%arg19 : memref<!tpu.dma_semaphore, #tpu.memory_space<semaphore_mem>>)
    %dma_wait3A_139 = arith.constant 0 : i32
    %dma_wait3A_140 = tpu.memref_slice %arg4[%add3A_123, %dma_wait3A_139] : memref<4096x1024xf32, #tpu.memory_space<hbm>> -> memref<16x1024xf32, #tpu.memory_space<hbm>>
    %dma_wait3A_141 = arith.constant 0 : i32
    %dma_wait3A_142 = tpu.memref_slice %arg4[%add3A_123, %dma_wait3A_141] : memref<4096x1024xf32, #tpu.memory_space<hbm>> -> memref<16x1024xf32, #tpu.memory_space<hbm>>
    tpu.wait_dma2 semaphore(%arg18 : memref<!tpu.dma_semaphore, #tpu.memory_space<semaphore_mem>>) src(%arg6 : memref<16x1024xf32, #tpu.memory_space<vmem>>) dst(%dma_wait3A_142 : memref<16x1024xf32, #tpu.memory_space<hbm>>)
    %dma_wait3A_143 = arith.constant 0 : i32
    %dma_wait3A_144 = tpu.memref_slice %arg4[%add3A_134, %dma_wait3A_143] : memref<4096x1024xf32, #tpu.memory_space<hbm>> -> memref<16x1024xf32, #tpu.memory_space<hbm>>
    %dma_wait3A_145 = arith.constant 0 : i32
    %dma_wait3A_146 = tpu.memref_slice %arg4[%add3A_134, %dma_wait3A_145] : memref<4096x1024xf32, #tpu.memory_space<hbm>> -> memref<16x1024xf32, #tpu.memory_space<hbm>>
    tpu.wait_dma2 semaphore(%arg19 : memref<!tpu.dma_semaphore, #tpu.memory_space<semaphore_mem>>) src(%arg7 : memref<16x1024xf32, #tpu.memory_space<vmem>>) dst(%dma_wait3A_146 : memref<16x1024xf32, #tpu.memory_space<hbm>>)
    %dma_wait3A_147 = arith.constant 0 : i32
    %dma_wait3A_148 = tpu.memref_slice %arg4[%add3A_70, %dma_wait3A_147] : memref<4096x1024xf32, #tpu.memory_space<hbm>> -> memref<16x1024xf32, #tpu.memory_space<hbm>>
    %dma_wait3A_149 = arith.constant 0 : i32
    %dma_wait3A_150 = tpu.memref_slice %arg4[%add3A_70, %dma_wait3A_149] : memref<4096x1024xf32, #tpu.memory_space<hbm>> -> memref<16x1024xf32, #tpu.memory_space<hbm>>
    tpu.wait_dma2 semaphore(%arg20 : memref<!tpu.dma_semaphore, #tpu.memory_space<semaphore_mem>>) src(%arg8 : memref<16x1024xf32, #tpu.memory_space<vmem>>) dst(%dma_wait3A_150 : memref<16x1024xf32, #tpu.memory_space<hbm>>)
    %dma_wait3A_151 = arith.constant 0 : i32
    %dma_wait3A_152 = tpu.memref_slice %arg4[%add3A_90, %dma_wait3A_151] : memref<4096x1024xf32, #tpu.memory_space<hbm>> -> memref<16x1024xf32, #tpu.memory_space<hbm>>
    %dma_wait3A_153 = arith.constant 0 : i32
    %dma_wait3A_154 = tpu.memref_slice %arg4[%add3A_90, %dma_wait3A_153] : memref<4096x1024xf32, #tpu.memory_space<hbm>> -> memref<16x1024xf32, #tpu.memory_space<hbm>>
    tpu.wait_dma2 semaphore(%arg21 : memref<!tpu.dma_semaphore, #tpu.memory_space<semaphore_mem>>) src(%arg9 : memref<16x1024xf32, #tpu.memory_space<vmem>>) dst(%dma_wait3A_154 : memref<16x1024xf32, #tpu.memory_space<hbm>>)
    %dma_wait3A_155 = arith.constant 0 : i32
    %dma_wait3A_156 = tpu.memref_slice %arg4[%add3A_101, %dma_wait3A_155] : memref<4096x1024xf32, #tpu.memory_space<hbm>> -> memref<16x1024xf32, #tpu.memory_space<hbm>>
    %dma_wait3A_157 = arith.constant 0 : i32
    %dma_wait3A_158 = tpu.memref_slice %arg4[%add3A_101, %dma_wait3A_157] : memref<4096x1024xf32, #tpu.memory_space<hbm>> -> memref<16x1024xf32, #tpu.memory_space<hbm>>
    tpu.wait_dma2 semaphore(%arg22 : memref<!tpu.dma_semaphore, #tpu.memory_space<semaphore_mem>>) src(%arg10 : memref<16x1024xf32, #tpu.memory_space<vmem>>) dst(%dma_wait3A_158 : memref<16x1024xf32, #tpu.memory_space<hbm>>)
    %dma_wait3A_159 = arith.constant 0 : i32
    %dma_wait3A_160 = tpu.memref_slice %arg4[%add3A_112, %dma_wait3A_159] : memref<4096x1024xf32, #tpu.memory_space<hbm>> -> memref<16x1024xf32, #tpu.memory_space<hbm>>
    %dma_wait3A_161 = arith.constant 0 : i32
    %dma_wait3A_162 = tpu.memref_slice %arg4[%add3A_112, %dma_wait3A_161] : memref<4096x1024xf32, #tpu.memory_space<hbm>> -> memref<16x1024xf32, #tpu.memory_space<hbm>>
    tpu.wait_dma2 semaphore(%arg23 : memref<!tpu.dma_semaphore, #tpu.memory_space<semaphore_mem>>) src(%arg11 : memref<16x1024xf32, #tpu.memory_space<vmem>>) dst(%dma_wait3A_162 : memref<16x1024xf32, #tpu.memory_space<hbm>>)
    return
  }
}

#map = affine_map<(d0, d1) -> (0, 0)>
#map1 = affine_map<(d0, d1) -> (0)>
module attributes {stable_mosaic.version = 14 : i64} {
  func.func @sc_gather(%arg0: i32, %arg1: i32, %arg2: memref<100000x1024xf32, #tpu.memory_space<hbm>>, %arg3: memref<16384xi32, #tpu.memory_space<hbm>>, %arg4: memref<4096x1024xf32, #tpu.memory_space<hbm>>, %arg5: memref<128xi32, #tpu.memory_space<vmem>>, %arg6: memref<16x1024xf32, #tpu.memory_space<vmem>>, %arg7: memref<16x1024xf32, #tpu.memory_space<vmem>>, %arg8: memref<16x1024xf32, #tpu.memory_space<vmem>>, %arg9: memref<16x1024xf32, #tpu.memory_space<vmem>>, %arg10: memref<16x1024xf32, #tpu.memory_space<vmem>>, %arg11: memref<16x1024xf32, #tpu.memory_space<vmem>>, %arg12: memref<!tpu.dma_semaphore, #tpu.memory_space<semaphore_mem>>, %arg13: memref<!tpu.dma_semaphore, #tpu.memory_space<semaphore_mem>>, %arg14: memref<!tpu.dma_semaphore, #tpu.memory_space<semaphore_mem>>, %arg15: memref<!tpu.dma_semaphore, #tpu.memory_space<semaphore_mem>>, %arg16: memref<!tpu.dma_semaphore, #tpu.memory_space<semaphore_mem>>, %arg17: memref<!tpu.dma_semaphore, #tpu.memory_space<semaphore_mem>>, %arg18: memref<!tpu.dma_semaphore, #tpu.memory_space<semaphore_mem>>, %arg19: memref<!tpu.dma_semaphore, #tpu.memory_space<semaphore_mem>>, %arg20: memref<!tpu.dma_semaphore, #tpu.memory_space<semaphore_mem>>, %arg21: memref<!tpu.dma_semaphore, #tpu.memory_space<semaphore_mem>>, %arg22: memref<!tpu.dma_semaphore, #tpu.memory_space<semaphore_mem>>, %arg23: memref<!tpu.dma_semaphore, #tpu.memory_space<semaphore_mem>>) attributes {dimension_semantics = [#tpu.dimension_semantics<core_parallel>, #tpu.dimension_semantics<subcore_parallel>], iteration_bounds = array<i64: 2, 16>, scalar_prefetch = 0 : i64, scratch_operands = 19 : i64, tpu.core_type = #tpu.core_type<sc_vector_subcore>, window_params = [{transform_indices = #map}, {transform_indices = #map1}, {transform_indices = #map}]} {
    %mul3A = arith.constant 2 : i32
    %mul3A_0 = arith.muli %arg1, %mul3A : i32
    %add3A = arith.addi %mul3A_0, %arg0 : i32
    %mul3A_1 = arith.constant 128 : i32
    %mul3A_2 = arith.muli %add3A, %mul3A_1 : i32
    %add3A_3 = arith.constant 8192 : i32
    %add3A_4 = arith.addi %add3A_3, %mul3A_2 : i32
    "tpu.region"() ({
      %run_scoped3A = tpu.sem_alloc : memref<!tpu.dma_semaphore, #tpu.memory_space<semaphore_mem>>
      %dma_start3A_163 = tpu.memref_slice %arg3[%add3A_4] : memref<16384xi32, #tpu.memory_space<hbm>> -> memref<128xi32, #tpu.memory_space<hbm>>
      %dma_start3A_164 = tpu.memref_slice %arg3[%add3A_4] : memref<16384xi32, #tpu.memory_space<hbm>> -> memref<128xi32, #tpu.memory_space<hbm>>
      tpu.enqueue_dma source(%dma_start3A_164 : memref<128xi32, #tpu.memory_space<hbm>>) target(%arg5 : memref<128xi32, #tpu.memory_space<vmem>>) target_semaphore(%run_scoped3A : memref<!tpu.dma_semaphore, #tpu.memory_space<semaphore_mem>>)
      %dma_wait3A_165 = tpu.memref_slice %arg3[%add3A_4] : memref<16384xi32, #tpu.memory_space<hbm>> -> memref<128xi32, #tpu.memory_space<hbm>>
      %dma_wait3A_166 = tpu.memref_slice %arg3[%add3A_4] : memref<16384xi32, #tpu.memory_space<hbm>> -> memref<128xi32, #tpu.memory_space<hbm>>
      tpu.wait_dma2 semaphore(%run_scoped3A : memref<!tpu.dma_semaphore, #tpu.memory_space<semaphore_mem>>) src(%dma_wait3A_166 : memref<128xi32, #tpu.memory_space<hbm>>) dst(%arg5 : memref<128xi32, #tpu.memory_space<vmem>>)
      tpu.yield
    }) : () -> ()
    %dma_start3A = arith.constant 0 : i32
    %dma_start3A_5 = tpu.memref_slice %arg5[%dma_start3A] : memref<128xi32, #tpu.memory_space<vmem>> -> memref<16xi32, #tpu.memory_space<vmem>>
    %dma_start3A_6 = arith.constant 0 : i32
    %dma_start3A_7 = arith.constant 0 : i32
    %dma_start3A_8 = tpu.memref_slice %arg2[%dma_start3A_6, %dma_start3A_7] : memref<100000x1024xf32, #tpu.memory_space<hbm>> -> memref<100000x1024xf32, #tpu.memory_space<hbm>>
    tpu.enqueue_indirect_dma source(%dma_start3A_8 : memref<100000x1024xf32, #tpu.memory_space<hbm>>) target(%arg6 : memref<16x1024xf32, #tpu.memory_space<vmem>>) offsets(%dma_start3A_5 : memref<16xi32, #tpu.memory_space<vmem>>) semaphore(%arg12 : memref<!tpu.dma_semaphore, #tpu.memory_space<semaphore_mem>>)
    %dma_start3A_9 = arith.constant 16 : i32
    %dma_start3A_10 = tpu.memref_slice %arg5[%dma_start3A_9] : memref<128xi32, #tpu.memory_space<vmem>> -> memref<16xi32, #tpu.memory_space<vmem>>
    %dma_start3A_11 = arith.constant 0 : i32
    %dma_start3A_12 = arith.constant 0 : i32
    %dma_start3A_13 = tpu.memref_slice %arg2[%dma_start3A_11, %dma_start3A_12] : memref<100000x1024xf32, #tpu.memory_space<hbm>> -> memref<100000x1024xf32, #tpu.memory_space<hbm>>
    tpu.enqueue_indirect_dma source(%dma_start3A_13 : memref<100000x1024xf32, #tpu.memory_space<hbm>>) target(%arg7 : memref<16x1024xf32, #tpu.memory_space<vmem>>) offsets(%dma_start3A_10 : memref<16xi32, #tpu.memory_space<vmem>>) semaphore(%arg13 : memref<!tpu.dma_semaphore, #tpu.memory_space<semaphore_mem>>)
    %dma_start3A_14 = arith.constant 32 : i32
    %dma_start3A_15 = tpu.memref_slice %arg5[%dma_start3A_14] : memref<128xi32, #tpu.memory_space<vmem>> -> memref<16xi32, #tpu.memory_space<vmem>>
    %dma_start3A_16 = arith.constant 0 : i32
    %dma_start3A_17 = arith.constant 0 : i32
    %dma_start3A_18 = tpu.memref_slice %arg2[%dma_start3A_16, %dma_start3A_17] : memref<100000x1024xf32, #tpu.memory_space<hbm>> -> memref<100000x1024xf32, #tpu.memory_space<hbm>>
    tpu.enqueue_indirect_dma source(%dma_start3A_18 : memref<100000x1024xf32, #tpu.memory_space<hbm>>) target(%arg8 : memref<16x1024xf32, #tpu.memory_space<vmem>>) offsets(%dma_start3A_15 : memref<16xi32, #tpu.memory_space<vmem>>) semaphore(%arg14 : memref<!tpu.dma_semaphore, #tpu.memory_space<semaphore_mem>>)
    %dma_start3A_19 = arith.constant 48 : i32
    %dma_start3A_20 = tpu.memref_slice %arg5[%dma_start3A_19] : memref<128xi32, #tpu.memory_space<vmem>> -> memref<16xi32, #tpu.memory_space<vmem>>
    %dma_start3A_21 = arith.constant 0 : i32
    %dma_start3A_22 = arith.constant 0 : i32
    %dma_start3A_23 = tpu.memref_slice %arg2[%dma_start3A_21, %dma_start3A_22] : memref<100000x1024xf32, #tpu.memory_space<hbm>> -> memref<100000x1024xf32, #tpu.memory_space<hbm>>
    tpu.enqueue_indirect_dma source(%dma_start3A_23 : memref<100000x1024xf32, #tpu.memory_space<hbm>>) target(%arg9 : memref<16x1024xf32, #tpu.memory_space<vmem>>) offsets(%dma_start3A_20 : memref<16xi32, #tpu.memory_space<vmem>>) semaphore(%arg15 : memref<!tpu.dma_semaphore, #tpu.memory_space<semaphore_mem>>)
    %dma_start3A_24 = arith.constant 64 : i32
    %dma_start3A_25 = tpu.memref_slice %arg5[%dma_start3A_24] : memref<128xi32, #tpu.memory_space<vmem>> -> memref<16xi32, #tpu.memory_space<vmem>>
    %dma_start3A_26 = arith.constant 0 : i32
    %dma_start3A_27 = arith.constant 0 : i32
    %dma_start3A_28 = tpu.memref_slice %arg2[%dma_start3A_26, %dma_start3A_27] : memref<100000x1024xf32, #tpu.memory_space<hbm>> -> memref<100000x1024xf32, #tpu.memory_space<hbm>>
    tpu.enqueue_indirect_dma source(%dma_start3A_28 : memref<100000x1024xf32, #tpu.memory_space<hbm>>) target(%arg10 : memref<16x1024xf32, #tpu.memory_space<vmem>>) offsets(%dma_start3A_25 : memref<16xi32, #tpu.memory_space<vmem>>) semaphore(%arg16 : memref<!tpu.dma_semaphore, #tpu.memory_space<semaphore_mem>>)
    %dma_wait3A = arith.constant 0 : i32
    %dma_wait3A_29 = tpu.memref_slice %arg5[%dma_wait3A] : memref<128xi32, #tpu.memory_space<vmem>> -> memref<16xi32, #tpu.memory_space<vmem>>
    %dma_wait3A_30 = arith.constant 0 : i32
    %dma_wait3A_31 = arith.constant 0 : i32
    %dma_wait3A_32 = tpu.memref_slice %arg2[%dma_wait3A_30, %dma_wait3A_31] : memref<100000x1024xf32, #tpu.memory_space<hbm>> -> memref<100000x1024xf32, #tpu.memory_space<hbm>>
    tpu.wait_indirect_dma semaphore(%arg12 : memref<!tpu.dma_semaphore, #tpu.memory_space<semaphore_mem>>) src(%dma_wait3A_32 : memref<100000x1024xf32, #tpu.memory_space<hbm>>) dst(%arg6 : memref<16x1024xf32, #tpu.memory_space<vmem>>)
    %add3A_33 = arith.constant 0 : i32
    %add3A_34 = arith.addi %mul3A_2, %add3A_33 : i32
    %dma_start3A_35 = arith.constant 0 : i32
    %dma_start3A_36 = tpu.memref_slice %arg4[%add3A_34, %dma_start3A_35] : memref<4096x1024xf32, #tpu.memory_space<hbm>> -> memref<16x1024xf32, #tpu.memory_space<hbm>>
    %dma_start3A_37 = arith.constant 0 : i32
    %dma_start3A_38 = tpu.memref_slice %arg4[%add3A_34, %dma_start3A_37] : memref<4096x1024xf32, #tpu.memory_space<hbm>> -> memref<16x1024xf32, #tpu.memory_space<hbm>>
    tpu.enqueue_dma source(%arg6 : memref<16x1024xf32, #tpu.memory_space<vmem>>) target(%dma_start3A_38 : memref<16x1024xf32, #tpu.memory_space<hbm>>) target_semaphore(%arg18 : memref<!tpu.dma_semaphore, #tpu.memory_space<semaphore_mem>>)
    %dma_start3A_39 = arith.constant 80 : i32
    %dma_start3A_40 = tpu.memref_slice %arg5[%dma_start3A_39] : memref<128xi32, #tpu.memory_space<vmem>> -> memref<16xi32, #tpu.memory_space<vmem>>
    %dma_start3A_41 = arith.constant 0 : i32
    %dma_start3A_42 = arith.constant 0 : i32
    %dma_start3A_43 = tpu.memref_slice %arg2[%dma_start3A_41, %dma_start3A_42] : memref<100000x1024xf32, #tpu.memory_space<hbm>> -> memref<100000x1024xf32, #tpu.memory_space<hbm>>
    tpu.enqueue_indirect_dma source(%dma_start3A_43 : memref<100000x1024xf32, #tpu.memory_space<hbm>>) target(%arg11 : memref<16x1024xf32, #tpu.memory_space<vmem>>) offsets(%dma_start3A_40 : memref<16xi32, #tpu.memory_space<vmem>>) semaphore(%arg17 : memref<!tpu.dma_semaphore, #tpu.memory_space<semaphore_mem>>)
    %dma_wait3A_44 = arith.constant 16 : i32
    %dma_wait3A_45 = tpu.memref_slice %arg5[%dma_wait3A_44] : memref<128xi32, #tpu.memory_space<vmem>> -> memref<16xi32, #tpu.memory_space<vmem>>
    %dma_wait3A_46 = arith.constant 0 : i32
    %dma_wait3A_47 = arith.constant 0 : i32
    %dma_wait3A_48 = tpu.memref_slice %arg2[%dma_wait3A_46, %dma_wait3A_47] : memref<100000x1024xf32, #tpu.memory_space<hbm>> -> memref<100000x1024xf32, #tpu.memory_space<hbm>>
    tpu.wait_indirect_dma semaphore(%arg13 : memref<!tpu.dma_semaphore, #tpu.memory_space<semaphore_mem>>) src(%dma_wait3A_48 : memref<100000x1024xf32, #tpu.memory_space<hbm>>) dst(%arg7 : memref<16x1024xf32, #tpu.memory_space<vmem>>)
    %add3A_49 = arith.constant 16 : i32
    %add3A_50 = arith.addi %mul3A_2, %add3A_49 : i32
    %dma_start3A_51 = arith.constant 0 : i32
    %dma_start3A_52 = tpu.memref_slice %arg4[%add3A_50, %dma_start3A_51] : memref<4096x1024xf32, #tpu.memory_space<hbm>> -> memref<16x1024xf32, #tpu.memory_space<hbm>>
    %dma_start3A_53 = arith.constant 0 : i32
    %dma_start3A_54 = tpu.memref_slice %arg4[%add3A_50, %dma_start3A_53] : memref<4096x1024xf32, #tpu.memory_space<hbm>> -> memref<16x1024xf32, #tpu.memory_space<hbm>>
    tpu.enqueue_dma source(%arg7 : memref<16x1024xf32, #tpu.memory_space<vmem>>) target(%dma_start3A_54 : memref<16x1024xf32, #tpu.memory_space<hbm>>) target_semaphore(%arg19 : memref<!tpu.dma_semaphore, #tpu.memory_space<semaphore_mem>>)
    %dma_wait3A_55 = arith.constant 0 : i32
    %dma_wait3A_56 = tpu.memref_slice %arg4[%add3A_34, %dma_wait3A_55] : memref<4096x1024xf32, #tpu.memory_space<hbm>> -> memref<16x1024xf32, #tpu.memory_space<hbm>>
    %dma_wait3A_57 = arith.constant 0 : i32
    %dma_wait3A_58 = tpu.memref_slice %arg4[%add3A_34, %dma_wait3A_57] : memref<4096x1024xf32, #tpu.memory_space<hbm>> -> memref<16x1024xf32, #tpu.memory_space<hbm>>
    tpu.wait_dma2 semaphore(%arg18 : memref<!tpu.dma_semaphore, #tpu.memory_space<semaphore_mem>>) src(%arg6 : memref<16x1024xf32, #tpu.memory_space<vmem>>) dst(%dma_wait3A_58 : memref<16x1024xf32, #tpu.memory_space<hbm>>)
    %dma_start3A_59 = arith.constant 96 : i32
    %dma_start3A_60 = tpu.memref_slice %arg5[%dma_start3A_59] : memref<128xi32, #tpu.memory_space<vmem>> -> memref<16xi32, #tpu.memory_space<vmem>>
    %dma_start3A_61 = arith.constant 0 : i32
    %dma_start3A_62 = arith.constant 0 : i32
    %dma_start3A_63 = tpu.memref_slice %arg2[%dma_start3A_61, %dma_start3A_62] : memref<100000x1024xf32, #tpu.memory_space<hbm>> -> memref<100000x1024xf32, #tpu.memory_space<hbm>>
    tpu.enqueue_indirect_dma source(%dma_start3A_63 : memref<100000x1024xf32, #tpu.memory_space<hbm>>) target(%arg6 : memref<16x1024xf32, #tpu.memory_space<vmem>>) offsets(%dma_start3A_60 : memref<16xi32, #tpu.memory_space<vmem>>) semaphore(%arg12 : memref<!tpu.dma_semaphore, #tpu.memory_space<semaphore_mem>>)
    %dma_wait3A_64 = arith.constant 32 : i32
    %dma_wait3A_65 = tpu.memref_slice %arg5[%dma_wait3A_64] : memref<128xi32, #tpu.memory_space<vmem>> -> memref<16xi32, #tpu.memory_space<vmem>>
    %dma_wait3A_66 = arith.constant 0 : i32
    %dma_wait3A_67 = arith.constant 0 : i32
    %dma_wait3A_68 = tpu.memref_slice %arg2[%dma_wait3A_66, %dma_wait3A_67] : memref<100000x1024xf32, #tpu.memory_space<hbm>> -> memref<100000x1024xf32, #tpu.memory_space<hbm>>
    tpu.wait_indirect_dma semaphore(%arg14 : memref<!tpu.dma_semaphore, #tpu.memory_space<semaphore_mem>>) src(%dma_wait3A_68 : memref<100000x1024xf32, #tpu.memory_space<hbm>>) dst(%arg8 : memref<16x1024xf32, #tpu.memory_space<vmem>>)
    %add3A_69 = arith.constant 32 : i32
    %add3A_70 = arith.addi %mul3A_2, %add3A_69 : i32
    %dma_start3A_71 = arith.constant 0 : i32
    %dma_start3A_72 = tpu.memref_slice %arg4[%add3A_70, %dma_start3A_71] : memref<4096x1024xf32, #tpu.memory_space<hbm>> -> memref<16x1024xf32, #tpu.memory_space<hbm>>
    %dma_start3A_73 = arith.constant 0 : i32
    %dma_start3A_74 = tpu.memref_slice %arg4[%add3A_70, %dma_start3A_73] : memref<4096x1024xf32, #tpu.memory_space<hbm>> -> memref<16x1024xf32, #tpu.memory_space<hbm>>
    tpu.enqueue_dma source(%arg8 : memref<16x1024xf32, #tpu.memory_space<vmem>>) target(%dma_start3A_74 : memref<16x1024xf32, #tpu.memory_space<hbm>>) target_semaphore(%arg20 : memref<!tpu.dma_semaphore, #tpu.memory_space<semaphore_mem>>)
    %dma_wait3A_75 = arith.constant 0 : i32
    %dma_wait3A_76 = tpu.memref_slice %arg4[%add3A_50, %dma_wait3A_75] : memref<4096x1024xf32, #tpu.memory_space<hbm>> -> memref<16x1024xf32, #tpu.memory_space<hbm>>
    %dma_wait3A_77 = arith.constant 0 : i32
    %dma_wait3A_78 = tpu.memref_slice %arg4[%add3A_50, %dma_wait3A_77] : memref<4096x1024xf32, #tpu.memory_space<hbm>> -> memref<16x1024xf32, #tpu.memory_space<hbm>>
    tpu.wait_dma2 semaphore(%arg19 : memref<!tpu.dma_semaphore, #tpu.memory_space<semaphore_mem>>) src(%arg7 : memref<16x1024xf32, #tpu.memory_space<vmem>>) dst(%dma_wait3A_78 : memref<16x1024xf32, #tpu.memory_space<hbm>>)
    %dma_start3A_79 = arith.constant 112 : i32
    %dma_start3A_80 = tpu.memref_slice %arg5[%dma_start3A_79] : memref<128xi32, #tpu.memory_space<vmem>> -> memref<16xi32, #tpu.memory_space<vmem>>
    %dma_start3A_81 = arith.constant 0 : i32
    %dma_start3A_82 = arith.constant 0 : i32
    %dma_start3A_83 = tpu.memref_slice %arg2[%dma_start3A_81, %dma_start3A_82] : memref<100000x1024xf32, #tpu.memory_space<hbm>> -> memref<100000x1024xf32, #tpu.memory_space<hbm>>
    tpu.enqueue_indirect_dma source(%dma_start3A_83 : memref<100000x1024xf32, #tpu.memory_space<hbm>>) target(%arg7 : memref<16x1024xf32, #tpu.memory_space<vmem>>) offsets(%dma_start3A_80 : memref<16xi32, #tpu.memory_space<vmem>>) semaphore(%arg13 : memref<!tpu.dma_semaphore, #tpu.memory_space<semaphore_mem>>)
    %dma_wait3A_84 = arith.constant 48 : i32
    %dma_wait3A_85 = tpu.memref_slice %arg5[%dma_wait3A_84] : memref<128xi32, #tpu.memory_space<vmem>> -> memref<16xi32, #tpu.memory_space<vmem>>
    %dma_wait3A_86 = arith.constant 0 : i32
    %dma_wait3A_87 = arith.constant 0 : i32
    %dma_wait3A_88 = tpu.memref_slice %arg2[%dma_wait3A_86, %dma_wait3A_87] : memref<100000x1024xf32, #tpu.memory_space<hbm>> -> memref<100000x1024xf32, #tpu.memory_space<hbm>>
    tpu.wait_indirect_dma semaphore(%arg15 : memref<!tpu.dma_semaphore, #tpu.memory_space<semaphore_mem>>) src(%dma_wait3A_88 : memref<100000x1024xf32, #tpu.memory_space<hbm>>) dst(%arg9 : memref<16x1024xf32, #tpu.memory_space<vmem>>)
    %add3A_89 = arith.constant 48 : i32
    %add3A_90 = arith.addi %mul3A_2, %add3A_89 : i32
    %dma_start3A_91 = arith.constant 0 : i32
    %dma_start3A_92 = tpu.memref_slice %arg4[%add3A_90, %dma_start3A_91] : memref<4096x1024xf32, #tpu.memory_space<hbm>> -> memref<16x1024xf32, #tpu.memory_space<hbm>>
    %dma_start3A_93 = arith.constant 0 : i32
    %dma_start3A_94 = tpu.memref_slice %arg4[%add3A_90, %dma_start3A_93] : memref<4096x1024xf32, #tpu.memory_space<hbm>> -> memref<16x1024xf32, #tpu.memory_space<hbm>>
    tpu.enqueue_dma source(%arg9 : memref<16x1024xf32, #tpu.memory_space<vmem>>) target(%dma_start3A_94 : memref<16x1024xf32, #tpu.memory_space<hbm>>) target_semaphore(%arg21 : memref<!tpu.dma_semaphore, #tpu.memory_space<semaphore_mem>>)
    %dma_wait3A_95 = arith.constant 64 : i32
    %dma_wait3A_96 = tpu.memref_slice %arg5[%dma_wait3A_95] : memref<128xi32, #tpu.memory_space<vmem>> -> memref<16xi32, #tpu.memory_space<vmem>>
    %dma_wait3A_97 = arith.constant 0 : i32
    %dma_wait3A_98 = arith.constant 0 : i32
    %dma_wait3A_99 = tpu.memref_slice %arg2[%dma_wait3A_97, %dma_wait3A_98] : memref<100000x1024xf32, #tpu.memory_space<hbm>> -> memref<100000x1024xf32, #tpu.memory_space<hbm>>
    tpu.wait_indirect_dma semaphore(%arg16 : memref<!tpu.dma_semaphore, #tpu.memory_space<semaphore_mem>>) src(%dma_wait3A_99 : memref<100000x1024xf32, #tpu.memory_space<hbm>>) dst(%arg10 : memref<16x1024xf32, #tpu.memory_space<vmem>>)
    %add3A_100 = arith.constant 64 : i32
    %add3A_101 = arith.addi %mul3A_2, %add3A_100 : i32
    %dma_start3A_102 = arith.constant 0 : i32
    %dma_start3A_103 = tpu.memref_slice %arg4[%add3A_101, %dma_start3A_102] : memref<4096x1024xf32, #tpu.memory_space<hbm>> -> memref<16x1024xf32, #tpu.memory_space<hbm>>
    %dma_start3A_104 = arith.constant 0 : i32
    %dma_start3A_105 = tpu.memref_slice %arg4[%add3A_101, %dma_start3A_104] : memref<4096x1024xf32, #tpu.memory_space<hbm>> -> memref<16x1024xf32, #tpu.memory_space<hbm>>
    tpu.enqueue_dma source(%arg10 : memref<16x1024xf32, #tpu.memory_space<vmem>>) target(%dma_start3A_105 : memref<16x1024xf32, #tpu.memory_space<hbm>>) target_semaphore(%arg22 : memref<!tpu.dma_semaphore, #tpu.memory_space<semaphore_mem>>)
    %dma_wait3A_106 = arith.constant 80 : i32
    %dma_wait3A_107 = tpu.memref_slice %arg5[%dma_wait3A_106] : memref<128xi32, #tpu.memory_space<vmem>> -> memref<16xi32, #tpu.memory_space<vmem>>
    %dma_wait3A_108 = arith.constant 0 : i32
    %dma_wait3A_109 = arith.constant 0 : i32
    %dma_wait3A_110 = tpu.memref_slice %arg2[%dma_wait3A_108, %dma_wait3A_109] : memref<100000x1024xf32, #tpu.memory_space<hbm>> -> memref<100000x1024xf32, #tpu.memory_space<hbm>>
    tpu.wait_indirect_dma semaphore(%arg17 : memref<!tpu.dma_semaphore, #tpu.memory_space<semaphore_mem>>) src(%dma_wait3A_110 : memref<100000x1024xf32, #tpu.memory_space<hbm>>) dst(%arg11 : memref<16x1024xf32, #tpu.memory_space<vmem>>)
    %add3A_111 = arith.constant 80 : i32
    %add3A_112 = arith.addi %mul3A_2, %add3A_111 : i32
    %dma_start3A_113 = arith.constant 0 : i32
    %dma_start3A_114 = tpu.memref_slice %arg4[%add3A_112, %dma_start3A_113] : memref<4096x1024xf32, #tpu.memory_space<hbm>> -> memref<16x1024xf32, #tpu.memory_space<hbm>>
    %dma_start3A_115 = arith.constant 0 : i32
    %dma_start3A_116 = tpu.memref_slice %arg4[%add3A_112, %dma_start3A_115] : memref<4096x1024xf32, #tpu.memory_space<hbm>> -> memref<16x1024xf32, #tpu.memory_space<hbm>>
    tpu.enqueue_dma source(%arg11 : memref<16x1024xf32, #tpu.memory_space<vmem>>) target(%dma_start3A_116 : memref<16x1024xf32, #tpu.memory_space<hbm>>) target_semaphore(%arg23 : memref<!tpu.dma_semaphore, #tpu.memory_space<semaphore_mem>>)
    %dma_wait3A_117 = arith.constant 96 : i32
    %dma_wait3A_118 = tpu.memref_slice %arg5[%dma_wait3A_117] : memref<128xi32, #tpu.memory_space<vmem>> -> memref<16xi32, #tpu.memory_space<vmem>>
    %dma_wait3A_119 = arith.constant 0 : i32
    %dma_wait3A_120 = arith.constant 0 : i32
    %dma_wait3A_121 = tpu.memref_slice %arg2[%dma_wait3A_119, %dma_wait3A_120] : memref<100000x1024xf32, #tpu.memory_space<hbm>> -> memref<100000x1024xf32, #tpu.memory_space<hbm>>
    tpu.wait_indirect_dma semaphore(%arg12 : memref<!tpu.dma_semaphore, #tpu.memory_space<semaphore_mem>>) src(%dma_wait3A_121 : memref<100000x1024xf32, #tpu.memory_space<hbm>>) dst(%arg6 : memref<16x1024xf32, #tpu.memory_space<vmem>>)
    %add3A_122 = arith.constant 96 : i32
    %add3A_123 = arith.addi %mul3A_2, %add3A_122 : i32
    %dma_start3A_124 = arith.constant 0 : i32
    %dma_start3A_125 = tpu.memref_slice %arg4[%add3A_123, %dma_start3A_124] : memref<4096x1024xf32, #tpu.memory_space<hbm>> -> memref<16x1024xf32, #tpu.memory_space<hbm>>
    %dma_start3A_126 = arith.constant 0 : i32
    %dma_start3A_127 = tpu.memref_slice %arg4[%add3A_123, %dma_start3A_126] : memref<4096x1024xf32, #tpu.memory_space<hbm>> -> memref<16x1024xf32, #tpu.memory_space<hbm>>
    tpu.enqueue_dma source(%arg6 : memref<16x1024xf32, #tpu.memory_space<vmem>>) target(%dma_start3A_127 : memref<16x1024xf32, #tpu.memory_space<hbm>>) target_semaphore(%arg18 : memref<!tpu.dma_semaphore, #tpu.memory_space<semaphore_mem>>)
    %dma_wait3A_128 = arith.constant 112 : i32
    %dma_wait3A_129 = tpu.memref_slice %arg5[%dma_wait3A_128] : memref<128xi32, #tpu.memory_space<vmem>> -> memref<16xi32, #tpu.memory_space<vmem>>
    %dma_wait3A_130 = arith.constant 0 : i32
    %dma_wait3A_131 = arith.constant 0 : i32
    %dma_wait3A_132 = tpu.memref_slice %arg2[%dma_wait3A_130, %dma_wait3A_131] : memref<100000x1024xf32, #tpu.memory_space<hbm>> -> memref<100000x1024xf32, #tpu.memory_space<hbm>>
    tpu.wait_indirect_dma semaphore(%arg13 : memref<!tpu.dma_semaphore, #tpu.memory_space<semaphore_mem>>) src(%dma_wait3A_132 : memref<100000x1024xf32, #tpu.memory_space<hbm>>) dst(%arg7 : memref<16x1024xf32, #tpu.memory_space<vmem>>)
    %add3A_133 = arith.constant 112 : i32
    %add3A_134 = arith.addi %mul3A_2, %add3A_133 : i32
    %dma_start3A_135 = arith.constant 0 : i32
    %dma_start3A_136 = tpu.memref_slice %arg4[%add3A_134, %dma_start3A_135] : memref<4096x1024xf32, #tpu.memory_space<hbm>> -> memref<16x1024xf32, #tpu.memory_space<hbm>>
    %dma_start3A_137 = arith.constant 0 : i32
    %dma_start3A_138 = tpu.memref_slice %arg4[%add3A_134, %dma_start3A_137] : memref<4096x1024xf32, #tpu.memory_space<hbm>> -> memref<16x1024xf32, #tpu.memory_space<hbm>>
    tpu.enqueue_dma source(%arg7 : memref<16x1024xf32, #tpu.memory_space<vmem>>) target(%dma_start3A_138 : memref<16x1024xf32, #tpu.memory_space<hbm>>) target_semaphore(%arg19 : memref<!tpu.dma_semaphore, #tpu.memory_space<semaphore_mem>>)
    %dma_wait3A_139 = arith.constant 0 : i32
    %dma_wait3A_140 = tpu.memref_slice %arg4[%add3A_123, %dma_wait3A_139] : memref<4096x1024xf32, #tpu.memory_space<hbm>> -> memref<16x1024xf32, #tpu.memory_space<hbm>>
    %dma_wait3A_141 = arith.constant 0 : i32
    %dma_wait3A_142 = tpu.memref_slice %arg4[%add3A_123, %dma_wait3A_141] : memref<4096x1024xf32, #tpu.memory_space<hbm>> -> memref<16x1024xf32, #tpu.memory_space<hbm>>
    tpu.wait_dma2 semaphore(%arg18 : memref<!tpu.dma_semaphore, #tpu.memory_space<semaphore_mem>>) src(%arg6 : memref<16x1024xf32, #tpu.memory_space<vmem>>) dst(%dma_wait3A_142 : memref<16x1024xf32, #tpu.memory_space<hbm>>)
    %dma_wait3A_143 = arith.constant 0 : i32
    %dma_wait3A_144 = tpu.memref_slice %arg4[%add3A_134, %dma_wait3A_143] : memref<4096x1024xf32, #tpu.memory_space<hbm>> -> memref<16x1024xf32, #tpu.memory_space<hbm>>
    %dma_wait3A_145 = arith.constant 0 : i32
    %dma_wait3A_146 = tpu.memref_slice %arg4[%add3A_134, %dma_wait3A_145] : memref<4096x1024xf32, #tpu.memory_space<hbm>> -> memref<16x1024xf32, #tpu.memory_space<hbm>>
    tpu.wait_dma2 semaphore(%arg19 : memref<!tpu.dma_semaphore, #tpu.memory_space<semaphore_mem>>) src(%arg7 : memref<16x1024xf32, #tpu.memory_space<vmem>>) dst(%dma_wait3A_146 : memref<16x1024xf32, #tpu.memory_space<hbm>>)
    %dma_wait3A_147 = arith.constant 0 : i32
    %dma_wait3A_148 = tpu.memref_slice %arg4[%add3A_70, %dma_wait3A_147] : memref<4096x1024xf32, #tpu.memory_space<hbm>> -> memref<16x1024xf32, #tpu.memory_space<hbm>>
    %dma_wait3A_149 = arith.constant 0 : i32
    %dma_wait3A_150 = tpu.memref_slice %arg4[%add3A_70, %dma_wait3A_149] : memref<4096x1024xf32, #tpu.memory_space<hbm>> -> memref<16x1024xf32, #tpu.memory_space<hbm>>
    tpu.wait_dma2 semaphore(%arg20 : memref<!tpu.dma_semaphore, #tpu.memory_space<semaphore_mem>>) src(%arg8 : memref<16x1024xf32, #tpu.memory_space<vmem>>) dst(%dma_wait3A_150 : memref<16x1024xf32, #tpu.memory_space<hbm>>)
    %dma_wait3A_151 = arith.constant 0 : i32
    %dma_wait3A_152 = tpu.memref_slice %arg4[%add3A_90, %dma_wait3A_151] : memref<4096x1024xf32, #tpu.memory_space<hbm>> -> memref<16x1024xf32, #tpu.memory_space<hbm>>
    %dma_wait3A_153 = arith.constant 0 : i32
    %dma_wait3A_154 = tpu.memref_slice %arg4[%add3A_90, %dma_wait3A_153] : memref<4096x1024xf32, #tpu.memory_space<hbm>> -> memref<16x1024xf32, #tpu.memory_space<hbm>>
    tpu.wait_dma2 semaphore(%arg21 : memref<!tpu.dma_semaphore, #tpu.memory_space<semaphore_mem>>) src(%arg9 : memref<16x1024xf32, #tpu.memory_space<vmem>>) dst(%dma_wait3A_154 : memref<16x1024xf32, #tpu.memory_space<hbm>>)
    %dma_wait3A_155 = arith.constant 0 : i32
    %dma_wait3A_156 = tpu.memref_slice %arg4[%add3A_101, %dma_wait3A_155] : memref<4096x1024xf32, #tpu.memory_space<hbm>> -> memref<16x1024xf32, #tpu.memory_space<hbm>>
    %dma_wait3A_157 = arith.constant 0 : i32
    %dma_wait3A_158 = tpu.memref_slice %arg4[%add3A_101, %dma_wait3A_157] : memref<4096x1024xf32, #tpu.memory_space<hbm>> -> memref<16x1024xf32, #tpu.memory_space<hbm>>
    tpu.wait_dma2 semaphore(%arg22 : memref<!tpu.dma_semaphore, #tpu.memory_space<semaphore_mem>>) src(%arg10 : memref<16x1024xf32, #tpu.memory_space<vmem>>) dst(%dma_wait3A_158 : memref<16x1024xf32, #tpu.memory_space<hbm>>)
    %dma_wait3A_159 = arith.constant 0 : i32
    %dma_wait3A_160 = tpu.memref_slice %arg4[%add3A_112, %dma_wait3A_159] : memref<4096x1024xf32, #tpu.memory_space<hbm>> -> memref<16x1024xf32, #tpu.memory_space<hbm>>
    %dma_wait3A_161 = arith.constant 0 : i32
    %dma_wait3A_162 = tpu.memref_slice %arg4[%add3A_112, %dma_wait3A_161] : memref<4096x1024xf32, #tpu.memory_space<hbm>> -> memref<16x1024xf32, #tpu.memory_space<hbm>>
    tpu.wait_dma2 semaphore(%arg23 : memref<!tpu.dma_semaphore, #tpu.memory_space<semaphore_mem>>) src(%arg11 : memref<16x1024xf32, #tpu.memory_space<vmem>>) dst(%dma_wait3A_162 : memref<16x1024xf32, #tpu.memory_space<hbm>>)
    return
  }
}

module attributes {stable_mosaic.version = 14 : i64} {
  func.func @_ln_body_alias(%arg0: i32, %arg1: i32, %arg2: memref<8x128xf32, #tpu.memory_space<vmem>>, %arg3: memref<1024x1024xf32, #tpu.memory_space<vmem>>, %arg4: memref<1024x1024xf32, #tpu.memory_space<vmem>>, %arg5: memref<1024x1xi8, #tpu.memory_space<vmem>>, %arg6: memref<4x1024xf32, #tpu.memory_space<vmem>>, %arg7: memref<1024x1024xf32, #tpu.memory_space<vmem>>) attributes {dimension_semantics = [#tpu.dimension_semantics<arbitrary>, #tpu.dimension_semantics<arbitrary>], iteration_bounds = array<i64: 1, 4>, scalar_prefetch = 0 : i64, scratch_operands = 0 : i64, tpu.core_type = #tpu.core_type<tc>, window_params = [{transform_indices = @transform_0, window_bounds = array<i64: 8, 128>}, {transform_indices = @transform_1, window_bounds = array<i64: 1024, 1024>}, {transform_indices = @transform_2, window_bounds = array<i64: 1024, 1024>}, {transform_indices = @transform_3, window_bounds = array<i64: 1024, 1>}, {pipeline_mode = #tpu.pipeline_mode<synchronous>, transform_indices = @transform_4, window_bounds = array<i64: 4, 1024>}, {transform_indices = @transform_5, window_bounds = array<i64: 1024, 1024>}]} {
    %get3A = arith.constant 0 : index
    %get3A_0 = arith.constant 0 : index
    %get3A_1 = vector.load %arg3[%get3A, %get3A_0] : memref<1024x1024xf32, #tpu.memory_space<vmem>>, vector<1024x1024xf32>
    %get3A_2 = arith.constant 0 : index
    %get3A_3 = arith.constant 0 : index
    %get3A_4 = vector.load %arg4[%get3A_2, %get3A_3] : memref<1024x1024xf32, #tpu.memory_space<vmem>>, vector<1024x1024xf32>
    %add3A = arith.addf %get3A_1, %get3A_4 : vector<1024x1024xf32>
    %get3A_5 = arith.constant 0 : index
    %get3A_6 = arith.constant 0 : index
    %get3A_7 = vector.load %arg6[%get3A_5, %get3A_6] : memref<4x1024xf32, #tpu.memory_space<vmem>>, vector<1x1024xf32>
    %get3A_8 = arith.constant 1 : index
    %get3A_9 = arith.constant 0 : index
    %get3A_10 = vector.load %arg6[%get3A_8, %get3A_9] : memref<4x1024xf32, #tpu.memory_space<vmem>>, vector<1x1024xf32>
    %add3A_11 = vector.broadcast %get3A_7 : vector<1x1024xf32> to vector<1024x1024xf32>
    %add3A_12 = arith.addf %add3A, %add3A_11 : vector<1024x1024xf32>
    %get3A_13 = arith.constant 0 : index
    %get3A_14 = arith.constant 0 : index
    %get3A_15 = vector.load %arg5[%get3A_13, %get3A_14] : memref<1024x1xi8, #tpu.memory_space<vmem>>, vector<1024x1xi8>
    %convert_element_type3A = arith.sitofp %get3A_15 : vector<1024x1xi8> to vector<1024x1xf32>
    %sub3A = arith.subf %get3A_10, %get3A_7 : vector<1x1024xf32>
    %mul3A = vector.broadcast %convert_element_type3A : vector<1024x1xf32> to vector<1024x1024xf32>
    %mul3A_16 = vector.broadcast %sub3A : vector<1x1024xf32> to vector<1024x1024xf32>
    %mul3A_17 = arith.mulf %mul3A, %mul3A_16 : vector<1024x1024xf32>
    %add3A_18 = arith.addf %add3A_12, %mul3A_17 : vector<1024x1024xf32>
    %reduce_sum3A = arith.constant dense<0.000000e+00> : vector<1024xf32>
    %reduce_sum3A_19 = vector.multi_reduction <add>, %add3A_18, %reduce_sum3A [1] : vector<1024x1024xf32> to vector<1024xf32>
    %broadcast_in_dim3A = vector.shape_cast %reduce_sum3A_19 : vector<1024xf32> to vector<1024x1xf32>
    %div3A = arith.constant 1.024000e+03 : f32
    %div3A_20 = vector.broadcast %div3A : f32 to vector<1024x1xf32>
    %div3A_21 = arith.divf %broadcast_in_dim3A, %div3A_20 : vector<1024x1xf32>
    %sub3A_22 = vector.broadcast %div3A_21 : vector<1024x1xf32> to vector<1024x1024xf32>
    %sub3A_23 = arith.subf %add3A_18, %sub3A_22 : vector<1024x1024xf32>
    %mul3A_24 = arith.mulf %sub3A_23, %sub3A_23 : vector<1024x1024xf32>
    %reduce_sum3A_25 = arith.constant dense<0.000000e+00> : vector<1024xf32>
    %reduce_sum3A_26 = vector.multi_reduction <add>, %mul3A_24, %reduce_sum3A_25 [1] : vector<1024x1024xf32> to vector<1024xf32>
    %broadcast_in_dim3A_27 = vector.shape_cast %reduce_sum3A_26 : vector<1024xf32> to vector<1024x1xf32>
    %div3A_28 = arith.constant 1.024000e+03 : f32
    %div3A_29 = vector.broadcast %div3A_28 : f32 to vector<1024x1xf32>
    %div3A_30 = arith.divf %broadcast_in_dim3A_27, %div3A_29 : vector<1024x1xf32>
    %add3A_31 = arith.constant 9.99999996E-13 : f32
    %add3A_32 = vector.broadcast %add3A_31 : f32 to vector<1024x1xf32>
    %add3A_33 = arith.addf %div3A_30, %add3A_32 : vector<1024x1xf32>
    %rsqrt3A = math.rsqrt %add3A_33 : vector<1024x1xf32>
    %mul3A_34 = vector.broadcast %rsqrt3A : vector<1024x1xf32> to vector<1024x1024xf32>
    %mul3A_35 = arith.mulf %sub3A_23, %mul3A_34 : vector<1024x1024xf32>
    %get3A_36 = arith.constant 2 : index
    %get3A_37 = arith.constant 0 : index
    %get3A_38 = vector.load %arg6[%get3A_36, %get3A_37] : memref<4x1024xf32, #tpu.memory_space<vmem>>, vector<1x1024xf32>
    %mul3A_39 = vector.broadcast %get3A_38 : vector<1x1024xf32> to vector<1024x1024xf32>
    %mul3A_40 = arith.mulf %mul3A_35, %mul3A_39 : vector<1024x1024xf32>
    %get3A_41 = arith.constant 3 : index
    %get3A_42 = arith.constant 0 : index
    %get3A_43 = vector.load %arg6[%get3A_41, %get3A_42] : memref<4x1024xf32, #tpu.memory_space<vmem>>, vector<1x1024xf32>
    %add3A_44 = vector.broadcast %get3A_43 : vector<1x1024xf32> to vector<1024x1024xf32>
    %add3A_45 = arith.addf %mul3A_40, %add3A_44 : vector<1024x1024xf32>
    %swap3A = arith.constant 0 : index
    %swap3A_46 = arith.constant 0 : index
    %swap3A_47 = vector.load %arg7[%swap3A, %swap3A_46] : memref<1024x1024xf32, #tpu.memory_space<vmem>>, vector<1024x1024xf32>
    tpu.vector_store %arg7[%swap3A, %swap3A_46], %add3A_45 {strides = array<i32>} : memref<1024x1024xf32, #tpu.memory_space<vmem>>, vector<1024x1024xf32>,
    return
  }
  func.func @transform_0(%arg0: i32, %arg1: i32) -> (i32, i32) {
    %c0_i32 = arith.constant 0 : i32
    %c0_i32_0 = arith.constant 0 : i32
    %c0_i32_1 = arith.constant 0 : i32
    return %c0_i32, %c0_i32_0 : i32, i32
  }
  func.func @transform_1(%arg0: i32, %arg1: i32) -> (i32, i32) {
    %mul3A = arith.constant 1 : i32
    %mul3A_0 = arith.muli %arg1, %mul3A : i32
    %add3A = arith.addi %mul3A_0, %arg0 : i32
    %c0_i32 = arith.constant 0 : i32
    %c0_i32_1 = arith.constant 0 : i32
    return %add3A, %c0_i32 : i32, i32
  }
  func.func @transform_2(%arg0: i32, %arg1: i32) -> (i32, i32) {
    %add3A = arith.constant 1 : i32
    %add3A_0 = arith.addi %add3A, %arg0 : i32
    %c0_i32 = arith.constant 0 : i32
    %c0_i32_1 = arith.constant 0 : i32
    return %add3A_0, %c0_i32 : i32, i32
  }
  func.func @transform_3(%arg0: i32, %arg1: i32) -> (i32, i32) {
    %mul3A = arith.constant 4 : i32
    %mul3A_0 = arith.muli %arg1, %mul3A : i32
    %add3A = arith.constant 1 : i32
    %add3A_1 = arith.addi %mul3A_0, %add3A : i32
    %add3A_2 = arith.addi %add3A_1, %arg0 : i32
    %c0_i32 = arith.constant 0 : i32
    %c0_i32_3 = arith.constant 0 : i32
    return %add3A_2, %c0_i32 : i32, i32
  }
  func.func @transform_4(%arg0: i32, %arg1: i32) -> (i32, i32) {
    %c0_i32 = arith.constant 0 : i32
    %c0_i32_0 = arith.constant 0 : i32
    %c0_i32_1 = arith.constant 0 : i32
    return %c0_i32, %c0_i32_0 : i32, i32
  }
  func.func @transform_5(%arg0: i32, %arg1: i32) -> (i32, i32) {
    %mul3A = arith.constant 4 : i32
    %mul3A_0 = arith.muli %arg1, %mul3A : i32
    %add3A = arith.constant 1 : i32
    %add3A_1 = arith.addi %mul3A_0, %add3A : i32
    %add3A_2 = arith.addi %add3A_1, %arg0 : i32
    %c0_i32 = arith.constant 0 : i32
    %c0_i32_3 = arith.constant 0 : i32
    return %add3A_2, %c0_i32 : i32, i32
  }
}

module attributes {stable_mosaic.version = 14 : i64} {
  func.func @_ln_body_first(%arg0: i32, %arg1: i32, %arg2: memref<1024x1024xf32, #tpu.memory_space<vmem>>, %arg3: memref<1024x1024xf32, #tpu.memory_space<vmem>>, %arg4: memref<1024x1xi8, #tpu.memory_space<vmem>>, %arg5: memref<4x1024xf32, #tpu.memory_space<vmem>>, %arg6: memref<1024x1024xf32, #tpu.memory_space<vmem>>) attributes {dimension_semantics = [#tpu.dimension_semantics<arbitrary>, #tpu.dimension_semantics<arbitrary>], iteration_bounds = array<i64: 1, 4>, scalar_prefetch = 0 : i64, scratch_operands = 0 : i64, tpu.core_type = #tpu.core_type<tc>, window_params = [{transform_indices = @transform_0, window_bounds = array<i64: 1024, 1024>}, {transform_indices = @transform_1, window_bounds = array<i64: 1024, 1024>}, {transform_indices = @transform_2, window_bounds = array<i64: 1024, 1>}, {pipeline_mode = #tpu.pipeline_mode<synchronous>, transform_indices = @transform_3, window_bounds = array<i64: 4, 1024>}, {transform_indices = @transform_4, window_bounds = array<i64: 1024, 1024>}]} {
    %get3A = arith.constant 0 : index
    %get3A_0 = arith.constant 0 : index
    %get3A_1 = vector.load %arg2[%get3A, %get3A_0] : memref<1024x1024xf32, #tpu.memory_space<vmem>>, vector<1024x1024xf32>
    %get3A_2 = arith.constant 0 : index
    %get3A_3 = arith.constant 0 : index
    %get3A_4 = vector.load %arg3[%get3A_2, %get3A_3] : memref<1024x1024xf32, #tpu.memory_space<vmem>>, vector<1024x1024xf32>
    %add3A = arith.addf %get3A_1, %get3A_4 : vector<1024x1024xf32>
    %get3A_5 = arith.constant 0 : index
    %get3A_6 = arith.constant 0 : index
    %get3A_7 = vector.load %arg5[%get3A_5, %get3A_6] : memref<4x1024xf32, #tpu.memory_space<vmem>>, vector<1x1024xf32>
    %get3A_8 = arith.constant 1 : index
    %get3A_9 = arith.constant 0 : index
    %get3A_10 = vector.load %arg5[%get3A_8, %get3A_9] : memref<4x1024xf32, #tpu.memory_space<vmem>>, vector<1x1024xf32>
    %add3A_11 = vector.broadcast %get3A_7 : vector<1x1024xf32> to vector<1024x1024xf32>
    %add3A_12 = arith.addf %add3A, %add3A_11 : vector<1024x1024xf32>
    %get3A_13 = arith.constant 0 : index
    %get3A_14 = arith.constant 0 : index
    %get3A_15 = vector.load %arg4[%get3A_13, %get3A_14] : memref<1024x1xi8, #tpu.memory_space<vmem>>, vector<1024x1xi8>
    %convert_element_type3A = arith.sitofp %get3A_15 : vector<1024x1xi8> to vector<1024x1xf32>
    %sub3A = arith.subf %get3A_10, %get3A_7 : vector<1x1024xf32>
    %mul3A = vector.broadcast %convert_element_type3A : vector<1024x1xf32> to vector<1024x1024xf32>
    %mul3A_16 = vector.broadcast %sub3A : vector<1x1024xf32> to vector<1024x1024xf32>
    %mul3A_17 = arith.mulf %mul3A, %mul3A_16 : vector<1024x1024xf32>
    %add3A_18 = arith.addf %add3A_12, %mul3A_17 : vector<1024x1024xf32>
    %reduce_sum3A = arith.constant dense<0.000000e+00> : vector<1024xf32>
    %reduce_sum3A_19 = vector.multi_reduction <add>, %add3A_18, %reduce_sum3A [1] : vector<1024x1024xf32> to vector<1024xf32>
    %broadcast_in_dim3A = vector.shape_cast %reduce_sum3A_19 : vector<1024xf32> to vector<1024x1xf32>
    %div3A = arith.constant 1.024000e+03 : f32
    %div3A_20 = vector.broadcast %div3A : f32 to vector<1024x1xf32>
    %div3A_21 = arith.divf %broadcast_in_dim3A, %div3A_20 : vector<1024x1xf32>
    %sub3A_22 = vector.broadcast %div3A_21 : vector<1024x1xf32> to vector<1024x1024xf32>
    %sub3A_23 = arith.subf %add3A_18, %sub3A_22 : vector<1024x1024xf32>
    %mul3A_24 = arith.mulf %sub3A_23, %sub3A_23 : vector<1024x1024xf32>
    %reduce_sum3A_25 = arith.constant dense<0.000000e+00> : vector<1024xf32>
    %reduce_sum3A_26 = vector.multi_reduction <add>, %mul3A_24, %reduce_sum3A_25 [1] : vector<1024x1024xf32> to vector<1024xf32>
    %broadcast_in_dim3A_27 = vector.shape_cast %reduce_sum3A_26 : vector<1024xf32> to vector<1024x1xf32>
    %div3A_28 = arith.constant 1.024000e+03 : f32
    %div3A_29 = vector.broadcast %div3A_28 : f32 to vector<1024x1xf32>
    %div3A_30 = arith.divf %broadcast_in_dim3A_27, %div3A_29 : vector<1024x1xf32>
    %add3A_31 = arith.constant 9.99999996E-13 : f32
    %add3A_32 = vector.broadcast %add3A_31 : f32 to vector<1024x1xf32>
    %add3A_33 = arith.addf %div3A_30, %add3A_32 : vector<1024x1xf32>
    %rsqrt3A = math.rsqrt %add3A_33 : vector<1024x1xf32>
    %mul3A_34 = vector.broadcast %rsqrt3A : vector<1024x1xf32> to vector<1024x1024xf32>
    %mul3A_35 = arith.mulf %sub3A_23, %mul3A_34 : vector<1024x1024xf32>
    %get3A_36 = arith.constant 2 : index
    %get3A_37 = arith.constant 0 : index
    %get3A_38 = vector.load %arg5[%get3A_36, %get3A_37] : memref<4x1024xf32, #tpu.memory_space<vmem>>, vector<1x1024xf32>
    %mul3A_39 = vector.broadcast %get3A_38 : vector<1x1024xf32> to vector<1024x1024xf32>
    %mul3A_40 = arith.mulf %mul3A_35, %mul3A_39 : vector<1024x1024xf32>
    %get3A_41 = arith.constant 3 : index
    %get3A_42 = arith.constant 0 : index
    %get3A_43 = vector.load %arg5[%get3A_41, %get3A_42] : memref<4x1024xf32, #tpu.memory_space<vmem>>, vector<1x1024xf32>
    %add3A_44 = vector.broadcast %get3A_43 : vector<1x1024xf32> to vector<1024x1024xf32>
    %add3A_45 = arith.addf %mul3A_40, %add3A_44 : vector<1024x1024xf32>
    %swap3A = arith.constant 0 : index
    %swap3A_46 = arith.constant 0 : index
    %swap3A_47 = vector.load %arg6[%swap3A, %swap3A_46] : memref<1024x1024xf32, #tpu.memory_space<vmem>>, vector<1024x1024xf32>
    tpu.vector_store %arg6[%swap3A, %swap3A_46], %add3A_45 {strides = array<i32>} : memref<1024x1024xf32, #tpu.memory_space<vmem>>, vector<1024x1024xf32>,
    return
  }
  func.func @transform_0(%arg0: i32, %arg1: i32) -> (i32, i32) {
    %mul3A = arith.constant 1 : i32
    %mul3A_0 = arith.muli %arg1, %mul3A : i32
    %add3A = arith.addi %mul3A_0, %arg0 : i32
    %c0_i32 = arith.constant 0 : i32
    %c0_i32_1 = arith.constant 0 : i32
    return %add3A, %c0_i32 : i32, i32
  }
  func.func @transform_1(%arg0: i32, %arg1: i32) -> (i32, i32) {
    %add3A = arith.constant 0 : i32
    %add3A_0 = arith.addi %add3A, %arg0 : i32
    %c0_i32 = arith.constant 0 : i32
    %c0_i32_1 = arith.constant 0 : i32
    return %add3A_0, %c0_i32 : i32, i32
  }
  func.func @transform_2(%arg0: i32, %arg1: i32) -> (i32, i32) {
    %mul3A = arith.constant 4 : i32
    %mul3A_0 = arith.muli %arg1, %mul3A : i32
    %add3A = arith.constant 0 : i32
    %add3A_1 = arith.addi %mul3A_0, %add3A : i32
    %add3A_2 = arith.addi %add3A_1, %arg0 : i32
    %c0_i32 = arith.constant 0 : i32
    %c0_i32_3 = arith.constant 0 : i32
    return %add3A_2, %c0_i32 : i32, i32
  }
  func.func @transform_3(%arg0: i32, %arg1: i32) -> (i32, i32) {
    %c0_i32 = arith.constant 0 : i32
    %c0_i32_0 = arith.constant 0 : i32
    %c0_i32_1 = arith.constant 0 : i32
    return %c0_i32, %c0_i32_0 : i32, i32
  }
  func.func @transform_4(%arg0: i32, %arg1: i32) -> (i32, i32) {
    %mul3A = arith.constant 4 : i32
    %mul3A_0 = arith.muli %arg1, %mul3A : i32
    %add3A = arith.constant 0 : i32
    %add3A_1 = arith.addi %mul3A_0, %add3A : i32
    %add3A_2 = arith.addi %add3A_1, %arg0 : i32
    %c0_i32 = arith.constant 0 : i32
    %c0_i32_3 = arith.constant 0 : i32
    return %add3A_2, %c0_i32 : i32, i32
  }
}

module attributes {stable_mosaic.version = 14 : i64} {
  func.func @_ln_body_alias(%arg0: i32, %arg1: i32, %arg2: memref<8x128xf32, #tpu.memory_space<vmem>>, %arg3: memref<1024x1024xf32, #tpu.memory_space<vmem>>, %arg4: memref<1024x1024xf32, #tpu.memory_space<vmem>>, %arg5: memref<1024x1xi8, #tpu.memory_space<vmem>>, %arg6: memref<4x1024xf32, #tpu.memory_space<vmem>>, %arg7: memref<1024x1024xf32, #tpu.memory_space<vmem>>) attributes {dimension_semantics = [#tpu.dimension_semantics<arbitrary>, #tpu.dimension_semantics<arbitrary>], iteration_bounds = array<i64: 1, 4>, scalar_prefetch = 0 : i64, scratch_operands = 0 : i64, tpu.core_type = #tpu.core_type<tc>, window_params = [{transform_indices = @transform_0, window_bounds = array<i64: 8, 128>}, {transform_indices = @transform_1, window_bounds = array<i64: 1024, 1024>}, {transform_indices = @transform_2, window_bounds = array<i64: 1024, 1024>}, {transform_indices = @transform_3, window_bounds = array<i64: 1024, 1>}, {pipeline_mode = #tpu.pipeline_mode<synchronous>, transform_indices = @transform_4, window_bounds = array<i64: 4, 1024>}, {transform_indices = @transform_5, window_bounds = array<i64: 1024, 1024>}]} {
    %get3A = arith.constant 0 : index
    %get3A_0 = arith.constant 0 : index
    %get3A_1 = vector.load %arg3[%get3A, %get3A_0] : memref<1024x1024xf32, #tpu.memory_space<vmem>>, vector<1024x1024xf32>
    %get3A_2 = arith.constant 0 : index
    %get3A_3 = arith.constant 0 : index
    %get3A_4 = vector.load %arg4[%get3A_2, %get3A_3] : memref<1024x1024xf32, #tpu.memory_space<vmem>>, vector<1024x1024xf32>
    %add3A = arith.addf %get3A_1, %get3A_4 : vector<1024x1024xf32>
    %get3A_5 = arith.constant 0 : index
    %get3A_6 = arith.constant 0 : index
    %get3A_7 = vector.load %arg6[%get3A_5, %get3A_6] : memref<4x1024xf32, #tpu.memory_space<vmem>>, vector<1x1024xf32>
    %get3A_8 = arith.constant 1 : index
    %get3A_9 = arith.constant 0 : index
    %get3A_10 = vector.load %arg6[%get3A_8, %get3A_9] : memref<4x1024xf32, #tpu.memory_space<vmem>>, vector<1x1024xf32>
    %add3A_11 = vector.broadcast %get3A_7 : vector<1x1024xf32> to vector<1024x1024xf32>
    %add3A_12 = arith.addf %add3A, %add3A_11 : vector<1024x1024xf32>
    %get3A_13 = arith.constant 0 : index
    %get3A_14 = arith.constant 0 : index
    %get3A_15 = vector.load %arg5[%get3A_13, %get3A_14] : memref<1024x1xi8, #tpu.memory_space<vmem>>, vector<1024x1xi8>
    %convert_element_type3A = arith.sitofp %get3A_15 : vector<1024x1xi8> to vector<1024x1xf32>
    %sub3A = arith.subf %get3A_10, %get3A_7 : vector<1x1024xf32>
    %mul3A = vector.broadcast %convert_element_type3A : vector<1024x1xf32> to vector<1024x1024xf32>
    %mul3A_16 = vector.broadcast %sub3A : vector<1x1024xf32> to vector<1024x1024xf32>
    %mul3A_17 = arith.mulf %mul3A, %mul3A_16 : vector<1024x1024xf32>
    %add3A_18 = arith.addf %add3A_12, %mul3A_17 : vector<1024x1024xf32>
    %reduce_sum3A = arith.constant dense<0.000000e+00> : vector<1024xf32>
    %reduce_sum3A_19 = vector.multi_reduction <add>, %add3A_18, %reduce_sum3A [1] : vector<1024x1024xf32> to vector<1024xf32>
    %broadcast_in_dim3A = vector.shape_cast %reduce_sum3A_19 : vector<1024xf32> to vector<1024x1xf32>
    %div3A = arith.constant 1.024000e+03 : f32
    %div3A_20 = vector.broadcast %div3A : f32 to vector<1024x1xf32>
    %div3A_21 = arith.divf %broadcast_in_dim3A, %div3A_20 : vector<1024x1xf32>
    %sub3A_22 = vector.broadcast %div3A_21 : vector<1024x1xf32> to vector<1024x1024xf32>
    %sub3A_23 = arith.subf %add3A_18, %sub3A_22 : vector<1024x1024xf32>
    %mul3A_24 = arith.mulf %sub3A_23, %sub3A_23 : vector<1024x1024xf32>
    %reduce_sum3A_25 = arith.constant dense<0.000000e+00> : vector<1024xf32>
    %reduce_sum3A_26 = vector.multi_reduction <add>, %mul3A_24, %reduce_sum3A_25 [1] : vector<1024x1024xf32> to vector<1024xf32>
    %broadcast_in_dim3A_27 = vector.shape_cast %reduce_sum3A_26 : vector<1024xf32> to vector<1024x1xf32>
    %div3A_28 = arith.constant 1.024000e+03 : f32
    %div3A_29 = vector.broadcast %div3A_28 : f32 to vector<1024x1xf32>
    %div3A_30 = arith.divf %broadcast_in_dim3A_27, %div3A_29 : vector<1024x1xf32>
    %add3A_31 = arith.constant 9.99999996E-13 : f32
    %add3A_32 = vector.broadcast %add3A_31 : f32 to vector<1024x1xf32>
    %add3A_33 = arith.addf %div3A_30, %add3A_32 : vector<1024x1xf32>
    %rsqrt3A = math.rsqrt %add3A_33 : vector<1024x1xf32>
    %mul3A_34 = vector.broadcast %rsqrt3A : vector<1024x1xf32> to vector<1024x1024xf32>
    %mul3A_35 = arith.mulf %sub3A_23, %mul3A_34 : vector<1024x1024xf32>
    %get3A_36 = arith.constant 2 : index
    %get3A_37 = arith.constant 0 : index
    %get3A_38 = vector.load %arg6[%get3A_36, %get3A_37] : memref<4x1024xf32, #tpu.memory_space<vmem>>, vector<1x1024xf32>
    %mul3A_39 = vector.broadcast %get3A_38 : vector<1x1024xf32> to vector<1024x1024xf32>
    %mul3A_40 = arith.mulf %mul3A_35, %mul3A_39 : vector<1024x1024xf32>
    %get3A_41 = arith.constant 3 : index
    %get3A_42 = arith.constant 0 : index
    %get3A_43 = vector.load %arg6[%get3A_41, %get3A_42] : memref<4x1024xf32, #tpu.memory_space<vmem>>, vector<1x1024xf32>
    %add3A_44 = vector.broadcast %get3A_43 : vector<1x1024xf32> to vector<1024x1024xf32>
    %add3A_45 = arith.addf %mul3A_40, %add3A_44 : vector<1024x1024xf32>
    %swap3A = arith.constant 0 : index
    %swap3A_46 = arith.constant 0 : index
    %swap3A_47 = vector.load %arg7[%swap3A, %swap3A_46] : memref<1024x1024xf32, #tpu.memory_space<vmem>>, vector<1024x1024xf32>
    tpu.vector_store %arg7[%swap3A, %swap3A_46], %add3A_45 {strides = array<i32>} : memref<1024x1024xf32, #tpu.memory_space<vmem>>, vector<1024x1024xf32>,
    return
  }
  func.func @transform_0(%arg0: i32, %arg1: i32) -> (i32, i32) {
    %c0_i32 = arith.constant 0 : i32
    %c0_i32_0 = arith.constant 0 : i32
    %c0_i32_1 = arith.constant 0 : i32
    return %c0_i32, %c0_i32_0 : i32, i32
  }
  func.func @transform_1(%arg0: i32, %arg1: i32) -> (i32, i32) {
    %mul3A = arith.constant 1 : i32
    %mul3A_0 = arith.muli %arg1, %mul3A : i32
    %add3A = arith.addi %mul3A_0, %arg0 : i32
    %c0_i32 = arith.constant 0 : i32
    %c0_i32_1 = arith.constant 0 : i32
    return %add3A, %c0_i32 : i32, i32
  }
  func.func @transform_2(%arg0: i32, %arg1: i32) -> (i32, i32) {
    %add3A = arith.constant 2 : i32
    %add3A_0 = arith.addi %add3A, %arg0 : i32
    %c0_i32 = arith.constant 0 : i32
    %c0_i32_1 = arith.constant 0 : i32
    return %add3A_0, %c0_i32 : i32, i32
  }
  func.func @transform_3(%arg0: i32, %arg1: i32) -> (i32, i32) {
    %mul3A = arith.constant 4 : i32
    %mul3A_0 = arith.muli %arg1, %mul3A : i32
    %add3A = arith.constant 2 : i32
    %add3A_1 = arith.addi %mul3A_0, %add3A : i32
    %add3A_2 = arith.addi %add3A_1, %arg0 : i32
    %c0_i32 = arith.constant 0 : i32
    %c0_i32_3 = arith.constant 0 : i32
    return %add3A_2, %c0_i32 : i32, i32
  }
  func.func @transform_4(%arg0: i32, %arg1: i32) -> (i32, i32) {
    %c0_i32 = arith.constant 0 : i32
    %c0_i32_0 = arith.constant 0 : i32
    %c0_i32_1 = arith.constant 0 : i32
    return %c0_i32, %c0_i32_0 : i32, i32
  }
  func.func @transform_5(%arg0: i32, %arg1: i32) -> (i32, i32) {
    %mul3A = arith.constant 4 : i32
    %mul3A_0 = arith.muli %arg1, %mul3A : i32
    %add3A = arith.constant 2 : i32
    %add3A_1 = arith.addi %mul3A_0, %add3A : i32
    %add3A_2 = arith.addi %add3A_1, %arg0 : i32
    %c0_i32 = arith.constant 0 : i32
    %c0_i32_3 = arith.constant 0 : i32
    return %add3A_2, %c0_i32 : i32, i32
  }
}

module attributes {stable_mosaic.version = 14 : i64} {
  func.func @_ln_body_alias(%arg0: i32, %arg1: i32, %arg2: memref<8x128xf32, #tpu.memory_space<vmem>>, %arg3: memref<1024x1024xf32, #tpu.memory_space<vmem>>, %arg4: memref<1024x1024xf32, #tpu.memory_space<vmem>>, %arg5: memref<1024x1xi8, #tpu.memory_space<vmem>>, %arg6: memref<4x1024xf32, #tpu.memory_space<vmem>>, %arg7: memref<1024x1024xf32, #tpu.memory_space<vmem>>) attributes {dimension_semantics = [#tpu.dimension_semantics<arbitrary>, #tpu.dimension_semantics<arbitrary>], iteration_bounds = array<i64: 1, 4>, scalar_prefetch = 0 : i64, scratch_operands = 0 : i64, tpu.core_type = #tpu.core_type<tc>, window_params = [{transform_indices = @transform_0, window_bounds = array<i64: 8, 128>}, {transform_indices = @transform_1, window_bounds = array<i64: 1024, 1024>}, {transform_indices = @transform_2, window_bounds = array<i64: 1024, 1024>}, {transform_indices = @transform_3, window_bounds = array<i64: 1024, 1>}, {pipeline_mode = #tpu.pipeline_mode<synchronous>, transform_indices = @transform_4, window_bounds = array<i64: 4, 1024>}, {transform_indices = @transform_5, window_bounds = array<i64: 1024, 1024>}]} {
    %get3A = arith.constant 0 : index
    %get3A_0 = arith.constant 0 : index
    %get3A_1 = vector.load %arg3[%get3A, %get3A_0] : memref<1024x1024xf32, #tpu.memory_space<vmem>>, vector<1024x1024xf32>
    %get3A_2 = arith.constant 0 : index
    %get3A_3 = arith.constant 0 : index
    %get3A_4 = vector.load %arg4[%get3A_2, %get3A_3] : memref<1024x1024xf32, #tpu.memory_space<vmem>>, vector<1024x1024xf32>
    %add3A = arith.addf %get3A_1, %get3A_4 : vector<1024x1024xf32>
    %get3A_5 = arith.constant 0 : index
    %get3A_6 = arith.constant 0 : index
    %get3A_7 = vector.load %arg6[%get3A_5, %get3A_6] : memref<4x1024xf32, #tpu.memory_space<vmem>>, vector<1x1024xf32>
    %get3A_8 = arith.constant 1 : index
    %get3A_9 = arith.constant 0 : index
    %get3A_10 = vector.load %arg6[%get3A_8, %get3A_9] : memref<4x1024xf32, #tpu.memory_space<vmem>>, vector<1x1024xf32>
    %add3A_11 = vector.broadcast %get3A_7 : vector<1x1024xf32> to vector<1024x1024xf32>
    %add3A_12 = arith.addf %add3A, %add3A_11 : vector<1024x1024xf32>
    %get3A_13 = arith.constant 0 : index
    %get3A_14 = arith.constant 0 : index
    %get3A_15 = vector.load %arg5[%get3A_13, %get3A_14] : memref<1024x1xi8, #tpu.memory_space<vmem>>, vector<1024x1xi8>
    %convert_element_type3A = arith.sitofp %get3A_15 : vector<1024x1xi8> to vector<1024x1xf32>
    %sub3A = arith.subf %get3A_10, %get3A_7 : vector<1x1024xf32>
    %mul3A = vector.broadcast %convert_element_type3A : vector<1024x1xf32> to vector<1024x1024xf32>
    %mul3A_16 = vector.broadcast %sub3A : vector<1x1024xf32> to vector<1024x1024xf32>
    %mul3A_17 = arith.mulf %mul3A, %mul3A_16 : vector<1024x1024xf32>
    %add3A_18 = arith.addf %add3A_12, %mul3A_17 : vector<1024x1024xf32>
    %reduce_sum3A = arith.constant dense<0.000000e+00> : vector<1024xf32>
    %reduce_sum3A_19 = vector.multi_reduction <add>, %add3A_18, %reduce_sum3A [1] : vector<1024x1024xf32> to vector<1024xf32>
    %broadcast_in_dim3A = vector.shape_cast %reduce_sum3A_19 : vector<1024xf32> to vector<1024x1xf32>
    %div3A = arith.constant 1.024000e+03 : f32
    %div3A_20 = vector.broadcast %div3A : f32 to vector<1024x1xf32>
    %div3A_21 = arith.divf %broadcast_in_dim3A, %div3A_20 : vector<1024x1xf32>
    %sub3A_22 = vector.broadcast %div3A_21 : vector<1024x1xf32> to vector<1024x1024xf32>
    %sub3A_23 = arith.subf %add3A_18, %sub3A_22 : vector<1024x1024xf32>
    %mul3A_24 = arith.mulf %sub3A_23, %sub3A_23 : vector<1024x1024xf32>
    %reduce_sum3A_25 = arith.constant dense<0.000000e+00> : vector<1024xf32>
    %reduce_sum3A_26 = vector.multi_reduction <add>, %mul3A_24, %reduce_sum3A_25 [1] : vector<1024x1024xf32> to vector<1024xf32>
    %broadcast_in_dim3A_27 = vector.shape_cast %reduce_sum3A_26 : vector<1024xf32> to vector<1024x1xf32>
    %div3A_28 = arith.constant 1.024000e+03 : f32
    %div3A_29 = vector.broadcast %div3A_28 : f32 to vector<1024x1xf32>
    %div3A_30 = arith.divf %broadcast_in_dim3A_27, %div3A_29 : vector<1024x1xf32>
    %add3A_31 = arith.constant 9.99999996E-13 : f32
    %add3A_32 = vector.broadcast %add3A_31 : f32 to vector<1024x1xf32>
    %add3A_33 = arith.addf %div3A_30, %add3A_32 : vector<1024x1xf32>
    %rsqrt3A = math.rsqrt %add3A_33 : vector<1024x1xf32>
    %mul3A_34 = vector.broadcast %rsqrt3A : vector<1024x1xf32> to vector<1024x1024xf32>
    %mul3A_35 = arith.mulf %sub3A_23, %mul3A_34 : vector<1024x1024xf32>
    %get3A_36 = arith.constant 2 : index
    %get3A_37 = arith.constant 0 : index
    %get3A_38 = vector.load %arg6[%get3A_36, %get3A_37] : memref<4x1024xf32, #tpu.memory_space<vmem>>, vector<1x1024xf32>
    %mul3A_39 = vector.broadcast %get3A_38 : vector<1x1024xf32> to vector<1024x1024xf32>
    %mul3A_40 = arith.mulf %mul3A_35, %mul3A_39 : vector<1024x1024xf32>
    %get3A_41 = arith.constant 3 : index
    %get3A_42 = arith.constant 0 : index
    %get3A_43 = vector.load %arg6[%get3A_41, %get3A_42] : memref<4x1024xf32, #tpu.memory_space<vmem>>, vector<1x1024xf32>
    %add3A_44 = vector.broadcast %get3A_43 : vector<1x1024xf32> to vector<1024x1024xf32>
    %add3A_45 = arith.addf %mul3A_40, %add3A_44 : vector<1024x1024xf32>
    %swap3A = arith.constant 0 : index
    %swap3A_46 = arith.constant 0 : index
    %swap3A_47 = vector.load %arg7[%swap3A, %swap3A_46] : memref<1024x1024xf32, #tpu.memory_space<vmem>>, vector<1024x1024xf32>
    tpu.vector_store %arg7[%swap3A, %swap3A_46], %add3A_45 {strides = array<i32>} : memref<1024x1024xf32, #tpu.memory_space<vmem>>, vector<1024x1024xf32>,
    return
  }
  func.func @transform_0(%arg0: i32, %arg1: i32) -> (i32, i32) {
    %c0_i32 = arith.constant 0 : i32
    %c0_i32_0 = arith.constant 0 : i32
    %c0_i32_1 = arith.constant 0 : i32
    return %c0_i32, %c0_i32_0 : i32, i32
  }
  func.func @transform_1(%arg0: i32, %arg1: i32) -> (i32, i32) {
    %mul3A = arith.constant 1 : i32
    %mul3A_0 = arith.muli %arg1, %mul3A : i32
    %add3A = arith.addi %mul3A_0, %arg0 : i32
    %c0_i32 = arith.constant 0 : i32
    %c0_i32_1 = arith.constant 0 : i32
    return %add3A, %c0_i32 : i32, i32
  }
  func.func @transform_2(%arg0: i32, %arg1: i32) -> (i32, i32) {
    %add3A = arith.constant 3 : i32
    %add3A_0 = arith.addi %add3A, %arg0 : i32
    %c0_i32 = arith.constant 0 : i32
    %c0_i32_1 = arith.constant 0 : i32
    return %add3A_0, %c0_i32 : i32, i32
  }
  func.func @transform_3(%arg0: i32, %arg1: i32) -> (i32, i32) {
    %mul3A = arith.constant 4 : i32
    %mul3A_0 = arith.muli %arg1, %mul3A : i32
    %add3A = arith.constant 3 : i32
    %add3A_1 = arith.addi %mul3A_0, %add3A : i32
    %add3A_2 = arith.addi %add3A_1, %arg0 : i32
    %c0_i32 = arith.constant 0 : i32
    %c0_i32_3 = arith.constant 0 : i32
    return %add3A_2, %c0_i32 : i32, i32
  }
  func.func @transform_4(%arg0: i32, %arg1: i32) -> (i32, i32) {
    %c0_i32 = arith.constant 0 : i32
    %c0_i32_0 = arith.constant 0 : i32
    %c0_i32_1 = arith.constant 0 : i32
    return %c0_i32, %c0_i32_0 : i32, i32
  }
  func.func @transform_5(%arg0: i32, %arg1: i32) -> (i32, i32) {
    %mul3A = arith.constant 4 : i32
    %mul3A_0 = arith.muli %arg1, %mul3A : i32
    %add3A = arith.constant 3 : i32
    %add3A_1 = arith.addi %mul3A_0, %add3A : i32
    %add3A_2 = arith.addi %add3A_1, %arg0 : i32
    %c0_i32 = arith.constant 0 : i32
    %c0_i32_3 = arith.constant 0 : i32
    return %add3A_2, %c0_i32 : i32, i32
  }
}

</mosaic_0001>

<sc_bundles>
// kernel: kernel.10.cloned.1.call-start
scs
__scs_entry_jumppad:
0x0: {  	(pc) =	sbr.rel $0x88, $3  }
0x1: {  	(tag) =	ssettag $0x0;
	lr =	simm.s32 $0x1  }
0x2: {  	[smem:$0x3F9A] =	sst lr;
	_ =	strace $0xD0000000  }
0x3: {  	_ = 	snop  }
0x4: {  	_ = 	snop  }
0x5: {  	_ = 	snop  }
0x6: {  	_ = 	snop  }
0x7: {  	_ = 	snop  }
__scs_overlays_trampoline_lowered:
0x8: {  	[smem:$0x3FA9] =	sst s0  }
0x9: {  	[smem:$0x3FAA] =	sst s1  }
0xa: {  	[smem:$0x3FAB] =	sst s2  }
0xb: {  	[smem:$0x3FAC] =	sst s3  }
0xc: {  	[smem:$0x3FAD] =	sst s4  }
0xd: {  	[smem:$0x3FAE] =	sst s5  }
0xe: {  	[smem:$0x3FAF] =	sst s6  }
0xf: {  	[smem:$0x3FB0] =	sst s7  }
0x10: {  	[smem:$0x3FB1] =	sst s8  }
0x11: {  	[smem:$0x3FB2] =	sst s9;
	s0 =	simm.s32 @!p0 $0x0  }
0x12: {  	s1 =	sld [smem:$0x3F98];
	s0 =	simm.s32 @p0 $0x1  }
0x13: {  	[smem:$0x3FB3] =	sst s0;
	s0 =	simm.s32 @!p1 $0x0  }
0x14: {  	s2 =	sld [smem:$0x3F97];
	s0 =	simm.s32 @p1 $0x1  }
0x15: {  	[smem:$0x3FB4] =	sst s0;
	s0 =	simm.s32 @!p2 $0x0  }
0x16: {  	s3 =	sld [smem:$0x3FDB];
	s0 =	simm.s32 @p2 $0x1  }
0x17: {  	s4 =	simm.s32 $0x1BF5;
	[smem:$0x3FB6] =	sst s0  }
0x18: {  	s0 =	sld [smem:$0x3F99];
	_ =	swait.ge [sflag:s4], $0x0  }
0x19: {  	s7 =	sld [smem:$0x3F9A]  }
0x1a: {  	s8 =	sadd.s32 $0xFFFFE003, lr  }
0x1b: {  	s9 =	sadd.s32 $0xFFFFFEF7, lr;
	s5 =	simm.s32 $0xFFFFFFFF;
	p2 =	slt.u32 s8, $0xFFFFF086  }
0x1c: {  	p1 =	slt.u32 s9, $0xF7A;
	s5 =	simm.s32 @!p2 $0x0  }
0x1d: {  	s5 =	simm.s32 @p1 $0x1;
	p0 =	seq.s32 s7, s2  }
0x1e: {  	s7 =	smul.u32 @!p0 $0xF7A, s2;
	p2 =	seq.s32 @!p0 s5, $0x0  }
0x1f: {  	s9 =	smul.u32 $0xF7A, s1;
	s8 =	simm.s32 @!p0 $0x1BF5;
	p2 =	por !p2, p0  }
0x20: {  	[sflag:s8] =	ssyncset.s32 @!p0 $0xFFFFF086;
	s6 =	sadd.s32 @!p0 s3, s7;
	s7 =	simm.s32 @!p0 $0x108  }
0x21: {  	s3 =	sadd.s32 s3, s9;
	s6 =	sadd.s32 @!p0 $0x88, s6;
	s7 =	simm.s32 @p2 $0x1082  }
0x22: {  	[simem:s7], [sflag:s8] =	dma.local @!p0 [hbm:s6], $0xF7A  }
0x23: {  	s9 =	sor.u32 $0xD0000000, s2;
	s6 =	simm.s32 $0x108;
	_ =	swait.ge @!p0 [sflag:s8], $0x0  }
0x24: {  	s3 =	sadd.s32 $0x88, s3;
	s6 =	simm.s32 @!p1 $0x1082;
	[sflag:s4] =	ssyncset.s32 $0xFFFFF086  }
0x25: {  	[simem:s6], [sflag:s4] =	dma.local [hbm:s3], $0xF7A  }
0x26: {  	[smem:$0x3F9A] =	sst s1;
	(tag) =	ssettag s2;
	_ =	strace s9  }
0x27: {  	s1 =	sld [smem:$0x3FAA]  }
0x28: {  	s2 =	sld [smem:$0x3FAB]  }
0x29: {  	s4 =	sld [smem:$0x3FAD]  }
0x2a: {  	p0 =	seq.s32 s5, $0x0;
	s5 =	sld [smem:$0x3FAE]  }
0x2b: {  	s6 =	sld [smem:$0x3FAF]  }
0x2c: {  	s7 =	sld [smem:$0x3FB0]  }
0x2d: {  	s3 =	simm.s32 $0x108;
	s8 =	sld [smem:$0x3FB1]  }
0x2e: {  	s3 =	simm.s32 @!p0 $0x1082;
	s9 =	sld [smem:$0x3FB2]  }
0x2f: {  	lr =	sadd.s32 s0, s3;
	s0 =	sld [smem:$0x3FA9]  }
0x30: {  	s3 =	sld [smem:$0x3FAC]  }
0x31: {  	[smem:$0x3FB5] =	sst s10  }
0x32: {  	s10 =	sld [smem:$0x3FB3];
	_ =	sdelay $0x3  }
0x33: {  	p0 =	seq.s32 s10, $0x1;
	s10 =	sld [smem:$0x3FB5];
	_ =	sdelay $0x3  }
0x34: {  	[smem:$0x3FB5] =	sst s10  }
0x35: {  	s10 =	sld [smem:$0x3FB4];
	_ =	sdelay $0x3  }
0x36: {  	p1 =	seq.s32 s10, $0x1;
	s10 =	sld [smem:$0x3FB5];
	_ =	sdelay $0x3  }
0x37: {  	[smem:$0x3FB5] =	sst s10  }
0x38: {  	s10 =	sld [smem:$0x3FB6]  }
0x39: {  	_ = 	snop;
	(pc) =	sbr.ind lr, $3  }
0x3a: {  	_ = 	snop  }
0x3b: {  	_ = 	snop  }
0x3c: {  	p2 =	seq.s32 s10, $0x1;
	s10 =	sld [smem:$0x3FB5]  }
0x3d: {  	_ =	shalt  }
0x3e: {  	_ =	shalt  }
0x3f: {  	_ =	shalt  }
0x40: {  	_ =	shalt  }
0x41: {  	_ =	shalt  }
0x42: {  	_ =	shalt  }
0x43: {  	_ =	shalt  }
0x44: {  	_ =	shalt  }
0x45: {  	_ =	shalt  }
0x46: {  	_ =	shalt  }
0x47: {  	_ =	shalt  }
0x48: {  	_ =	shalt  }
0x49: {  	_ =	shalt  }
0x4a: {  	_ =	shalt  }
0x4b: {  	_ =	shalt  }
0x4c: {  	_ =	shalt  }
0x4d: {  	_ =	shalt  }
0x4e: {  	_ =	shalt  }
0x4f: {  	_ =	shalt  }
0x50: {  	_ =	shalt  }
0x51: {  	_ =	shalt  }
0x52: {  	_ =	shalt  }
0x53: {  	_ =	shalt  }
0x54: {  	_ =	shalt  }
0x55: {  	_ =	shalt  }
0x56: {  	_ =	shalt  }
0x57: {  	_ =	shalt  }
0x58: {  	_ =	shalt  }
0x59: {  	_ =	shalt  }
0x5a: {  	_ =	shalt  }
0x5b: {  	_ =	shalt  }
0x5c: {  	_ =	shalt  }
0x5d: {  	_ =	shalt  }
0x5e: {  	_ =	shalt  }
0x5f: {  	_ =	shalt  }
0x60: {  	_ =	shalt  }
0x61: {  	_ =	shalt  }
0x62: {  	_ =	shalt  }
0x63: {  	_ =	shalt  }
0x64: {  	_ =	shalt  }
0x65: {  	_ =	shalt  }
0x66: {  	_ =	shalt  }
0x67: {  	_ =	shalt  }
0x68: {  	_ =	shalt  }
0x69: {  	_ =	shalt  }
0x6a: {  	_ =	shalt  }
0x6b: {  	_ =	shalt  }
0x6c: {  	_ =	shalt  }
0x6d: {  	_ =	shalt  }
0x6e: {  	_ =	shalt  }
0x6f: {  	_ =	shalt  }
0x70: {  	_ =	shalt  }
0x71: {  	_ =	shalt  }
0x72: {  	_ =	shalt  }
0x73: {  	_ =	shalt  }
0x74: {  	_ =	shalt  }
0x75: {  	_ =	shalt  }
0x76: {  	_ =	shalt  }
0x77: {  	_ =	shalt  }
0x78: {  	_ =	shalt  }
0x79: {  	_ =	shalt  }
0x7a: {  	_ =	shalt  }
0x7b: {  	_ =	shalt  }
0x7c: {  	_ =	shalt  }
0x7d: {  	_ =	shalt  }
0x7e: {  	_ =	shalt  }
0x7f: {  	_ =	shalt  }
0x80: {  	_ =	shalt  }
0x81: {  	_ =	shalt  }
0x82: {  	_ =	shalt  }
0x83: {  	_ =	shalt  }
0x84: {  	_ =	shalt  }
0x85: {  	_ =	shalt  }
0x86: {  	_ =	shalt  }
0x87: {  	_ =	shalt  }
.Lfunc_end0:
.L_simem_size_0:
called_computation_lowered:
.L_overlay_start_0:
0x88: {  	s2 =	sld [smem:$0x3FD9]  }
0x89: {  	s3 =	sld [smem:$0x3FFE];
	_ =	sdelay $0x1  }
0x8a: {  	s1 =	srdreg.scid  }
0x8b: {  	s0 =	sand.u32 $0x1, s1  }
0x8c: {  	s17 =	sshll.u32 s0, $0xA;
	s2 =	sadd.s32 s3, s2  }
0x8d: {  	s2 =	sadd.s32 s2, s17  }
0x8e: {  	[smem:$0x3FC1] =	sst s2  }
0x8f: {  	_ = 	snop  }
0x90: {  	s2 =	sld [smem:$0x3FC7]  }
0x91: {  	s18 =	sld [smem:$0x3FD0];
	(tm) =	ssettm $0x1  }
0x92: {  	s4 =	sld [smem:$0x3FFB];
	_ =	sdelay $0x3  }
0x93: {  	_ =	strace s4  }
0x94: {  	s4 =	sld [smem:$0x3FFC];
	_ =	sdelay $0x3  }
0x95: {  	_ =	strace s4  }
0x96: {  	s4 =	sld [smem:$0x3FFD];
	_ =	sdelay $0x3  }
0x97: {  	_ =	strace s4  }
0x98: {  	_ =	strace $0x8FFFFFFF  }
0x99: {  	s19 =	sld [smem:$0x3FDB];
	_ =	sdelay $0x1  }
0x9a: {  	s5 =	simm.s32 $_scs_section_size  }
0x9b: {  	s6 =	simm.s32 $_size__tile_overlayer_lowered;
	s7 =	simm.s32 $_tile_overlayer_lowered  }
0x9c: {  	s22 =	simm.s32 $0x1BFF;
	s21 =	sshll.u32 s7, $0x1;
	s4 =	sadd.s32 s5, s19  }
0x9d: {  	s8 =	simm.s32 $0x0;
	s20 =	sshll.u32 s6, $0x1;
	s6 =	sadd.s32 s21, s4  }
0x9e: {  	[timem:s8], [sflag:s22] =	dma.local [hbm:s6], s20  }
0x9f: {  	_ =	swait.ge [sflag:s22], s20  }
0xa0: {  	s5 =	ssub.s32 $0x0, s20;
	[sflag:s22] =	ssyncset.done $0x0  }
0xa1: {  	[sflag:s22] =	ssyncadd.s32 s5;
	_ =	sdelay $0x1  }
0xa2: {  	s23 =	simm.s32 $0x1B8B  }
0xa3: {  	_ =	swait.ge [sflag:s23], $0x1  }
0xa4: {  	[sflag:s23] =	ssyncset.done $0x0  }
0xa5: {  	s25 =	simm.s32 $0x1B8E;
	s24 =	sld [smem:$0x3FFE];
	[sflag:s23] =	ssyncadd.s32 $0xFFFFFFFF  }
0xa6: {  	s26 =	simm.s32 $execute0_lowered;
	[smem:$0x3FD2] =	sst s25  }
0xa7: {  	s6 =	sshll.u32 s26, $0x1;
	_ =	strace $0x80000046;
	[dreg:$0x1] =	wrdreg $0xFFFFFFFF  }
0xa8: {  	s28 =	simm.s32 $_size_execute0_lowered;
	s4 =	sadd.s32 s4, s6;
	[dreg:$0x0] =	wrdreg $0x0  }
0xa9: {  	s6 =	sshll.u32 s28, $0x1;
	[dreg:$0x2] =	wrdreg s4  }
0xaa: {  	[dreg:$0x3] =	wrdreg s6  }
0xab: {  	[dreg:$0x4] =	wrdreg $0xC0  }
0xac: {  	_ =	task [dreg:s8], $0x5FFFF  }
0xad: {  	[dreg:$0x1] =	wrdreg $0xFFFFFFFF  }
0xae: {  	[dreg:$0x0] =	wrdreg $0x60  }
0xaf: {  	[dreg:$0x2] =	wrdreg s2  }
0xb0: {  	[dreg:$0x3] =	wrdreg s24  }
0xb1: {  	[dreg:$0x4] =	wrdreg s18  }
0xb2: {  	[dreg:$0x5] =	wrdreg $0x9  }
0xb3: {  	_ =	task.clear_ibuf [dreg:s8], $0x6FFFF;
	_ =	strace $0x90000046  }
0xb4: {  	s29 =	simm.s32 $0x9;
	_ =	strace $0x80000048  }
0xb5: {  	_ =	swait.ge [sflag:s29], $0x1  }
0xb6: {  	[sflag:s29] =	ssyncadd.s32 $0xFFFFFFFF  }
0xb7: {  	_ =	strace $0x90000048  }
0xb8: {  	_ =	sfence  }
0xb9: {  	s30 =	sld [smem:$0x0];
	_ =	sdelay $0x2  }
0xba: {  	s31 =	sshll.u32 s1, $0xD;
	s1 =	sshrl.u32 s1, $0x2  }
0xbb: {  	s3 =	sand.u32 $0x4000, s31;
	s1 =	sadd.s32 s1, s30  }
0xbc: {  	s0 =	sor.u32 s3, s0;
	s1 =	sshll.u32 s1, $0x11  }
0xbd: {  	s0 =	sor.u32 s1, s0  }
0xbe: {  	s0 =	sadd.s32 $0x8F2B, s0  }
0xbf: {  	[sflag:s0] =	ssyncadd.remote.s32 $0x1  }
0xc0: {  	_ =	sfence.sel $0xFFFF  }
0xc1: {  	[dreg:$0x0] =	wrdreg $0xFFFFFFFF;
	(pc) =	sbr.abs _section_cstart, $3  }
0xc2: {  	[dreg:$0x1] =	wrdreg $0xFFFFFFFF  }
0xc3: {  	_ =	task.clear_ibuf [dreg:s8], $0x2FFFF;
	_ =	strace $0x9FFFFFFF  }
0xc4: {  	(tm) =	ssettm $0x7FFFFFFF  }
0xc5: {  	_ =	shalt  }
tec
execute0_lowered:
.L_overlay_start_1:
0x0: {  	(tag) =	ssettag $0x1  }
0x1: {  	s0 =	srdreg.scid  }
0x2: {  	s1 =	rddreg [dreg:$0x0];
	s3 =	stileid.u32;
	s0 =	sand.u32 $0x1, s0  }
0x3: {  	s2 =	rddreg [dreg:$0x1];
	s3 =	sshll.u32 s3, $0x8;
	s4 =	sshll.u32 s0, $0x7  }
0x4: {  	s5 =	rddreg [dreg:$0x2];
	s4 =	sor.u32 s4, s3;
	s3 =	simm.s32 $0x0  }
0x5: {  	s20 =	simm.s32 $0x8880;
	[smem:$0x7FF] =	sst s3  }
0x6: {  	s21 =	simm.s32 $0x9080;
	_ =	strace $0x80000047;
	[dreg:$0xc] =	wrdreg s20  }
0x7: {  	s22 =	simm.s32 $0x9880;
	[dreg:$0xd] =	wrdreg s21  }
0x8: {  	s23 =	simm.s32 $0xA080;
	[dreg:$0xe] =	wrdreg s22  }
0x9: {  	s24 =	simm.s32 $0xA880;
	[dreg:$0xf] =	wrdreg s23  }
0xa: {  	s25 =	simm.s32 $0xB080;
	[dreg:$0x10] =	wrdreg s24  }
0xb: {  	s7 =	simm.s32 $0xD080;
	[dreg:$0x11] =	wrdreg s25  }
0xc: {  	s8 =	simm.s32 $0xD880;
	[dreg:$0x14] =	wrdreg s7  }
0xd: {  	s9 =	simm.s32 $0xE080;
	s10 =	simm.s32 $0xE880;
	[dreg:$0x15] =	wrdreg s8  }
0xe: {  	s11 =	simm.s32 $0xF080;
	s0 =	ssub.s32 $0x2, s0;
	[dreg:$0x16] =	wrdreg s9  }
0xf: {  	s12 =	simm.s32 $0xF880;
	s26 =	sshrl.u32 s0, $0x1;
	[dreg:$0x17] =	wrdreg s10  }
0x10: {  	s6 =	sshrl.u32 s4, $0x3;
	s4 =	sshll.u32 s4, $0x7;
	[dreg:$0x18] =	wrdreg s11  }
0x11: {  	s0 =	ssub.s32 s0, s26;
	s26 =	simm.s32 $0x17880;
	[dreg:$0x19] =	wrdreg s12  }
0x12: {  	s4 =	sadd.s32 s5, s4;
	[smem:$0x7FD] =	sst s26  }
0x13: {  	s5 =	simm.s32 $0xB880;
	[smem:$0x7F5] =	sst s4  }
0x14: {  	s2 =	sadd.s32 s6, s2;
	s6 =	simm.s32 $0xC880;
	[dreg:$0x12] =	wrdreg s5  }
0x15: {  	s20 =	simm.s32 $0x14880;
	[dreg:$0x13] =	wrdreg s6  }
0x16: {  	s21 =	simm.s32 $0x15080;
	[smem:$0x7F7] =	sst s20  }
0x17: {  	s22 =	simm.s32 $0x15880;
	[smem:$0x7F8] =	sst s21  }
0x18: {  	s23 =	simm.s32 $0x16080;
	[smem:$0x7F9] =	sst s22  }
0x19: {  	s28 =	simm.s32 $0x3080;
	s24 =	simm.s32 $0x16880;
	[smem:$0x7FA] =	sst s23  }
0x1a: {  	s29 =	simm.s32 $0x3880;
	s25 =	simm.s32 $0x17080;
	[smem:$0x7FB] =	sst s24  }
0x1b: {  	s30 =	simm.s32 $0x4080;
	s2 =	sadd.s32 $0x2400, s2;
	[smem:$0x7FC] =	sst s25  }
0x1c: {  	s31 =	simm.s32 $0x4880;
	s13 =	sadd.s32 $0x800, s4;
	[dreg:$0x4] =	wrdreg s2  }
0x1d: {  	s7 =	sadd.s32 $0x300, s1;
	s14 =	sadd.s32 $0x1000, s4;
	[dreg:$0x5] =	wrdreg s13  }
0x1e: {  	s8 =	smax.u32 s0, $0x1;
	s15 =	sadd.s32 $0x1800, s4;
	[dreg:$0x6] =	wrdreg s14  }
0x1f: {  	s11 =	simm.s32 $0x1;
	s16 =	sadd.s32 $0x2000, s4;
	[dreg:$0x7] =	wrdreg s15  }
0x20: {  	s0 =	simm.s32 $0x7;
	s17 =	sadd.s32 $0x2800, s4;
	[dreg:$0x8] =	wrdreg s16  }
0x21: {  	s12 =	simm.s32 $0x8;
	s18 =	sadd.s32 $0x3000, s4;
	[dreg:$0x9] =	wrdreg s17  }
0x22: {  	s26 =	simm.s32 $0x2880;
	s19 =	sadd.s32 $0x3800, s4;
	[dreg:$0xa] =	wrdreg s18  }
0x23: {  	s10 =	simm.s32 $0x14080;
	[dreg:$0xb] =	wrdreg s19;
	s13 =	simm.s32 $0x10880  }
0x24: {  	s5 =	sadd.s32 $0x100, s1;
	s14 =	simm.s32 $0x11080;
	[dreg:$0x1a] =	wrdreg s13  }
0x25: {  	s6 =	sadd.s32 $0x200, s1;
	s15 =	simm.s32 $0x11880;
	[dreg:$0x1b] =	wrdreg s14  }
0x26: {  	s22 =	simm.s32 $0x880;
	s16 =	simm.s32 $0x12080;
	[dreg:$0x1c] =	wrdreg s15  }
0x27: {  	s23 =	simm.s32 $0x1080;
	s17 =	simm.s32 $0x12880;
	[dreg:$0x1d] =	wrdreg s16  }
0x28: {  	s24 =	simm.s32 $0x1880;
	s18 =	simm.s32 $0x13080;
	[dreg:$0x1e] =	wrdreg s17  }
0x29: {  	s25 =	simm.s32 $0x2080;
	s19 =	simm.s32 $0x13880;
	[dreg:$0x1f] =	wrdreg s18  }
0x2a: {  	v2 =	vlaneseq.u32;
	s2 =	simm.s32 $0x2;
	[smem:$0x7F6] =	sst s19;
	s18 =	simm.s32 $0x80  }
0x2b: {  	vm0 =	vmmov $0xffff;
	v1 =	vshrl.u32 v2, $0x3;
	s13 =	simm.s32 $0x6080;
	s14 =	simm.s32 $0x6880;
	s15 =	simm.s32 $0x7080  }
0x2c: {  	v0 =	vand.u32 $0x7, v2;
	v2 =	vor.u32 $0x8, v2;
	v1 =	vmul.u32 $0x8, v1;
	s16 =	simm.s32 $0x7880;
	s17 =	simm.s32 $0x8080;
	s19 =	simm.s32 $0x10080  }
.LBB2_1:
0x2d: {  	s20 =	rddreg [dreg:$0x4];
	s9 =	simm.s32 $0xD  }
0x2e: {  	[tilespmem:s3], [sflag:$0xD] =	stream.linear.gather [hbm4b:s20+s3], $0x80, $0x38;
	[tilespmem:$0x18080] =	vst v63  }
0x2f: {  	_ =	swait.ge [sflag:s9], $0x80  }
0x30: {  	[sflag:s9] =	ssyncset.done $0x0  }
0x31: {  	[sflag:s9] =	ssyncadd.s32 $0xFFFFFF80  }
0x32: {  	v3 =	vld [tilespmem:$0x0];
	_ =	sdelay $0x4  }
0x33: {  	v4 =	vshll.u32 v3, $0x3  }
0x34: {  	v3 =	vand.u32 $0x7, v3;
	v4 =	vand.u32 $0xFFFFFFC0, v4  }
0x35: {  	v3 =	vor.u32 v3, v4  }
0x36: {  	v4 =	vperm.xlane v3, v0;
	_ =	sdelay $0x1  }
0x37: {  	v4 =	vadd.s32 v1, v4;
	_ =	sdelay $0x4  }
0x38: {  	[tilespmem:s18], [sflag:$0x1] =	stream.indirect_vreg.gather [hbm4b:s1+s3], $0x80, v4, vm0, $0xb8;
	[tilespmem:$0x18080] =	vst v63  }
0x39: {  	v3 =	vperm.xlane v3, v2  }
0x3a: {  	[tilespmem:s22], [sflag:$0x1] =	stream.indirect_vreg.gather [hbm4b:s5+s3], $0x80, v4, vm0, $0xb8;
	[tilespmem:$0x18080] =	vst v63  }
0x3b: {  	v3 =	vadd.s32 v1, v3  }
0x3c: {  	[tilespmem:s23], [sflag:$0x1] =	stream.indirect_vreg.gather [hbm4b:s6+s3], $0x80, v4, vm0, $0xb8;
	[tilespmem:$0x18080] =	vst v63  }
0x3d: {  	_ = 	snop  }
0x3e: {  	[tilespmem:s24], [sflag:$0x1] =	stream.indirect_vreg.gather [hbm4b:s7+s3], $0x80, v4, vm0, $0xb8;
	[tilespmem:$0x18080] =	vst v63  }
0x3f: {  	_ = 	snop  }
0x40: {  	[tilespmem:s25], [sflag:$0x1] =	stream.indirect_vreg.gather [hbm4b:s1+s3], $0x80, v3, vm0, $0xb8;
	[tilespmem:$0x18080] =	vst v63  }
0x41: {  	_ = 	snop  }
0x42: {  	[tilespmem:s26], [sflag:$0x1] =	stream.indirect_vreg.gather [hbm4b:s5+s3], $0x80, v3, vm0, $0xb8;
	[tilespmem:$0x18080] =	vst v63  }
0x43: {  	_ = 	snop  }
0x44: {  	[tilespmem:s28], [sflag:$0x1] =	stream.indirect_vreg.gather [hbm4b:s6+s3], $0x80, v3, vm0, $0xb8;
	[tilespmem:$0x18080] =	vst v63  }
0x45: {  	_ = 	snop  }
0x46: {  	[tilespmem:s29], [sflag:$0x1] =	stream.indirect_vreg.gather [hbm4b:s7+s3], $0x80, v3, vm0, $0xb8;
	[tilespmem:$0x18080] =	vst v63  }
0x47: {  	v3 =	vld [tilespmem:$0x10];
	_ =	sdelay $0x4  }
0x48: {  	v57 =	vshll.u32 v3, $0x3  }
0x49: {  	v3 =	vand.u32 $0x7, v3;
	v4 =	vand.u32 $0xFFFFFFC0, v57  }
0x4a: {  	v3 =	vor.u32 v3, v4  }
0x4b: {  	v4 =	vperm.xlane v3, v0;
	_ =	sdelay $0x1  }
0x4c: {  	v4 =	vadd.s32 v1, v4;
	_ =	sdelay $0x4  }
0x4d: {  	[tilespmem:s30], [sflag:$0x2] =	stream.indirect_vreg.gather [hbm4b:s1+s3], $0x80, v4, vm0, $0xb8;
	[tilespmem:$0x18080] =	vst v63  }
0x4e: {  	v3 =	vperm.xlane v3, v2  }
0x4f: {  	[tilespmem:s31], [sflag:$0x2] =	stream.indirect_vreg.gather [hbm4b:s5+s3], $0x80, v4, vm0, $0xb8;
	[tilespmem:$0x18080] =	vst v63  }
0x50: {  	s9 =	simm.s32 $0x5080;
	v3 =	vadd.s32 v1, v3  }
0x51: {  	[tilespmem:s9], [sflag:$0x2] =	stream.indirect_vreg.gather [hbm4b:s6+s3], $0x80, v4, vm0, $0xb8;
	[tilespmem:$0x18080] =	vst v63  }
0x52: {  	s4 =	simm.s32 $0x5880  }
0x53: {  	[tilespmem:s4], [sflag:$0x2] =	stream.indirect_vreg.gather [hbm4b:s7+s3], $0x80, v4, vm0, $0xb8;
	[tilespmem:$0x18080] =	vst v63  }
0x54: {  	_ = 	snop  }
0x55: {  	[tilespmem:s13], [sflag:$0x2] =	stream.indirect_vreg.gather [hbm4b:s1+s3], $0x80, v3, vm0, $0xb8;
	[tilespmem:$0x18080] =	vst v63  }
0x56: {  	_ = 	snop  }
0x57: {  	[tilespmem:s14], [sflag:$0x2] =	stream.indirect_vreg.gather [hbm4b:s5+s3], $0x80, v3, vm0, $0xb8;
	[tilespmem:$0x18080] =	vst v63  }
0x58: {  	_ = 	snop  }
0x59: {  	[tilespmem:s15], [sflag:$0x2] =	stream.indirect_vreg.gather [hbm4b:s6+s3], $0x80, v3, vm0, $0xb8;
	[tilespmem:$0x18080] =	vst v63  }
0x5a: {  	_ = 	snop  }
0x5b: {  	[tilespmem:s16], [sflag:$0x2] =	stream.indirect_vreg.gather [hbm4b:s7+s3], $0x80, v3, vm0, $0xb8;
	[tilespmem:$0x18080] =	vst v63  }
0x5c: {  	v3 =	vld [tilespmem:$0x20];
	_ =	sdelay $0x4  }
0x5d: {  	v58 =	vshll.u32 v3, $0x3  }
0x5e: {  	v3 =	vand.u32 $0x7, v3;
	v4 =	vand.u32 $0xFFFFFFC0, v58  }
0x5f: {  	v3 =	vor.u32 v3, v4  }
0x60: {  	v4 =	vperm.xlane v3, v0;
	_ =	sdelay $0x1  }
0x61: {  	v4 =	vadd.s32 v1, v4;
	_ =	sdelay $0x4  }
0x62: {  	[tilespmem:s17], [sflag:$0x3] =	stream.indirect_vreg.gather [hbm4b:s1+s3], $0x80, v4, vm0, $0xb8;
	[tilespmem:$0x18080] =	vst v63  }
0x63: {  	s4 =	rddreg [dreg:$0xc];
	v3 =	vperm.xlane v3, v2  }
0x64: {  	[tilespmem:s4], [sflag:$0x3] =	stream.indirect_vreg.gather [hbm4b:s5+s3], $0x80, v4, vm0, $0xb8;
	[tilespmem:$0x18080] =	vst v63  }
0x65: {  	s21 =	rddreg [dreg:$0xd];
	v3 =	vadd.s32 v1, v3  }
0x66: {  	[tilespmem:s21], [sflag:$0x3] =	stream.indirect_vreg.gather [hbm4b:s6+s3], $0x80, v4, vm0, $0xb8;
	[tilespmem:$0x18080] =	vst v63  }
0x67: {  	s4 =	rddreg [dreg:$0xe]  }
0x68: {  	[tilespmem:s4], [sflag:$0x3] =	stream.indirect_vreg.gather [hbm4b:s7+s3], $0x80, v4, vm0, $0xb8;
	[tilespmem:$0x18080] =	vst v63  }
0x69: {  	s21 =	rddreg [dreg:$0xf]  }
0x6a: {  	[tilespmem:s21], [sflag:$0x3] =	stream.indirect_vreg.gather [hbm4b:s1+s3], $0x80, v3, vm0, $0xb8;
	[tilespmem:$0x18080] =	vst v63  }
0x6b: {  	s4 =	rddreg [dreg:$0x10]  }
0x6c: {  	[tilespmem:s4], [sflag:$0x3] =	stream.indirect_vreg.gather [hbm4b:s5+s3], $0x80, v3, vm0, $0xb8;
	[tilespmem:$0x18080] =	vst v63  }
0x6d: {  	s21 =	rddreg [dreg:$0x11]  }
0x6e: {  	[tilespmem:s21], [sflag:$0x3] =	stream.indirect_vreg.gather [hbm4b:s6+s3], $0x80, v3, vm0, $0xb8;
	[tilespmem:$0x18080] =	vst v63  }
0x6f: {  	s4 =	rddreg [dreg:$0x12]  }
0x70: {  	[tilespmem:s4], [sflag:$0x3] =	stream.indirect_vreg.gather [hbm4b:s7+s3], $0x80, v3, vm0, $0xb8;
	[tilespmem:$0x18080] =	vst v63  }
0x71: {  	v3 =	vld [tilespmem:$0x30];
	_ =	sdelay $0x4  }
0x72: {  	v59 =	vshll.u32 v3, $0x3  }
0x73: {  	v3 =	vand.u32 $0x7, v3;
	v4 =	vand.u32 $0xFFFFFFC0, v59  }
0x74: {  	v3 =	vor.u32 v3, v4  }
0x75: {  	v4 =	vperm.xlane v3, v0;
	_ =	sdelay $0x1  }
0x76: {  	v4 =	vadd.s32 v1, v4;
	_ =	sdelay $0x3  }
0x77: {  	s4 =	simm.s32 $0xC080  }
0x78: {  	[tilespmem:s4], [sflag:$0x4] =	stream.indirect_vreg.gather [hbm4b:s1+s3], $0x80, v4, vm0, $0xb8;
	[tilespmem:$0x18080] =	vst v63  }
0x79: {  	s20 =	rddreg [dreg:$0x13];
	v3 =	vperm.xlane v3, v2  }
0x7a: {  	[tilespmem:s20], [sflag:$0x4] =	stream.indirect_vreg.gather [hbm4b:s5+s3], $0x80, v4, vm0, $0xb8;
	[tilespmem:$0x18080] =	vst v63  }
0x7b: {  	s21 =	rddreg [dreg:$0x14];
	v3 =	vadd.s32 v1, v3  }
0x7c: {  	[tilespmem:s21], [sflag:$0x4] =	stream.indirect_vreg.gather [hbm4b:s6+s3], $0x80, v4, vm0, $0xb8;
	[tilespmem:$0x18080] =	vst v63  }
0x7d: {  	s20 =	rddreg [dreg:$0x15]  }
0x7e: {  	[tilespmem:s20], [sflag:$0x4] =	stream.indirect_vreg.gather [hbm4b:s7+s3], $0x80, v4, vm0, $0xb8;
	[tilespmem:$0x18080] =	vst v63  }
0x7f: {  	s21 =	rddreg [dreg:$0x16]  }
0x80: {  	[tilespmem:s21], [sflag:$0x4] =	stream.indirect_vreg.gather [hbm4b:s1+s3], $0x80, v3, vm0, $0xb8;
	[tilespmem:$0x18080] =	vst v63  }
0x81: {  	s20 =	rddreg [dreg:$0x17]  }
0x82: {  	[tilespmem:s20], [sflag:$0x4] =	stream.indirect_vreg.gather [hbm4b:s5+s3], $0x80, v3, vm0, $0xb8;
	[tilespmem:$0x18080] =	vst v63  }
0x83: {  	s21 =	rddreg [dreg:$0x18]  }
0x84: {  	[tilespmem:s21], [sflag:$0x4] =	stream.indirect_vreg.gather [hbm4b:s6+s3], $0x80, v3, vm0, $0xb8;
	[tilespmem:$0x18080] =	vst v63  }
0x85: {  	s20 =	rddreg [dreg:$0x19]  }
0x86: {  	[tilespmem:s20], [sflag:$0x4] =	stream.indirect_vreg.gather [hbm4b:s7+s3], $0x80, v3, vm0, $0xb8;
	[tilespmem:$0x18080] =	vst v63  }
0x87: {  	v3 =	vld [tilespmem:$0x40];
	_ =	sdelay $0x4  }
0x88: {  	v60 =	vshll.u32 v3, $0x3  }
0x89: {  	v3 =	vand.u32 $0x7, v3;
	v4 =	vand.u32 $0xFFFFFFC0, v60  }
0x8a: {  	v3 =	vor.u32 v3, v4  }
0x8b: {  	v4 =	vperm.xlane v3, v0;
	_ =	sdelay $0x1  }
0x8c: {  	v4 =	vadd.s32 v1, v4;
	_ =	sdelay $0x3  }
0x8d: {  	s21 =	rddreg [dreg:$0x1b]  }
0x8e: {  	[tilespmem:s19], [sflag:$0x5] =	stream.indirect_vreg.gather [hbm4b:s1+s3], $0x80, v4, vm0, $0xb8;
	[tilespmem:$0x18080] =	vst v63  }
0x8f: {  	s20 =	rddreg [dreg:$0x1a];
	v3 =	vperm.xlane v3, v2  }
0x90: {  	[tilespmem:s20], [sflag:$0x5] =	stream.indirect_vreg.gather [hbm4b:s5+s3], $0x80, v4, vm0, $0xb8;
	[tilespmem:$0x18080] =	vst v63  }
0x91: {  	v3 =	vadd.s32 v1, v3;
	s20 =	rddreg [dreg:$0x1c]  }
0x92: {  	[tilespmem:s21], [sflag:$0x5] =	stream.indirect_vreg.gather [hbm4b:s6+s3], $0x80, v4, vm0, $0xb8;
	[tilespmem:$0x18080] =	vst v63  }
0x93: {  	s21 =	rddreg [dreg:$0x1d]  }
0x94: {  	[tilespmem:s20], [sflag:$0x5] =	stream.indirect_vreg.gather [hbm4b:s7+s3], $0x80, v4, vm0, $0xb8;
	[tilespmem:$0x18080] =	vst v63  }
0x95: {  	s20 =	rddreg [dreg:$0x1e]  }
0x96: {  	[tilespmem:s21], [sflag:$0x5] =	stream.indirect_vreg.gather [hbm4b:s1+s3], $0x80, v3, vm0, $0xb8;
	[tilespmem:$0x18080] =	vst v63  }
0x97: {  	s21 =	rddreg [dreg:$0x1f]  }
0x98: {  	[tilespmem:s20], [sflag:$0x5] =	stream.indirect_vreg.gather [hbm4b:s5+s3], $0x80, v3, vm0, $0xb8;
	[tilespmem:$0x18080] =	vst v63  }
0x99: {  	s20 =	sld [smem:$0x7F6]  }
0x9a: {  	[tilespmem:s21], [sflag:$0x5] =	stream.indirect_vreg.gather [hbm4b:s6+s3], $0x80, v3, vm0, $0xb8;
	[tilespmem:$0x18080] =	vst v63  }
0x9b: {  	_ = 	snop  }
0x9c: {  	[tilespmem:s20], [sflag:$0x5] =	stream.indirect_vreg.gather [hbm4b:s7+s3], $0x80, v3, vm0, $0xb8;
	[tilespmem:$0x18080] =	vst v63  }
0x9d: {  	_ =	swait.ge [sflag:s11], $0x4000  }
0x9e: {  	s21 =	sld [smem:$0x7F5]  }
0x9f: {  	[sflag:s11] =	ssyncset.done $0x0  }
0xa0: {  	[sflag:s11] =	ssyncadd.s32 $0xFFFFC000  }
0xa1: {  	[hbm4b:s21+s3] =	stream.linear.scatter [tilespmem:s18], [sflag:$0x7], $0x4000, $0x38;
	[tilespmem:$0x18080] =	vst v63  }
0xa2: {  	v3 =	vld [tilespmem:$0x50];
	_ =	sdelay $0x4  }
0xa3: {  	v61 =	vshll.u32 v3, $0x3  }
0xa4: {  	v3 =	vand.u32 $0x7, v3;
	v4 =	vand.u32 $0xFFFFFFC0, v61  }
0xa5: {  	v3 =	vor.u32 v3, v4  }
0xa6: {  	v4 =	vperm.xlane v3, v0;
	_ =	sdelay $0x1  }
0xa7: {  	v4 =	vadd.s32 v1, v4;
	_ =	sdelay $0x3  }
0xa8: {  	s20 =	sld [smem:$0x7F7]  }
0xa9: {  	[tilespmem:s10], [sflag:$0x6] =	stream.indirect_vreg.gather [hbm4b:s1+s3], $0x80, v4, vm0, $0xb8;
	[tilespmem:$0x18080] =	vst v63  }
0xaa: {  	s21 =	sld [smem:$0x7F8];
	v3 =	vperm.xlane v3, v2  }
0xab: {  	[tilespmem:s20], [sflag:$0x6] =	stream.indirect_vreg.gather [hbm4b:s5+s3], $0x80, v4, vm0, $0xb8;
	[tilespmem:$0x18080] =	vst v63  }
0xac: {  	v3 =	vadd.s32 v1, v3;
	s20 =	sld [smem:$0x7F9]  }
0xad: {  	[tilespmem:s21], [sflag:$0x6] =	stream.indirect_vreg.gather [hbm4b:s6+s3], $0x80, v4, vm0, $0xb8;
	[tilespmem:$0x18080] =	vst v63  }
0xae: {  	s21 =	sld [smem:$0x7FA]  }
0xaf: {  	[tilespmem:s20], [sflag:$0x6] =	stream.indirect_vreg.gather [hbm4b:s7+s3], $0x80, v4, vm0, $0xb8;
	[tilespmem:$0x18080] =	vst v63  }
0xb0: {  	s20 =	sld [smem:$0x7FB]  }
0xb1: {  	[tilespmem:s21], [sflag:$0x6] =	stream.indirect_vreg.gather [hbm4b:s1+s3], $0x80, v3, vm0, $0xb8;
	[tilespmem:$0x18080] =	vst v63  }
0xb2: {  	s21 =	sld [smem:$0x7FC]  }
0xb3: {  	[tilespmem:s20], [sflag:$0x6] =	stream.indirect_vreg.gather [hbm4b:s5+s3], $0x80, v3, vm0, $0xb8;
	[tilespmem:$0x18080] =	vst v63  }
0xb4: {  	s20 =	sld [smem:$0x7FD]  }
0xb5: {  	[tilespmem:s21], [sflag:$0x6] =	stream.indirect_vreg.gather [hbm4b:s6+s3], $0x80, v3, vm0, $0xb8;
	[tilespmem:$0x18080] =	vst v63  }
0xb6: {  	_ = 	snop  }
0xb7: {  	[tilespmem:s20], [sflag:$0x6] =	stream.indirect_vreg.gather [hbm4b:s7+s3], $0x80, v3, vm0, $0xb8;
	[tilespmem:$0x18080] =	vst v63  }
0xb8: {  	_ =	swait.ge [sflag:s2], $0x4000  }
0xb9: {  	[sflag:s2] =	ssyncset.done $0x0  }
0xba: {  	s21 =	rddreg [dreg:$0x5];
	[sflag:s2] =	ssyncadd.s32 $0xFFFFC000  }
0xbb: {  	[hbm4b:s21+s3] =	stream.linear.scatter [tilespmem:s30], [sflag:$0x8], $0x4000, $0x38;
	[tilespmem:$0x18080] =	vst v63  }
0xbc: {  	_ =	swait.ge [sflag:s0], $0x4000  }
0xbd: {  	[sflag:s0] =	ssyncset.done $0x0  }
0xbe: {  	[sflag:s0] =	ssyncadd.s32 $0xFFFFC000  }
0xbf: {  	v3 =	vld [tilespmem:$0x60];
	_ =	sdelay $0x4  }
0xc0: {  	v62 =	vshll.u32 v3, $0x3  }
0xc1: {  	v3 =	vand.u32 $0x7, v3;
	v4 =	vand.u32 $0xFFFFFFC0, v62  }
0xc2: {  	v3 =	vor.u32 v3, v4  }
0xc3: {  	v4 =	vperm.xlane v3, v0;
	_ =	sdelay $0x1  }
0xc4: {  	v4 =	vadd.s32 v1, v4;
	_ =	sdelay $0x4  }
0xc5: {  	[tilespmem:s18], [sflag:$0x1] =	stream.indirect_vreg.gather [hbm4b:s1+s3], $0x80, v4, vm0, $0xb8;
	[tilespmem:$0x18080] =	vst v63  }
0xc6: {  	v3 =	vperm.xlane v3, v2  }
0xc7: {  	[tilespmem:s22], [sflag:$0x1] =	stream.indirect_vreg.gather [hbm4b:s5+s3], $0x80, v4, vm0, $0xb8;
	[tilespmem:$0x18080] =	vst v63  }
0xc8: {  	v3 =	vadd.s32 v1, v3  }
0xc9: {  	[tilespmem:s23], [sflag:$0x1] =	stream.indirect_vreg.gather [hbm4b:s6+s3], $0x80, v4, vm0, $0xb8;
	[tilespmem:$0x18080] =	vst v63  }
0xca: {  	_ = 	snop  }
0xcb: {  	[tilespmem:s24], [sflag:$0x1] =	stream.indirect_vreg.gather [hbm4b:s7+s3], $0x80, v4, vm0, $0xb8;
	[tilespmem:$0x18080] =	vst v63  }
0xcc: {  	_ = 	snop  }
0xcd: {  	[tilespmem:s25], [sflag:$0x1] =	stream.indirect_vreg.gather [hbm4b:s1+s3], $0x80, v3, vm0, $0xb8;
	[tilespmem:$0x18080] =	vst v63  }
0xce: {  	_ = 	snop  }
0xcf: {  	[tilespmem:s26], [sflag:$0x1] =	stream.indirect_vreg.gather [hbm4b:s5+s3], $0x80, v3, vm0, $0xb8;
	[tilespmem:$0x18080] =	vst v63  }
0xd0: {  	_ = 	snop  }
0xd1: {  	[tilespmem:s28], [sflag:$0x1] =	stream.indirect_vreg.gather [hbm4b:s6+s3], $0x80, v3, vm0, $0xb8;
	[tilespmem:$0x18080] =	vst v63  }
0xd2: {  	s21 =	simm.s32 $0x3  }
0xd3: {  	[tilespmem:s29], [sflag:$0x1] =	stream.indirect_vreg.gather [hbm4b:s7+s3], $0x80, v3, vm0, $0xb8;
	[tilespmem:$0x18080] =	vst v63  }
0xd4: {  	_ =	swait.ge [sflag:s21], $0x4000  }
0xd5: {  	[sflag:s21] =	ssyncset.done $0x0  }
0xd6: {  	s20 =	rddreg [dreg:$0x6];
	[sflag:s21] =	ssyncadd.s32 $0xFFFFC000  }
0xd7: {  	[hbm4b:s20+s3] =	stream.linear.scatter [tilespmem:s17], [sflag:$0x9], $0x4000, $0x38;
	[tilespmem:$0x18080] =	vst v63  }
0xd8: {  	_ =	swait.ge [sflag:s12], $0x4000  }
0xd9: {  	[sflag:s12] =	ssyncset.done $0x0  }
0xda: {  	[sflag:s12] =	ssyncadd.s32 $0xFFFFC000  }
0xdb: {  	v3 =	vld [tilespmem:$0x70];
	_ =	sdelay $0x4  }
0xdc: {  	v63 =	vshll.u32 v3, $0x3  }
0xdd: {  	v3 =	vand.u32 $0x7, v3;
	v4 =	vand.u32 $0xFFFFFFC0, v63  }
0xde: {  	v3 =	vor.u32 v3, v4  }
0xdf: {  	v4 =	vperm.xlane v3, v0;
	_ =	sdelay $0x1  }
0xe0: {  	v4 =	vadd.s32 v1, v4;
	_ =	sdelay $0x4  }
0xe1: {  	[tilespmem:s30], [sflag:$0x2] =	stream.indirect_vreg.gather [hbm4b:s1+s3], $0x80, v4, vm0, $0xb8;
	[tilespmem:$0x18080] =	vst v63  }
0xe2: {  	v3 =	vperm.xlane v3, v2  }
0xe3: {  	[tilespmem:s31], [sflag:$0x2] =	stream.indirect_vreg.gather [hbm4b:s5+s3], $0x80, v4, vm0, $0xb8;
	[tilespmem:$0x18080] =	vst v63  }
0xe4: {  	v3 =	vadd.s32 v1, v3  }
0xe5: {  	[tilespmem:s9], [sflag:$0x2] =	stream.indirect_vreg.gather [hbm4b:s6+s3], $0x80, v4, vm0, $0xb8;
	[tilespmem:$0x18080] =	vst v63  }
0xe6: {  	s21 =	simm.s32 $0x5880  }
0xe7: {  	[tilespmem:s21], [sflag:$0x2] =	stream.indirect_vreg.gather [hbm4b:s7+s3], $0x80, v4, vm0, $0xb8;
	[tilespmem:$0x18080] =	vst v63  }
0xe8: {  	_ = 	snop  }
0xe9: {  	[tilespmem:s13], [sflag:$0x2] =	stream.indirect_vreg.gather [hbm4b:s1+s3], $0x80, v3, vm0, $0xb8;
	[tilespmem:$0x18080] =	vst v63  }
0xea: {  	_ = 	snop  }
0xeb: {  	[tilespmem:s14], [sflag:$0x2] =	stream.indirect_vreg.gather [hbm4b:s5+s3], $0x80, v3, vm0, $0xb8;
	[tilespmem:$0x18080] =	vst v63  }
0xec: {  	_ = 	snop  }
0xed: {  	[tilespmem:s15], [sflag:$0x2] =	stream.indirect_vreg.gather [hbm4b:s6+s3], $0x80, v3, vm0, $0xb8;
	[tilespmem:$0x18080] =	vst v63  }
0xee: {  	s20 =	simm.s32 $0x4  }
0xef: {  	[tilespmem:s16], [sflag:$0x2] =	stream.indirect_vreg.gather [hbm4b:s7+s3], $0x80, v3, vm0, $0xb8;
	[tilespmem:$0x18080] =	vst v63  }
0xf0: {  	_ =	swait.ge [sflag:s20], $0x4000  }
0xf1: {  	[sflag:s20] =	ssyncset.done $0x0  }
0xf2: {  	s21 =	rddreg [dreg:$0x7];
	[sflag:s20] =	ssyncadd.s32 $0xFFFFC000  }
0xf3: {  	[hbm4b:s21+s3] =	stream.linear.scatter [tilespmem:s4], [sflag:$0xA], $0x4000, $0x38;
	[tilespmem:$0x18080] =	vst v63  }
0xf4: {  	s21 =	simm.s32 $0x5  }
0xf5: {  	_ =	swait.ge [sflag:s21], $0x4000  }
0xf6: {  	[sflag:s21] =	ssyncset.done $0x0  }
0xf7: {  	s20 =	simm.s32 $0x6;
	s9 =	rddreg [dreg:$0x8];
	[sflag:s21] =	ssyncadd.s32 $0xFFFFC000  }
0xf8: {  	[hbm4b:s9+s3] =	stream.linear.scatter [tilespmem:s19], [sflag:$0xB], $0x4000, $0x38;
	[tilespmem:$0x18080] =	vst v63  }
0xf9: {  	_ =	swait.ge [sflag:s20], $0x4000  }
0xfa: {  	[sflag:s20] =	ssyncset.done $0x0  }
0xfb: {  	s21 =	rddreg [dreg:$0x9];
	[sflag:s20] =	ssyncadd.s32 $0xFFFFC000  }
0xfc: {  	[hbm4b:s21+s3] =	stream.linear.scatter [tilespmem:s10], [sflag:$0xC], $0x4000, $0x38;
	[tilespmem:$0x18080] =	vst v63  }
0xfd: {  	_ =	swait.ge [sflag:s11], $0x4000  }
0xfe: {  	[sflag:s11] =	ssyncset.done $0x0  }
0xff: {  	s4 =	rddreg [dreg:$0xa];
	[sflag:s11] =	ssyncadd.s32 $0xFFFFC000  }
0x100: {  	[hbm4b:s4+s3] =	stream.linear.scatter [tilespmem:s18], [sflag:$0x7], $0x4000, $0x38;
	[tilespmem:$0x18080] =	vst v63  }
0x101: {  	_ =	swait.ge [sflag:s2], $0x4000  }
0x102: {  	[sflag:s2] =	ssyncset.done $0x0  }
0x103: {  	s9 =	rddreg [dreg:$0xb];
	[sflag:s2] =	ssyncadd.s32 $0xFFFFC000  }
0x104: {  	[hbm4b:s9+s3] =	stream.linear.scatter [tilespmem:s30], [sflag:$0x8], $0x4000, $0x38;
	[tilespmem:$0x18080] =	vst v63  }
0x105: {  	_ =	swait.ge [sflag:s0], $0x4000  }
0x106: {  	[sflag:s0] =	ssyncset.done $0x0  }
0x107: {  	[sflag:s0] =	ssyncadd.s32 $0xFFFFC000  }
0x108: {  	_ =	swait.ge [sflag:s12], $0x4000  }
0x109: {  	[sflag:s12] =	ssyncset.done $0x0  }
0x10a: {  	s21 =	simm.s32 $0x9;
	[sflag:s12] =	ssyncadd.s32 $0xFFFFC000  }
0x10b: {  	_ =	swait.ge [sflag:s21], $0x4000  }
0x10c: {  	[sflag:s21] =	ssyncset.done $0x0  }
0x10d: {  	s9 =	simm.s32 $0xA;
	[sflag:s21] =	ssyncadd.s32 $0xFFFFC000  }
0x10e: {  	_ =	swait.ge [sflag:s9], $0x4000  }
0x10f: {  	[sflag:s9] =	ssyncset.done $0x0  }
0x110: {  	s20 =	simm.s32 $0xB;
	[sflag:s9] =	ssyncadd.s32 $0xFFFFC000  }
0x111: {  	p0 =	sne.s32 s8, $0x1;
	_ =	swait.ge [sflag:s20], $0x4000  }
.Ltmp0:
0x112: {  	[sflag:s20] =	ssyncset.done $0x0;
	(pc) =	sbr.rel @p0 .LBB2_1-.Ltmp0, $4  }
0x113: {  	s21 =	simm.s32 $0xC;
	[sflag:s20] =	ssyncadd.s32 $0xFFFFC000  }
0x114: {  	_ =	swait.ge [sflag:s21], $0x4000  }
0x115: {  	[sflag:s21] =	ssyncset.done $0x0  }
0x116: {  	s8 =	sadd.s32 $0xFFFFFFFF, s8;
	[sflag:s21] =	ssyncadd.s32 $0xFFFFC000  }
0x117: {  	_ =	sfence.sel $0x180000  }
0x118: {  	[bflag:$0x0] =	sbarrier.arrive $0xFFFF  }
0x119: {  	_ =	strace $0x90000047  }
0x11a: {  	s0 =	stileid.u32;
	[bflag:$0x2] =	sbarrier.arrive $0xFFFF  }
0x11b: {  	p0 =	sne.s32 s0, $0x0;
	s0 =	rddreg [dreg:$0x3]  }
0x11c: {  	s0 =	sadd.s32 @!p0 $0x100000, s0  }
0x11d: {  	[sflag:s0] =	ssyncadd.tile.s32 @!p0 $0x1;
	_ =	shalt  }
.Lfunc_end2:
_tile_overlayer_lowered:
.L_overlay_start_2:
0x11e: {  	(tag) =	ssettag $0x2  }
0x11f: {  	s0 =	rddreg [dreg:$0x0];
	s2 =	stileid.u32  }
0x120: {  	s1 =	rddreg [dreg:$0x1];
	p0 =	sne.s32 s2, $0x0  }
0x121: {  	s3 =	rddreg [dreg:$0x2];
	[bflag:$0x3] =	sbarrier.arrive $0xFFFF;
	s2 =	simm.s32 @!p0 $0x1C0D  }
0x122: {  	[timem:s3], [sflag:s2] =	dma.local @!p0 [hbm:s0], s1  }
0x123: {  	s0 =	simm.s32 @!p0 $0xD  }
0x124: {  	_ =	swait.ge @!p0 [sflag:s0], s1  }
0x125: {  	s1 =	ssub.s32 @!p0 $0x0, s1;
	[sflag:s0] =	ssyncset.done @!p0 $0x0  }
0x126: {  	[sflag:s0] =	ssyncadd.s32 @!p0 s1  }
0x127: {  	[bflag:$0x3] =	sbarrier.arrive $0xFFFF  }
0x128: {  	_ =	shalt  }

// kernel: kernel.13.cloned.1.call-start
scs
__scs_entry_jumppad:
0x0: {  	(pc) =	sbr.rel $0x88, $3  }
0x1: {  	(tag) =	ssettag $0x0;
	lr =	simm.s32 $0x1  }
0x2: {  	[smem:$0x3F9A] =	sst lr;
	_ =	strace $0xD0000000  }
0x3: {  	_ = 	snop  }
0x4: {  	_ = 	snop  }
0x5: {  	_ = 	snop  }
0x6: {  	_ = 	snop  }
0x7: {  	_ = 	snop  }
__scs_overlays_trampoline_lowered:
0x8: {  	[smem:$0x3FA9] =	sst s0  }
0x9: {  	[smem:$0x3FAA] =	sst s1  }
0xa: {  	[smem:$0x3FAB] =	sst s2  }
0xb: {  	[smem:$0x3FAC] =	sst s3  }
0xc: {  	[smem:$0x3FAD] =	sst s4  }
0xd: {  	[smem:$0x3FAE] =	sst s5  }
0xe: {  	[smem:$0x3FAF] =	sst s6  }
0xf: {  	[smem:$0x3FB0] =	sst s7  }
0x10: {  	[smem:$0x3FB1] =	sst s8  }
0x11: {  	[smem:$0x3FB2] =	sst s9;
	s0 =	simm.s32 @!p0 $0x0  }
0x12: {  	s1 =	sld [smem:$0x3F98];
	s0 =	simm.s32 @p0 $0x1  }
0x13: {  	[smem:$0x3FB3] =	sst s0;
	s0 =	simm.s32 @!p1 $0x0  }
0x14: {  	s2 =	sld [smem:$0x3F97];
	s0 =	simm.s32 @p1 $0x1  }
0x15: {  	[smem:$0x3FB4] =	sst s0;
	s0 =	simm.s32 @!p2 $0x0  }
0x16: {  	s3 =	sld [smem:$0x3FDB];
	s0 =	simm.s32 @p2 $0x1  }
0x17: {  	s4 =	simm.s32 $0x1BF5;
	[smem:$0x3FB6] =	sst s0  }
0x18: {  	s0 =	sld [smem:$0x3F99];
	_ =	swait.ge [sflag:s4], $0x0  }
0x19: {  	s7 =	sld [smem:$0x3F9A]  }
0x1a: {  	s8 =	sadd.s32 $0xFFFFE003, lr  }
0x1b: {  	s9 =	sadd.s32 $0xFFFFFEF7, lr;
	s5 =	simm.s32 $0xFFFFFFFF;
	p2 =	slt.u32 s8, $0xFFFFF086  }
0x1c: {  	p1 =	slt.u32 s9, $0xF7A;
	s5 =	simm.s32 @!p2 $0x0  }
0x1d: {  	s5 =	simm.s32 @p1 $0x1;
	p0 =	seq.s32 s7, s2  }
0x1e: {  	s7 =	smul.u32 @!p0 $0xF7A, s2;
	p2 =	seq.s32 @!p0 s5, $0x0  }
0x1f: {  	s9 =	smul.u32 $0xF7A, s1;
	s8 =	simm.s32 @!p0 $0x1BF5;
	p2 =	por !p2, p0  }
0x20: {  	[sflag:s8] =	ssyncset.s32 @!p0 $0xFFFFF086;
	s6 =	sadd.s32 @!p0 s3, s7;
	s7 =	simm.s32 @!p0 $0x108  }
0x21: {  	s3 =	sadd.s32 s3, s9;
	s6 =	sadd.s32 @!p0 $0x88, s6;
	s7 =	simm.s32 @p2 $0x1082  }
0x22: {  	[simem:s7], [sflag:s8] =	dma.local @!p0 [hbm:s6], $0xF7A  }
0x23: {  	s9 =	sor.u32 $0xD0000000, s2;
	s6 =	simm.s32 $0x108;
	_ =	swait.ge @!p0 [sflag:s8], $0x0  }
0x24: {  	s3 =	sadd.s32 $0x88, s3;
	s6 =	simm.s32 @!p1 $0x1082;
	[sflag:s4] =	ssyncset.s32 $0xFFFFF086  }
0x25: {  	[simem:s6], [sflag:s4] =	dma.local [hbm:s3], $0xF7A  }
0x26: {  	[smem:$0x3F9A] =	sst s1;
	(tag) =	ssettag s2;
	_ =	strace s9  }
0x27: {  	s1 =	sld [smem:$0x3FAA]  }
0x28: {  	s2 =	sld [smem:$0x3FAB]  }
0x29: {  	s4 =	sld [smem:$0x3FAD]  }
0x2a: {  	p0 =	seq.s32 s5, $0x0;
	s5 =	sld [smem:$0x3FAE]  }
0x2b: {  	s6 =	sld [smem:$0x3FAF]  }
0x2c: {  	s7 =	sld [smem:$0x3FB0]  }
0x2d: {  	s3 =	simm.s32 $0x108;
	s8 =	sld [smem:$0x3FB1]  }
0x2e: {  	s3 =	simm.s32 @!p0 $0x1082;
	s9 =	sld [smem:$0x3FB2]  }
0x2f: {  	lr =	sadd.s32 s0, s3;
	s0 =	sld [smem:$0x3FA9]  }
0x30: {  	s3 =	sld [smem:$0x3FAC]  }
0x31: {  	[smem:$0x3FB5] =	sst s10  }
0x32: {  	s10 =	sld [smem:$0x3FB3];
	_ =	sdelay $0x3  }
0x33: {  	p0 =	seq.s32 s10, $0x1;
	s10 =	sld [smem:$0x3FB5];
	_ =	sdelay $0x3  }
0x34: {  	[smem:$0x3FB5] =	sst s10  }
0x35: {  	s10 =	sld [smem:$0x3FB4];
	_ =	sdelay $0x3  }
0x36: {  	p1 =	seq.s32 s10, $0x1;
	s10 =	sld [smem:$0x3FB5];
	_ =	sdelay $0x3  }
0x37: {  	[smem:$0x3FB5] =	sst s10  }
0x38: {  	s10 =	sld [smem:$0x3FB6]  }
0x39: {  	_ = 	snop;
	(pc) =	sbr.ind lr, $3  }
0x3a: {  	_ = 	snop  }
0x3b: {  	_ = 	snop  }
0x3c: {  	p2 =	seq.s32 s10, $0x1;
	s10 =	sld [smem:$0x3FB5]  }
0x3d: {  	_ =	shalt  }
0x3e: {  	_ =	shalt  }
0x3f: {  	_ =	shalt  }
0x40: {  	_ =	shalt  }
0x41: {  	_ =	shalt  }
0x42: {  	_ =	shalt  }
0x43: {  	_ =	shalt  }
0x44: {  	_ =	shalt  }
0x45: {  	_ =	shalt  }
0x46: {  	_ =	shalt  }
0x47: {  	_ =	shalt  }
0x48: {  	_ =	shalt  }
0x49: {  	_ =	shalt  }
0x4a: {  	_ =	shalt  }
0x4b: {  	_ =	shalt  }
0x4c: {  	_ =	shalt  }
0x4d: {  	_ =	shalt  }
0x4e: {  	_ =	shalt  }
0x4f: {  	_ =	shalt  }
0x50: {  	_ =	shalt  }
0x51: {  	_ =	shalt  }
0x52: {  	_ =	shalt  }
0x53: {  	_ =	shalt  }
0x54: {  	_ =	shalt  }
0x55: {  	_ =	shalt  }
0x56: {  	_ =	shalt  }
0x57: {  	_ =	shalt  }
0x58: {  	_ =	shalt  }
0x59: {  	_ =	shalt  }
0x5a: {  	_ =	shalt  }
0x5b: {  	_ =	shalt  }
0x5c: {  	_ =	shalt  }
0x5d: {  	_ =	shalt  }
0x5e: {  	_ =	shalt  }
0x5f: {  	_ =	shalt  }
0x60: {  	_ =	shalt  }
0x61: {  	_ =	shalt  }
0x62: {  	_ =	shalt  }
0x63: {  	_ =	shalt  }
0x64: {  	_ =	shalt  }
0x65: {  	_ =	shalt  }
0x66: {  	_ =	shalt  }
0x67: {  	_ =	shalt  }
0x68: {  	_ =	shalt  }
0x69: {  	_ =	shalt  }
0x6a: {  	_ =	shalt  }
0x6b: {  	_ =	shalt  }
0x6c: {  	_ =	shalt  }
0x6d: {  	_ =	shalt  }
0x6e: {  	_ =	shalt  }
0x6f: {  	_ =	shalt  }
0x70: {  	_ =	shalt  }
0x71: {  	_ =	shalt  }
0x72: {  	_ =	shalt  }
0x73: {  	_ =	shalt  }
0x74: {  	_ =	shalt  }
0x75: {  	_ =	shalt  }
0x76: {  	_ =	shalt  }
0x77: {  	_ =	shalt  }
0x78: {  	_ =	shalt  }
0x79: {  	_ =	shalt  }
0x7a: {  	_ =	shalt  }
0x7b: {  	_ =	shalt  }
0x7c: {  	_ =	shalt  }
0x7d: {  	_ =	shalt  }
0x7e: {  	_ =	shalt  }
0x7f: {  	_ =	shalt  }
0x80: {  	_ =	shalt  }
0x81: {  	_ =	shalt  }
0x82: {  	_ =	shalt  }
0x83: {  	_ =	shalt  }
0x84: {  	_ =	shalt  }
0x85: {  	_ =	shalt  }
0x86: {  	_ =	shalt  }
0x87: {  	_ =	shalt  }
.Lfunc_end0:
.L_simem_size_0:
called_computation.1_lowered:
.L_overlay_start_0:
0x88: {  	s2 =	sld [smem:$0x3FD9]  }
0x89: {  	s3 =	sld [smem:$0x3FFE];
	_ =	sdelay $0x1  }
0x8a: {  	s1 =	srdreg.scid  }
0x8b: {  	s0 =	sand.u32 $0x1, s1  }
0x8c: {  	s17 =	sshll.u32 s0, $0xA;
	s2 =	sadd.s32 s3, s2  }
0x8d: {  	s2 =	sadd.s32 s2, s17  }
0x8e: {  	[smem:$0x3FC1] =	sst s2  }
0x8f: {  	_ = 	snop  }
0x90: {  	s18 =	sld [smem:$0x3FC7];
	(tm) =	ssettm $0x1  }
0x91: {  	s19 =	sld [smem:$0x3FFB];
	_ =	sdelay $0x3  }
0x92: {  	_ =	strace s19  }
0x93: {  	s2 =	sld [smem:$0x3FFC];
	_ =	sdelay $0x3  }
0x94: {  	_ =	strace s2  }
0x95: {  	s2 =	sld [smem:$0x3FFD];
	_ =	sdelay $0x3  }
0x96: {  	_ =	strace s2  }
0x97: {  	_ =	strace $0x8FFFFFFF  }
0x98: {  	s20 =	sld [smem:$0x3FDB];
	_ =	sdelay $0x1  }
0x99: {  	s4 =	simm.s32 $_scs_section_size  }
0x9a: {  	s5 =	simm.s32 $_size__tile_overlayer_lowered;
	s6 =	simm.s32 $_tile_overlayer_lowered  }
0x9b: {  	s7 =	simm.s32 $0x1BFF;
	s21 =	sshll.u32 s6, $0x1;
	s4 =	sadd.s32 s4, s20  }
0x9c: {  	s22 =	simm.s32 $0x0;
	s5 =	sshll.u32 s5, $0x1;
	s6 =	sadd.s32 s21, s4  }
0x9d: {  	[timem:s22], [sflag:s7] =	dma.local [hbm:s6], s5  }
0x9e: {  	_ =	swait.ge [sflag:s7], s5  }
0x9f: {  	s5 =	ssub.s32 $0x0, s5;
	[sflag:s7] =	ssyncset.done $0x0  }
0xa0: {  	[sflag:s7] =	ssyncadd.s32 s5;
	_ =	sdelay $0x1  }
0xa1: {  	s23 =	simm.s32 $0x1B8B  }
0xa2: {  	_ =	swait.ge [sflag:s23], $0x1  }
0xa3: {  	[sflag:s23] =	ssyncset.done $0x0  }
0xa4: {  	[sflag:s23] =	ssyncadd.s32 $0xFFFFFFFF  }
0xa5: {  	s5 =	sld [smem:$0x0]  }
0xa6: {  	s6 =	sand.u32 $0xFFFFFFFE, s1  }
0xa7: {  	p0 =	sne.s32 s1, s6  }
0xa8: {  	s6 =	sshll.u32 @p0 s6, $0xE  }
0xa9: {  	s6 =	sadd.s32 @p0 $0x11B8D, s6;
	s7 =	sshll.u32 @p0 s5, $0x11  }
0xaa: {  	s6 =	sor.u32 @p0 s7, s6  }
0xab: {  	[sflag:s6] =	ssyncadd.remote.s32 @p0 $0x1;
	_ =	sdelay $0x1  }
0xac: {  	s6 =	simm.s32 @p0 $0x1B8D  }
0xad: {  	_ =	swait.eq @p0 [sflag:s6], $0x1  }
0xae: {  	[sflag:s6] =	ssyncadd.s32 @p0 $0xFFFFFFFF  }
0xaf: {  	s7 =	sshll.u32 @!p0 s1, $0xE  }
0xb0: {  	s7 =	sor.u32 @!p0 $0x4000, s7;
	s6 =	simm.s32 @!p0 $0x1B8D  }
0xb1: {  	s5 =	sshll.u32 @!p0 s5, $0x11;
	s7 =	sadd.s32 @!p0 $0x11B8D, s7;
	_ =	swait.eq @!p0 [sflag:s6], $0x1  }
0xb2: {  	s5 =	sor.u32 @!p0 s5, s7;
	[sflag:s6] =	ssyncadd.s32 @!p0 $0xFFFFFFFF  }
0xb3: {  	s25 =	simm.s32 $0x1B8E;
	s24 =	sld [smem:$0x3FFE];
	[sflag:s5] =	ssyncadd.remote.s32 @!p0 $0x1  }
0xb4: {  	s26 =	simm.s32 $execute0_lowered;
	[smem:$0x3FD2] =	sst s25  }
0xb5: {  	s6 =	sshll.u32 s26, $0x1;
	_ =	strace $0x80000049;
	[dreg:$0x1] =	wrdreg $0xFFFFFFFF  }
0xb6: {  	s28 =	simm.s32 $_size_execute0_lowered;
	s4 =	sadd.s32 s4, s6;
	[dreg:$0x0] =	wrdreg $0x0  }
0xb7: {  	s6 =	sshll.u32 s28, $0x1;
	[dreg:$0x2] =	wrdreg s4  }
0xb8: {  	[dreg:$0x3] =	wrdreg s6  }
0xb9: {  	[dreg:$0x4] =	wrdreg $0xC0  }
0xba: {  	_ =	task [dreg:s22], $0x5FFFF  }
0xbb: {  	[dreg:$0x1] =	wrdreg $0xFFFFFFFF  }
0xbc: {  	[dreg:$0x0] =	wrdreg $0x60  }
0xbd: {  	[dreg:$0x2] =	wrdreg s18  }
0xbe: {  	[dreg:$0x3] =	wrdreg s24  }
0xbf: {  	[dreg:$0x4] =	wrdreg $0xA  }
0xc0: {  	_ =	task.clear_ibuf [dreg:s22], $0x5FFFF;
	_ =	strace $0x90000049  }
0xc1: {  	s29 =	simm.s32 $0xA;
	_ =	strace $0x8000004B  }
0xc2: {  	_ =	swait.ge [sflag:s29], $0x1  }
0xc3: {  	[sflag:s29] =	ssyncadd.s32 $0xFFFFFFFF  }
0xc4: {  	_ =	strace $0x9000004B  }
0xc5: {  	_ =	sfence  }
0xc6: {  	s30 =	sld [smem:$0x0];
	_ =	sdelay $0x2  }
0xc7: {  	s31 =	sshll.u32 s1, $0xD;
	s1 =	sshrl.u32 s1, $0x2  }
0xc8: {  	s4 =	sand.u32 $0x4000, s31;
	s1 =	sadd.s32 s1, s30  }
0xc9: {  	s0 =	sor.u32 s4, s0;
	s1 =	sshll.u32 s1, $0x11  }
0xca: {  	s0 =	sor.u32 s1, s0  }
0xcb: {  	s0 =	sadd.s32 $0x8F2B, s0  }
0xcc: {  	[sflag:s0] =	ssyncadd.remote.s32 $0x1  }
0xcd: {  	_ =	sfence.sel $0xFFFF  }
0xce: {  	[dreg:$0x0] =	wrdreg $0xFFFFFFFF;
	(pc) =	sbr.abs _section_cstart, $3  }
0xcf: {  	[dreg:$0x1] =	wrdreg $0xFFFFFFFF  }
0xd0: {  	_ =	task.clear_ibuf [dreg:s22], $0x2FFFF;
	_ =	strace $0x9FFFFFFF  }
0xd1: {  	(tm) =	ssettm $0x7FFFFFFF  }
tec
execute0_lowered:
.L_overlay_start_1:
0x0: {  	(tag) =	ssettag $0x1  }
0x1: {  	s0 =	srdreg.scid  }
0x2: {  	s1 =	stileid.u32;
	s0 =	sand.u32 $0x1, s0  }
0x3: {  	s2 =	rddreg [dreg:$0x0];
	s1 =	sshll.u32 s1, $0x8;
	s3 =	sshll.u32 s0, $0x7  }
0x4: {  	s4 =	rddreg [dreg:$0x1];
	s1 =	sor.u32 s3, s1;
	s3 =	simm.s32 $0x0  }
0x5: {  	s20 =	simm.s32 $0x8880;
	[smem:$0x7FF] =	sst s3  }
0x6: {  	s21 =	simm.s32 $0x9080;
	_ =	strace $0x8000004A;
	[dreg:$0xc] =	wrdreg s20  }
0x7: {  	s22 =	simm.s32 $0x9880;
	[dreg:$0xd] =	wrdreg s21  }
0x8: {  	s23 =	simm.s32 $0xA080;
	[dreg:$0xe] =	wrdreg s22  }
0x9: {  	s24 =	simm.s32 $0xA880;
	[dreg:$0xf] =	wrdreg s23  }
0xa: {  	s25 =	simm.s32 $0xB080;
	[dreg:$0x10] =	wrdreg s24  }
0xb: {  	s6 =	simm.s32 $0xC880;
	[dreg:$0x11] =	wrdreg s25  }
0xc: {  	s7 =	simm.s32 $0xD080;
	[dreg:$0x13] =	wrdreg s6  }
0xd: {  	s8 =	simm.s32 $0xD880;
	[dreg:$0x14] =	wrdreg s7  }
0xe: {  	s9 =	simm.s32 $0xE080;
	[dreg:$0x15] =	wrdreg s8  }
0xf: {  	s10 =	simm.s32 $0xE880;
	s0 =	ssub.s32 $0x2, s0;
	[dreg:$0x16] =	wrdreg s9  }
0x10: {  	s11 =	simm.s32 $0xF080;
	s26 =	sshrl.u32 s0, $0x1;
	[dreg:$0x17] =	wrdreg s10  }
0x11: {  	s0 =	ssub.s32 s0, s26;
	s26 =	simm.s32 $0x17880;
	[dreg:$0x18] =	wrdreg s11  }
0x12: {  	s20 =	simm.s32 $0x14880;
	[smem:$0x7FD] =	sst s26  }
0x13: {  	s21 =	simm.s32 $0x15080;
	[smem:$0x7F7] =	sst s20  }
0x14: {  	s22 =	simm.s32 $0x15880;
	[smem:$0x7F8] =	sst s21  }
0x15: {  	s5 =	sshrl.u32 s1, $0x3;
	s23 =	simm.s32 $0x16080;
	[smem:$0x7F9] =	sst s22  }
0x16: {  	s1 =	sshll.u32 s1, $0x7;
	s24 =	simm.s32 $0x16880;
	[smem:$0x7FA] =	sst s23  }
0x17: {  	s5 =	sadd.s32 s5, s4;
	s25 =	simm.s32 $0x17080;
	[smem:$0x7FB] =	sst s24  }
0x18: {  	s1 =	sadd.s32 s1, s4;
	s12 =	sadd.s32 $0x2600, s5;
	[smem:$0x7FC] =	sst s25  }
0x19: {  	s13 =	sadd.s32 $0x2C00, s1;
	[dreg:$0x3] =	wrdreg s12  }
0x1a: {  	s29 =	simm.s32 $0x1;
	s14 =	sadd.s32 $0x3400, s1;
	[dreg:$0x4] =	wrdreg s13  }
0x1b: {  	s31 =	simm.s32 $0x2;
	s15 =	sadd.s32 $0x3C00, s1;
	[dreg:$0x5] =	wrdreg s14  }
0x1c: {  	s28 =	simm.s32 $0x3880;
	s16 =	sadd.s32 $0x4400, s1;
	[dreg:$0x6] =	wrdreg s15  }
0x1d: {  	s30 =	simm.s32 $0x4880;
	s17 =	sadd.s32 $0x4C00, s1;
	[dreg:$0x7] =	wrdreg s16  }
0x1e: {  	s4 =	sadd.s32 $0x100, s2;
	s18 =	sadd.s32 $0x5400, s1;
	[dreg:$0x8] =	wrdreg s17  }
0x1f: {  	s6 =	sadd.s32 $0x300, s2;
	s19 =	sadd.s32 $0x5C00, s1;
	[dreg:$0x9] =	wrdreg s18  }
0x20: {  	s7 =	smax.u32 s0, $0x1;
	s1 =	sadd.s32 $0x6400, s1;
	[dreg:$0xa] =	wrdreg s19  }
0x21: {  	s10 =	simm.s32 $0x8;
	s5 =	simm.s32 $0xB880;
	[dreg:$0xb] =	wrdreg s1  }
0x22: {  	s26 =	simm.s32 $0x3080;
	[dreg:$0x12] =	wrdreg s5;
	s12 =	simm.s32 $0xF880  }
0x23: {  	s11 =	simm.s32 $0x6080;
	s13 =	simm.s32 $0x10880;
	[dreg:$0x19] =	wrdreg s12  }
0x24: {  	s21 =	simm.s32 $0x880;
	s14 =	simm.s32 $0x11080;
	[dreg:$0x1a] =	wrdreg s13  }
0x25: {  	s22 =	simm.s32 $0x1080;
	s15 =	simm.s32 $0x11880;
	[dreg:$0x1b] =	wrdreg s14  }
0x26: {  	s23 =	simm.s32 $0x1880;
	s16 =	simm.s32 $0x12080;
	[dreg:$0x1c] =	wrdreg s15  }
0x27: {  	s24 =	simm.s32 $0x2080;
	s17 =	simm.s32 $0x12880;
	[dreg:$0x1d] =	wrdreg s16  }
0x28: {  	s25 =	simm.s32 $0x2880;
	s18 =	simm.s32 $0x13080;
	[dreg:$0x1e] =	wrdreg s17  }
0x29: {  	s5 =	sadd.s32 $0x200, s2;
	s19 =	simm.s32 $0x13880;
	[dreg:$0x1f] =	wrdreg s18  }
0x2a: {  	v2 =	vlaneseq.u32;
	s1 =	simm.s32 $0x7;
	[smem:$0x7F6] =	sst s19;
	s17 =	simm.s32 $0x80  }
0x2b: {  	vm0 =	vmmov $0xffff;
	v1 =	vshrl.u32 v2, $0x3;
	s12 =	simm.s32 $0x6880;
	s13 =	simm.s32 $0x7080;
	s14 =	simm.s32 $0x7880  }
0x2c: {  	v0 =	vand.u32 $0x7, v2;
	v2 =	vor.u32 $0x8, v2;
	v1 =	vmul.u32 $0x8, v1;
	s15 =	simm.s32 $0x8080;
	s16 =	simm.s32 $0xC080;
	s18 =	simm.s32 $0x10080  }
.LBB2_1:
0x2d: {  	s19 =	rddreg [dreg:$0x3];
	s8 =	simm.s32 $0xD  }
0x2e: {  	[tilespmem:s3], [sflag:$0xD] =	stream.linear.gather [hbm4b:s19+s3], $0x80, $0x38;
	[tilespmem:$0x18080] =	vst v63  }
0x2f: {  	_ =	swait.ge [sflag:s8], $0x80  }
0x30: {  	[sflag:s8] =	ssyncset.done $0x0  }
0x31: {  	[sflag:s8] =	ssyncadd.s32 $0xFFFFFF80  }
0x32: {  	v3 =	vld [tilespmem:$0x0];
	_ =	sdelay $0x4  }
0x33: {  	v4 =	vshll.u32 v3, $0x3  }
0x34: {  	v3 =	vand.u32 $0x7, v3;
	v4 =	vand.u32 $0xFFFFFFC0, v4  }
0x35: {  	v3 =	vor.u32 v3, v4  }
0x36: {  	v4 =	vperm.xlane v3, v0;
	_ =	sdelay $0x1  }
0x37: {  	v4 =	vadd.s32 v1, v4;
	_ =	sdelay $0x4  }
0x38: {  	[tilespmem:s17], [sflag:$0x1] =	stream.indirect_vreg.gather [hbm4b:s2+s3], $0x80, v4, vm0, $0xb8;
	[tilespmem:$0x18080] =	vst v63  }
0x39: {  	v3 =	vperm.xlane v3, v2  }
0x3a: {  	[tilespmem:s21], [sflag:$0x1] =	stream.indirect_vreg.gather [hbm4b:s4+s3], $0x80, v4, vm0, $0xb8;
	[tilespmem:$0x18080] =	vst v63  }
0x3b: {  	v3 =	vadd.s32 v1, v3  }
0x3c: {  	[tilespmem:s22], [sflag:$0x1] =	stream.indirect_vreg.gather [hbm4b:s5+s3], $0x80, v4, vm0, $0xb8;
	[tilespmem:$0x18080] =	vst v63  }
0x3d: {  	_ = 	snop  }
0x3e: {  	[tilespmem:s23], [sflag:$0x1] =	stream.indirect_vreg.gather [hbm4b:s6+s3], $0x80, v4, vm0, $0xb8;
	[tilespmem:$0x18080] =	vst v63  }
0x3f: {  	_ = 	snop  }
0x40: {  	[tilespmem:s24], [sflag:$0x1] =	stream.indirect_vreg.gather [hbm4b:s2+s3], $0x80, v3, vm0, $0xb8;
	[tilespmem:$0x18080] =	vst v63  }
0x41: {  	_ = 	snop  }
0x42: {  	[tilespmem:s25], [sflag:$0x1] =	stream.indirect_vreg.gather [hbm4b:s4+s3], $0x80, v3, vm0, $0xb8;
	[tilespmem:$0x18080] =	vst v63  }
0x43: {  	_ = 	snop  }
0x44: {  	[tilespmem:s26], [sflag:$0x1] =	stream.indirect_vreg.gather [hbm4b:s5+s3], $0x80, v3, vm0, $0xb8;
	[tilespmem:$0x18080] =	vst v63  }
0x45: {  	_ = 	snop  }
0x46: {  	[tilespmem:s28], [sflag:$0x1] =	stream.indirect_vreg.gather [hbm4b:s6+s3], $0x80, v3, vm0, $0xb8;
	[tilespmem:$0x18080] =	vst v63  }
0x47: {  	v3 =	vld [tilespmem:$0x10];
	_ =	sdelay $0x4  }
0x48: {  	v57 =	vshll.u32 v3, $0x3  }
0x49: {  	v3 =	vand.u32 $0x7, v3;
	v4 =	vand.u32 $0xFFFFFFC0, v57  }
0x4a: {  	v3 =	vor.u32 v3, v4  }
0x4b: {  	v4 =	vperm.xlane v3, v0;
	_ =	sdelay $0x1  }
0x4c: {  	v4 =	vadd.s32 v1, v4;
	_ =	sdelay $0x3  }
0x4d: {  	s0 =	simm.s32 $0x4080  }
0x4e: {  	[tilespmem:s0], [sflag:$0x2] =	stream.indirect_vreg.gather [hbm4b:s2+s3], $0x80, v4, vm0, $0xb8;
	[tilespmem:$0x18080] =	vst v63  }
0x4f: {  	v3 =	vperm.xlane v3, v2  }
0x50: {  	[tilespmem:s30], [sflag:$0x2] =	stream.indirect_vreg.gather [hbm4b:s4+s3], $0x80, v4, vm0, $0xb8;
	[tilespmem:$0x18080] =	vst v63  }
0x51: {  	s8 =	simm.s32 $0x5080;
	v3 =	vadd.s32 v1, v3  }
0x52: {  	[tilespmem:s8], [sflag:$0x2] =	stream.indirect_vreg.gather [hbm4b:s5+s3], $0x80, v4, vm0, $0xb8;
	[tilespmem:$0x18080] =	vst v63  }
0x53: {  	s9 =	simm.s32 $0x5880  }
0x54: {  	[tilespmem:s9], [sflag:$0x2] =	stream.indirect_vreg.gather [hbm4b:s6+s3], $0x80, v4, vm0, $0xb8;
	[tilespmem:$0x18080] =	vst v63  }
0x55: {  	_ = 	snop  }
0x56: {  	[tilespmem:s11], [sflag:$0x2] =	stream.indirect_vreg.gather [hbm4b:s2+s3], $0x80, v3, vm0, $0xb8;
	[tilespmem:$0x18080] =	vst v63  }
0x57: {  	_ = 	snop  }
0x58: {  	[tilespmem:s12], [sflag:$0x2] =	stream.indirect_vreg.gather [hbm4b:s4+s3], $0x80, v3, vm0, $0xb8;
	[tilespmem:$0x18080] =	vst v63  }
0x59: {  	_ = 	snop  }
0x5a: {  	[tilespmem:s13], [sflag:$0x2] =	stream.indirect_vreg.gather [hbm4b:s5+s3], $0x80, v3, vm0, $0xb8;
	[tilespmem:$0x18080] =	vst v63  }
0x5b: {  	_ = 	snop  }
0x5c: {  	[tilespmem:s14], [sflag:$0x2] =	stream.indirect_vreg.gather [hbm4b:s6+s3], $0x80, v3, vm0, $0xb8;
	[tilespmem:$0x18080] =	vst v63  }
0x5d: {  	v3 =	vld [tilespmem:$0x20];
	_ =	sdelay $0x4  }
0x5e: {  	v58 =	vshll.u32 v3, $0x3  }
0x5f: {  	v3 =	vand.u32 $0x7, v3;
	v4 =	vand.u32 $0xFFFFFFC0, v58  }
0x60: {  	v3 =	vor.u32 v3, v4  }
0x61: {  	v4 =	vperm.xlane v3, v0;
	_ =	sdelay $0x1  }
0x62: {  	v4 =	vadd.s32 v1, v4;
	_ =	sdelay $0x4  }
0x63: {  	[tilespmem:s15], [sflag:$0x3] =	stream.indirect_vreg.gather [hbm4b:s2+s3], $0x80, v4, vm0, $0xb8;
	[tilespmem:$0x18080] =	vst v63  }
0x64: {  	s9 =	rddreg [dreg:$0xc];
	v3 =	vperm.xlane v3, v2  }
0x65: {  	[tilespmem:s9], [sflag:$0x3] =	stream.indirect_vreg.gather [hbm4b:s4+s3], $0x80, v4, vm0, $0xb8;
	[tilespmem:$0x18080] =	vst v63  }
0x66: {  	s20 =	rddreg [dreg:$0xd];
	v3 =	vadd.s32 v1, v3  }
0x67: {  	[tilespmem:s20], [sflag:$0x3] =	stream.indirect_vreg.gather [hbm4b:s5+s3], $0x80, v4, vm0, $0xb8;
	[tilespmem:$0x18080] =	vst v63  }
0x68: {  	s9 =	rddreg [dreg:$0xe]  }
0x69: {  	[tilespmem:s9], [sflag:$0x3] =	stream.indirect_vreg.gather [hbm4b:s6+s3], $0x80, v4, vm0, $0xb8;
	[tilespmem:$0x18080] =	vst v63  }
0x6a: {  	s20 =	rddreg [dreg:$0xf]  }
0x6b: {  	[tilespmem:s20], [sflag:$0x3] =	stream.indirect_vreg.gather [hbm4b:s2+s3], $0x80, v3, vm0, $0xb8;
	[tilespmem:$0x18080] =	vst v63  }
0x6c: {  	s9 =	rddreg [dreg:$0x10]  }
0x6d: {  	[tilespmem:s9], [sflag:$0x3] =	stream.indirect_vreg.gather [hbm4b:s4+s3], $0x80, v3, vm0, $0xb8;
	[tilespmem:$0x18080] =	vst v63  }
0x6e: {  	s20 =	rddreg [dreg:$0x11]  }
0x6f: {  	[tilespmem:s20], [sflag:$0x3] =	stream.indirect_vreg.gather [hbm4b:s5+s3], $0x80, v3, vm0, $0xb8;
	[tilespmem:$0x18080] =	vst v63  }
0x70: {  	s9 =	rddreg [dreg:$0x12]  }
0x71: {  	[tilespmem:s9], [sflag:$0x3] =	stream.indirect_vreg.gather [hbm4b:s6+s3], $0x80, v3, vm0, $0xb8;
	[tilespmem:$0x18080] =	vst v63  }
0x72: {  	v3 =	vld [tilespmem:$0x30];
	_ =	sdelay $0x4  }
0x73: {  	v59 =	vshll.u32 v3, $0x3  }
0x74: {  	v3 =	vand.u32 $0x7, v3;
	v4 =	vand.u32 $0xFFFFFFC0, v59  }
0x75: {  	v3 =	vor.u32 v3, v4  }
0x76: {  	v4 =	vperm.xlane v3, v0;
	_ =	sdelay $0x1  }
0x77: {  	v4 =	vadd.s32 v1, v4;
	_ =	sdelay $0x4  }
0x78: {  	[tilespmem:s16], [sflag:$0x4] =	stream.indirect_vreg.gather [hbm4b:s2+s3], $0x80, v4, vm0, $0xb8;
	[tilespmem:$0x18080] =	vst v63  }
0x79: {  	s9 =	rddreg [dreg:$0x13];
	v3 =	vperm.xlane v3, v2  }
0x7a: {  	[tilespmem:s9], [sflag:$0x4] =	stream.indirect_vreg.gather [hbm4b:s4+s3], $0x80, v4, vm0, $0xb8;
	[tilespmem:$0x18080] =	vst v63  }
0x7b: {  	s20 =	rddreg [dreg:$0x14];
	v3 =	vadd.s32 v1, v3  }
0x7c: {  	[tilespmem:s20], [sflag:$0x4] =	stream.indirect_vreg.gather [hbm4b:s5+s3], $0x80, v4, vm0, $0xb8;
	[tilespmem:$0x18080] =	vst v63  }
0x7d: {  	s9 =	rddreg [dreg:$0x15]  }
0x7e: {  	[tilespmem:s9], [sflag:$0x4] =	stream.indirect_vreg.gather [hbm4b:s6+s3], $0x80, v4, vm0, $0xb8;
	[tilespmem:$0x18080] =	vst v63  }
0x7f: {  	s20 =	rddreg [dreg:$0x16]  }
0x80: {  	[tilespmem:s20], [sflag:$0x4] =	stream.indirect_vreg.gather [hbm4b:s2+s3], $0x80, v3, vm0, $0xb8;
	[tilespmem:$0x18080] =	vst v63  }
0x81: {  	s9 =	rddreg [dreg:$0x17]  }
0x82: {  	[tilespmem:s9], [sflag:$0x4] =	stream.indirect_vreg.gather [hbm4b:s4+s3], $0x80, v3, vm0, $0xb8;
	[tilespmem:$0x18080] =	vst v63  }
0x83: {  	s20 =	rddreg [dreg:$0x18]  }
0x84: {  	[tilespmem:s20], [sflag:$0x4] =	stream.indirect_vreg.gather [hbm4b:s5+s3], $0x80, v3, vm0, $0xb8;
	[tilespmem:$0x18080] =	vst v63  }
0x85: {  	s9 =	rddreg [dreg:$0x19]  }
0x86: {  	[tilespmem:s9], [sflag:$0x4] =	stream.indirect_vreg.gather [hbm4b:s6+s3], $0x80, v3, vm0, $0xb8;
	[tilespmem:$0x18080] =	vst v63  }
0x87: {  	v3 =	vld [tilespmem:$0x40];
	_ =	sdelay $0x4  }
0x88: {  	v60 =	vshll.u32 v3, $0x3  }
0x89: {  	v3 =	vand.u32 $0x7, v3;
	v4 =	vand.u32 $0xFFFFFFC0, v60  }
0x8a: {  	v3 =	vor.u32 v3, v4  }
0x8b: {  	v4 =	vperm.xlane v3, v0;
	_ =	sdelay $0x1  }
0x8c: {  	v4 =	vadd.s32 v1, v4;
	_ =	sdelay $0x3  }
0x8d: {  	s20 =	rddreg [dreg:$0x1b]  }
0x8e: {  	[tilespmem:s18], [sflag:$0x5] =	stream.indirect_vreg.gather [hbm4b:s2+s3], $0x80, v4, vm0, $0xb8;
	[tilespmem:$0x18080] =	vst v63  }
0x8f: {  	s9 =	rddreg [dreg:$0x1a];
	v3 =	vperm.xlane v3, v2  }
0x90: {  	[tilespmem:s9], [sflag:$0x5] =	stream.indirect_vreg.gather [hbm4b:s4+s3], $0x80, v4, vm0, $0xb8;
	[tilespmem:$0x18080] =	vst v63  }
0x91: {  	v3 =	vadd.s32 v1, v3;
	s9 =	rddreg [dreg:$0x1c]  }
0x92: {  	[tilespmem:s20], [sflag:$0x5] =	stream.indirect_vreg.gather [hbm4b:s5+s3], $0x80, v4, vm0, $0xb8;
	[tilespmem:$0x18080] =	vst v63  }
0x93: {  	s20 =	rddreg [dreg:$0x1d]  }
0x94: {  	[tilespmem:s9], [sflag:$0x5] =	stream.indirect_vreg.gather [hbm4b:s6+s3], $0x80, v4, vm0, $0xb8;
	[tilespmem:$0x18080] =	vst v63  }
0x95: {  	s9 =	rddreg [dreg:$0x1e]  }
0x96: {  	[tilespmem:s20], [sflag:$0x5] =	stream.indirect_vreg.gather [hbm4b:s2+s3], $0x80, v3, vm0, $0xb8;
	[tilespmem:$0x18080] =	vst v63  }
0x97: {  	s20 =	rddreg [dreg:$0x1f]  }
0x98: {  	[tilespmem:s9], [sflag:$0x5] =	stream.indirect_vreg.gather [hbm4b:s4+s3], $0x80, v3, vm0, $0xb8;
	[tilespmem:$0x18080] =	vst v63  }
0x99: {  	s9 =	sld [smem:$0x7F6]  }
0x9a: {  	[tilespmem:s20], [sflag:$0x5] =	stream.indirect_vreg.gather [hbm4b:s5+s3], $0x80, v3, vm0, $0xb8;
	[tilespmem:$0x18080] =	vst v63  }
0x9b: {  	_ = 	snop  }
0x9c: {  	[tilespmem:s9], [sflag:$0x5] =	stream.indirect_vreg.gather [hbm4b:s6+s3], $0x80, v3, vm0, $0xb8;
	[tilespmem:$0x18080] =	vst v63  }
0x9d: {  	_ =	swait.ge [sflag:s29], $0x4000  }
0x9e: {  	[sflag:s29] =	ssyncset.done $0x0  }
0x9f: {  	s9 =	rddreg [dreg:$0x4];
	[sflag:s29] =	ssyncadd.s32 $0xFFFFC000  }
0xa0: {  	[hbm4b:s9+s3] =	stream.linear.scatter [tilespmem:s17], [sflag:$0x7], $0x4000, $0x38;
	[tilespmem:$0x18080] =	vst v63  }
0xa1: {  	v3 =	vld [tilespmem:$0x50];
	_ =	sdelay $0x4  }
0xa2: {  	v61 =	vshll.u32 v3, $0x3  }
0xa3: {  	v3 =	vand.u32 $0x7, v3;
	v4 =	vand.u32 $0xFFFFFFC0, v61  }
0xa4: {  	v3 =	vor.u32 v3, v4  }
0xa5: {  	v4 =	vperm.xlane v3, v0;
	_ =	sdelay $0x1  }
0xa6: {  	v4 =	vadd.s32 v1, v4;
	_ =	sdelay $0x3  }
0xa7: {  	s19 =	sld [smem:$0x7F7];
	s9 =	simm.s32 $0x14080  }
0xa8: {  	[tilespmem:s9], [sflag:$0x6] =	stream.indirect_vreg.gather [hbm4b:s2+s3], $0x80, v4, vm0, $0xb8;
	[tilespmem:$0x18080] =	vst v63  }
0xa9: {  	s20 =	sld [smem:$0x7F8];
	v3 =	vperm.xlane v3, v2  }
0xaa: {  	[tilespmem:s19], [sflag:$0x6] =	stream.indirect_vreg.gather [hbm4b:s4+s3], $0x80, v4, vm0, $0xb8;
	[tilespmem:$0x18080] =	vst v63  }
0xab: {  	v3 =	vadd.s32 v1, v3;
	s19 =	sld [smem:$0x7F9]  }
0xac: {  	[tilespmem:s20], [sflag:$0x6] =	stream.indirect_vreg.gather [hbm4b:s5+s3], $0x80, v4, vm0, $0xb8;
	[tilespmem:$0x18080] =	vst v63  }
0xad: {  	s20 =	sld [smem:$0x7FA]  }
0xae: {  	[tilespmem:s19], [sflag:$0x6] =	stream.indirect_vreg.gather [hbm4b:s6+s3], $0x80, v4, vm0, $0xb8;
	[tilespmem:$0x18080] =	vst v63  }
0xaf: {  	s19 =	sld [smem:$0x7FB]  }
0xb0: {  	[tilespmem:s20], [sflag:$0x6] =	stream.indirect_vreg.gather [hbm4b:s2+s3], $0x80, v3, vm0, $0xb8;
	[tilespmem:$0x18080] =	vst v63  }
0xb1: {  	s20 =	sld [smem:$0x7FC]  }
0xb2: {  	[tilespmem:s19], [sflag:$0x6] =	stream.indirect_vreg.gather [hbm4b:s4+s3], $0x80, v3, vm0, $0xb8;
	[tilespmem:$0x18080] =	vst v63  }
0xb3: {  	s19 =	sld [smem:$0x7FD]  }
0xb4: {  	[tilespmem:s20], [sflag:$0x6] =	stream.indirect_vreg.gather [hbm4b:s5+s3], $0x80, v3, vm0, $0xb8;
	[tilespmem:$0x18080] =	vst v63  }
0xb5: {  	_ = 	snop  }
0xb6: {  	[tilespmem:s19], [sflag:$0x6] =	stream.indirect_vreg.gather [hbm4b:s6+s3], $0x80, v3, vm0, $0xb8;
	[tilespmem:$0x18080] =	vst v63  }
0xb7: {  	_ =	swait.ge [sflag:s31], $0x4000  }
0xb8: {  	[sflag:s31] =	ssyncset.done $0x0  }
0xb9: {  	s20 =	rddreg [dreg:$0x5];
	[sflag:s31] =	ssyncadd.s32 $0xFFFFC000  }
0xba: {  	[hbm4b:s20+s3] =	stream.linear.scatter [tilespmem:s0], [sflag:$0x8], $0x4000, $0x38;
	[tilespmem:$0x18080] =	vst v63  }
0xbb: {  	_ =	swait.ge [sflag:s1], $0x4000  }
0xbc: {  	[sflag:s1] =	ssyncset.done $0x0  }
0xbd: {  	[sflag:s1] =	ssyncadd.s32 $0xFFFFC000  }
0xbe: {  	v3 =	vld [tilespmem:$0x60];
	_ =	sdelay $0x4  }
0xbf: {  	v62 =	vshll.u32 v3, $0x3  }
0xc0: {  	v3 =	vand.u32 $0x7, v3;
	v4 =	vand.u32 $0xFFFFFFC0, v62  }
0xc1: {  	v3 =	vor.u32 v3, v4  }
0xc2: {  	v4 =	vperm.xlane v3, v0;
	_ =	sdelay $0x1  }
0xc3: {  	v4 =	vadd.s32 v1, v4;
	_ =	sdelay $0x4  }
0xc4: {  	[tilespmem:s17], [sflag:$0x1] =	stream.indirect_vreg.gather [hbm4b:s2+s3], $0x80, v4, vm0, $0xb8;
	[tilespmem:$0x18080] =	vst v63  }
0xc5: {  	v3 =	vperm.xlane v3, v2  }
0xc6: {  	[tilespmem:s21], [sflag:$0x1] =	stream.indirect_vreg.gather [hbm4b:s4+s3], $0x80, v4, vm0, $0xb8;
	[tilespmem:$0x18080] =	vst v63  }
0xc7: {  	v3 =	vadd.s32 v1, v3  }
0xc8: {  	[tilespmem:s22], [sflag:$0x1] =	stream.indirect_vreg.gather [hbm4b:s5+s3], $0x80, v4, vm0, $0xb8;
	[tilespmem:$0x18080] =	vst v63  }
0xc9: {  	_ = 	snop  }
0xca: {  	[tilespmem:s23], [sflag:$0x1] =	stream.indirect_vreg.gather [hbm4b:s6+s3], $0x80, v4, vm0, $0xb8;
	[tilespmem:$0x18080] =	vst v63  }
0xcb: {  	_ = 	snop  }
0xcc: {  	[tilespmem:s24], [sflag:$0x1] =	stream.indirect_vreg.gather [hbm4b:s2+s3], $0x80, v3, vm0, $0xb8;
	[tilespmem:$0x18080] =	vst v63  }
0xcd: {  	_ = 	snop  }
0xce: {  	[tilespmem:s25], [sflag:$0x1] =	stream.indirect_vreg.gather [hbm4b:s4+s3], $0x80, v3, vm0, $0xb8;
	[tilespmem:$0x18080] =	vst v63  }
0xcf: {  	_ = 	snop  }
0xd0: {  	[tilespmem:s26], [sflag:$0x1] =	stream.indirect_vreg.gather [hbm4b:s5+s3], $0x80, v3, vm0, $0xb8;
	[tilespmem:$0x18080] =	vst v63  }
0xd1: {  	s20 =	simm.s32 $0x3  }
0xd2: {  	[tilespmem:s28], [sflag:$0x1] =	stream.indirect_vreg.gather [hbm4b:s6+s3], $0x80, v3, vm0, $0xb8;
	[tilespmem:$0x18080] =	vst v63  }
0xd3: {  	_ =	swait.ge [sflag:s20], $0x4000  }
0xd4: {  	[sflag:s20] =	ssyncset.done $0x0  }
0xd5: {  	s19 =	rddreg [dreg:$0x6];
	[sflag:s20] =	ssyncadd.s32 $0xFFFFC000  }
0xd6: {  	[hbm4b:s19+s3] =	stream.linear.scatter [tilespmem:s15], [sflag:$0x9], $0x4000, $0x38;
	[tilespmem:$0x18080] =	vst v63  }
0xd7: {  	_ =	swait.ge [sflag:s10], $0x4000  }
0xd8: {  	[sflag:s10] =	ssyncset.done $0x0  }
0xd9: {  	[sflag:s10] =	ssyncadd.s32 $0xFFFFC000  }
0xda: {  	v3 =	vld [tilespmem:$0x70];
	_ =	sdelay $0x4  }
0xdb: {  	v63 =	vshll.u32 v3, $0x3  }
0xdc: {  	v3 =	vand.u32 $0x7, v3;
	v4 =	vand.u32 $0xFFFFFFC0, v63  }
0xdd: {  	v3 =	vor.u32 v3, v4  }
0xde: {  	v4 =	vperm.xlane v3, v0;
	_ =	sdelay $0x1  }
0xdf: {  	v4 =	vadd.s32 v1, v4;
	_ =	sdelay $0x4  }
0xe0: {  	[tilespmem:s0], [sflag:$0x2] =	stream.indirect_vreg.gather [hbm4b:s2+s3], $0x80, v4, vm0, $0xb8;
	[tilespmem:$0x18080] =	vst v63  }
0xe1: {  	v3 =	vperm.xlane v3, v2  }
0xe2: {  	[tilespmem:s30], [sflag:$0x2] =	stream.indirect_vreg.gather [hbm4b:s4+s3], $0x80, v4, vm0, $0xb8;
	[tilespmem:$0x18080] =	vst v63  }
0xe3: {  	v3 =	vadd.s32 v1, v3  }
0xe4: {  	[tilespmem:s8], [sflag:$0x2] =	stream.indirect_vreg.gather [hbm4b:s5+s3], $0x80, v4, vm0, $0xb8;
	[tilespmem:$0x18080] =	vst v63  }
0xe5: {  	s20 =	simm.s32 $0x5880  }
0xe6: {  	[tilespmem:s20], [sflag:$0x2] =	stream.indirect_vreg.gather [hbm4b:s6+s3], $0x80, v4, vm0, $0xb8;
	[tilespmem:$0x18080] =	vst v63  }
0xe7: {  	_ = 	snop  }
0xe8: {  	[tilespmem:s11], [sflag:$0x2] =	stream.indirect_vreg.gather [hbm4b:s2+s3], $0x80, v3, vm0, $0xb8;
	[tilespmem:$0x18080] =	vst v63  }
0xe9: {  	_ = 	snop  }
0xea: {  	[tilespmem:s12], [sflag:$0x2] =	stream.indirect_vreg.gather [hbm4b:s4+s3], $0x80, v3, vm0, $0xb8;
	[tilespmem:$0x18080] =	vst v63  }
0xeb: {  	_ = 	snop  }
0xec: {  	[tilespmem:s13], [sflag:$0x2] =	stream.indirect_vreg.gather [hbm4b:s5+s3], $0x80, v3, vm0, $0xb8;
	[tilespmem:$0x18080] =	vst v63  }
0xed: {  	s19 =	simm.s32 $0x4  }
0xee: {  	[tilespmem:s14], [sflag:$0x2] =	stream.indirect_vreg.gather [hbm4b:s6+s3], $0x80, v3, vm0, $0xb8;
	[tilespmem:$0x18080] =	vst v63  }
0xef: {  	_ =	swait.ge [sflag:s19], $0x4000  }
0xf0: {  	[sflag:s19] =	ssyncset.done $0x0  }
0xf1: {  	s20 =	rddreg [dreg:$0x7];
	[sflag:s19] =	ssyncadd.s32 $0xFFFFC000;
	s19 =	simm.s32 $0x5  }
0xf2: {  	[hbm4b:s20+s3] =	stream.linear.scatter [tilespmem:s16], [sflag:$0xA], $0x4000, $0x38;
	[tilespmem:$0x18080] =	vst v63  }
0xf3: {  	_ =	swait.ge [sflag:s19], $0x4000  }
0xf4: {  	[sflag:s19] =	ssyncset.done $0x0  }
0xf5: {  	s20 =	rddreg [dreg:$0x8];
	[sflag:s19] =	ssyncadd.s32 $0xFFFFC000;
	s19 =	simm.s32 $0x6  }
0xf6: {  	[hbm4b:s20+s3] =	stream.linear.scatter [tilespmem:s18], [sflag:$0xB], $0x4000, $0x38;
	[tilespmem:$0x18080] =	vst v63  }
0xf7: {  	_ =	swait.ge [sflag:s19], $0x4000  }
0xf8: {  	[sflag:s19] =	ssyncset.done $0x0  }
0xf9: {  	s20 =	rddreg [dreg:$0x9];
	[sflag:s19] =	ssyncadd.s32 $0xFFFFC000  }
0xfa: {  	[hbm4b:s20+s3] =	stream.linear.scatter [tilespmem:s9], [sflag:$0xC], $0x4000, $0x38;
	[tilespmem:$0x18080] =	vst v63  }
0xfb: {  	_ =	swait.ge [sflag:s29], $0x4000  }
0xfc: {  	[sflag:s29] =	ssyncset.done $0x0  }
0xfd: {  	s9 =	rddreg [dreg:$0xa];
	[sflag:s29] =	ssyncadd.s32 $0xFFFFC000  }
0xfe: {  	[hbm4b:s9+s3] =	stream.linear.scatter [tilespmem:s17], [sflag:$0x7], $0x4000, $0x38;
	[tilespmem:$0x18080] =	vst v63  }
0xff: {  	_ =	swait.ge [sflag:s31], $0x4000  }
0x100: {  	[sflag:s31] =	ssyncset.done $0x0  }
0x101: {  	s20 =	rddreg [dreg:$0xb];
	[sflag:s31] =	ssyncadd.s32 $0xFFFFC000  }
0x102: {  	[hbm4b:s20+s3] =	stream.linear.scatter [tilespmem:s0], [sflag:$0x8], $0x4000, $0x38;
	[tilespmem:$0x18080] =	vst v63  }
0x103: {  	_ =	swait.ge [sflag:s1], $0x4000  }
0x104: {  	[sflag:s1] =	ssyncset.done $0x0  }
0x105: {  	[sflag:s1] =	ssyncadd.s32 $0xFFFFC000  }
0x106: {  	_ =	swait.ge [sflag:s10], $0x4000  }
0x107: {  	[sflag:s10] =	ssyncset.done $0x0  }
0x108: {  	s8 =	simm.s32 $0x9;
	[sflag:s10] =	ssyncadd.s32 $0xFFFFC000  }
0x109: {  	_ =	swait.ge [sflag:s8], $0x4000  }
0x10a: {  	[sflag:s8] =	ssyncset.done $0x0  }
0x10b: {  	s9 =	simm.s32 $0xA;
	[sflag:s8] =	ssyncadd.s32 $0xFFFFC000  }
0x10c: {  	_ =	swait.ge [sflag:s9], $0x4000  }
0x10d: {  	[sflag:s9] =	ssyncset.done $0x0  }
0x10e: {  	s19 =	simm.s32 $0xB;
	[sflag:s9] =	ssyncadd.s32 $0xFFFFC000  }
0x10f: {  	p0 =	sne.s32 s7, $0x1;
	_ =	swait.ge [sflag:s19], $0x4000  }
.Ltmp0:
0x110: {  	[sflag:s19] =	ssyncset.done $0x0;
	(pc) =	sbr.rel @p0 .LBB2_1-.Ltmp0, $4  }
0x111: {  	s20 =	simm.s32 $0xC;
	[sflag:s19] =	ssyncadd.s32 $0xFFFFC000  }
0x112: {  	_ =	swait.ge [sflag:s20], $0x4000  }
0x113: {  	[sflag:s20] =	ssyncset.done $0x0  }
0x114: {  	s7 =	sadd.s32 $0xFFFFFFFF, s7;
	[sflag:s20] =	ssyncadd.s32 $0xFFFFC000  }
0x115: {  	_ =	sfence.sel $0x180000  }
0x116: {  	[bflag:$0x0] =	sbarrier.arrive $0xFFFF  }
0x117: {  	_ =	strace $0x9000004A  }
0x118: {  	s0 =	stileid.u32;
	[bflag:$0x2] =	sbarrier.arrive $0xFFFF  }
0x119: {  	p0 =	sne.s32 s0, $0x0;
	s0 =	rddreg [dreg:$0x2]  }
0x11a: {  	s0 =	sadd.s32 @!p0 $0x100000, s0  }
0x11b: {  	[sflag:s0] =	ssyncadd.tile.s32 @!p0 $0x1;
	_ =	shalt  }
.Lfunc_end2:
_tile_overlayer_lowered:
.L_overlay_start_2:
0x11c: {  	(tag) =	ssettag $0x2  }
0x11d: {  	s0 =	rddreg [dreg:$0x0];
	s2 =	stileid.u32  }
0x11e: {  	s1 =	rddreg [dreg:$0x1];
	p0 =	sne.s32 s2, $0x0  }
0x11f: {  	s3 =	rddreg [dreg:$0x2];
	[bflag:$0x3] =	sbarrier.arrive $0xFFFF;
	s2 =	simm.s32 @!p0 $0x1C0D  }
0x120: {  	[timem:s3], [sflag:s2] =	dma.local @!p0 [hbm:s0], s1  }
0x121: {  	s0 =	simm.s32 @!p0 $0xD  }
0x122: {  	_ =	swait.ge @!p0 [sflag:s0], s1  }
0x123: {  	s1 =	ssub.s32 @!p0 $0x0, s1;
	[sflag:s0] =	ssyncset.done @!p0 $0x0  }
0x124: {  	[sflag:s0] =	ssyncadd.s32 @!p0 s1  }
0x125: {  	[bflag:$0x3] =	sbarrier.arrive $0xFFFF  }
0x126: {  	_ =	shalt  }

// kernel: kernel.16.cloned.1.call-start
scs
__scs_entry_jumppad:
0x0: {  	(pc) =	sbr.rel $0x88, $3  }
0x1: {  	(tag) =	ssettag $0x0;
	lr =	simm.s32 $0x1  }
0x2: {  	[smem:$0x3F9A] =	sst lr;
	_ =	strace $0xD0000000  }
0x3: {  	_ = 	snop  }
0x4: {  	_ = 	snop  }
0x5: {  	_ = 	snop  }
0x6: {  	_ = 	snop  }
0x7: {  	_ = 	snop  }
__scs_overlays_trampoline_lowered:
0x8: {  	[smem:$0x3FA9] =	sst s0  }
0x9: {  	[smem:$0x3FAA] =	sst s1  }
0xa: {  	[smem:$0x3FAB] =	sst s2  }
0xb: {  	[smem:$0x3FAC] =	sst s3  }
0xc: {  	[smem:$0x3FAD] =	sst s4  }
0xd: {  	[smem:$0x3FAE] =	sst s5  }
0xe: {  	[smem:$0x3FAF] =	sst s6  }
0xf: {  	[smem:$0x3FB0] =	sst s7  }
0x10: {  	[smem:$0x3FB1] =	sst s8  }
0x11: {  	[smem:$0x3FB2] =	sst s9;
	s0 =	simm.s32 @!p0 $0x0  }
0x12: {  	s1 =	sld [smem:$0x3F98];
	s0 =	simm.s32 @p0 $0x1  }
0x13: {  	[smem:$0x3FB3] =	sst s0;
	s0 =	simm.s32 @!p1 $0x0  }
0x14: {  	s2 =	sld [smem:$0x3F97];
	s0 =	simm.s32 @p1 $0x1  }
0x15: {  	[smem:$0x3FB4] =	sst s0;
	s0 =	simm.s32 @!p2 $0x0  }
0x16: {  	s3 =	sld [smem:$0x3FDB];
	s0 =	simm.s32 @p2 $0x1  }
0x17: {  	s4 =	simm.s32 $0x1BF5;
	[smem:$0x3FB6] =	sst s0  }
0x18: {  	s0 =	sld [smem:$0x3F99];
	_ =	swait.ge [sflag:s4], $0x0  }
0x19: {  	s7 =	sld [smem:$0x3F9A]  }
0x1a: {  	s8 =	sadd.s32 $0xFFFFE003, lr  }
0x1b: {  	s9 =	sadd.s32 $0xFFFFFEF7, lr;
	s5 =	simm.s32 $0xFFFFFFFF;
	p2 =	slt.u32 s8, $0xFFFFF086  }
0x1c: {  	p1 =	slt.u32 s9, $0xF7A;
	s5 =	simm.s32 @!p2 $0x0  }
0x1d: {  	s5 =	simm.s32 @p1 $0x1;
	p0 =	seq.s32 s7, s2  }
0x1e: {  	s7 =	smul.u32 @!p0 $0xF7A, s2;
	p2 =	seq.s32 @!p0 s5, $0x0  }
0x1f: {  	s9 =	smul.u32 $0xF7A, s1;
	s8 =	simm.s32 @!p0 $0x1BF5;
	p2 =	por !p2, p0  }
0x20: {  	[sflag:s8] =	ssyncset.s32 @!p0 $0xFFFFF086;
	s6 =	sadd.s32 @!p0 s3, s7;
	s7 =	simm.s32 @!p0 $0x108  }
0x21: {  	s3 =	sadd.s32 s3, s9;
	s6 =	sadd.s32 @!p0 $0x88, s6;
	s7 =	simm.s32 @p2 $0x1082  }
0x22: {  	[simem:s7], [sflag:s8] =	dma.local @!p0 [hbm:s6], $0xF7A  }
0x23: {  	s9 =	sor.u32 $0xD0000000, s2;
	s6 =	simm.s32 $0x108;
	_ =	swait.ge @!p0 [sflag:s8], $0x0  }
0x24: {  	s3 =	sadd.s32 $0x88, s3;
	s6 =	simm.s32 @!p1 $0x1082;
	[sflag:s4] =	ssyncset.s32 $0xFFFFF086  }
0x25: {  	[simem:s6], [sflag:s4] =	dma.local [hbm:s3], $0xF7A  }
0x26: {  	[smem:$0x3F9A] =	sst s1;
	(tag) =	ssettag s2;
	_ =	strace s9  }
0x27: {  	s1 =	sld [smem:$0x3FAA]  }
0x28: {  	s2 =	sld [smem:$0x3FAB]  }
0x29: {  	s4 =	sld [smem:$0x3FAD]  }
0x2a: {  	p0 =	seq.s32 s5, $0x0;
	s5 =	sld [smem:$0x3FAE]  }
0x2b: {  	s6 =	sld [smem:$0x3FAF]  }
0x2c: {  	s7 =	sld [smem:$0x3FB0]  }
0x2d: {  	s3 =	simm.s32 $0x108;
	s8 =	sld [smem:$0x3FB1]  }
0x2e: {  	s3 =	simm.s32 @!p0 $0x1082;
	s9 =	sld [smem:$0x3FB2]  }
0x2f: {  	lr =	sadd.s32 s0, s3;
	s0 =	sld [smem:$0x3FA9]  }
0x30: {  	s3 =	sld [smem:$0x3FAC]  }
0x31: {  	[smem:$0x3FB5] =	sst s10  }
0x32: {  	s10 =	sld [smem:$0x3FB3];
	_ =	sdelay $0x3  }
0x33: {  	p0 =	seq.s32 s10, $0x1;
	s10 =	sld [smem:$0x3FB5];
	_ =	sdelay $0x3  }
0x34: {  	[smem:$0x3FB5] =	sst s10  }
0x35: {  	s10 =	sld [smem:$0x3FB4];
	_ =	sdelay $0x3  }
0x36: {  	p1 =	seq.s32 s10, $0x1;
	s10 =	sld [smem:$0x3FB5];
	_ =	sdelay $0x3  }
0x37: {  	[smem:$0x3FB5] =	sst s10  }
0x38: {  	s10 =	sld [smem:$0x3FB6]  }
0x39: {  	_ = 	snop;
	(pc) =	sbr.ind lr, $3  }
0x3a: {  	_ = 	snop  }
0x3b: {  	_ = 	snop  }
0x3c: {  	p2 =	seq.s32 s10, $0x1;
	s10 =	sld [smem:$0x3FB5]  }
0x3d: {  	_ =	shalt  }
0x3e: {  	_ =	shalt  }
0x3f: {  	_ =	shalt  }
0x40: {  	_ =	shalt  }
0x41: {  	_ =	shalt  }
0x42: {  	_ =	shalt  }
0x43: {  	_ =	shalt  }
0x44: {  	_ =	shalt  }
0x45: {  	_ =	shalt  }
0x46: {  	_ =	shalt  }
0x47: {  	_ =	shalt  }
0x48: {  	_ =	shalt  }
0x49: {  	_ =	shalt  }
0x4a: {  	_ =	shalt  }
0x4b: {  	_ =	shalt  }
0x4c: {  	_ =	shalt  }
0x4d: {  	_ =	shalt  }
0x4e: {  	_ =	shalt  }
0x4f: {  	_ =	shalt  }
0x50: {  	_ =	shalt  }
0x51: {  	_ =	shalt  }
0x52: {  	_ =	shalt  }
0x53: {  	_ =	shalt  }
0x54: {  	_ =	shalt  }
0x55: {  	_ =	shalt  }
0x56: {  	_ =	shalt  }
0x57: {  	_ =	shalt  }
0x58: {  	_ =	shalt  }
0x59: {  	_ =	shalt  }
0x5a: {  	_ =	shalt  }
0x5b: {  	_ =	shalt  }
0x5c: {  	_ =	shalt  }
0x5d: {  	_ =	shalt  }
0x5e: {  	_ =	shalt  }
0x5f: {  	_ =	shalt  }
0x60: {  	_ =	shalt  }
0x61: {  	_ =	shalt  }
0x62: {  	_ =	shalt  }
0x63: {  	_ =	shalt  }
0x64: {  	_ =	shalt  }
0x65: {  	_ =	shalt  }
0x66: {  	_ =	shalt  }
0x67: {  	_ =	shalt  }
0x68: {  	_ =	shalt  }
0x69: {  	_ =	shalt  }
0x6a: {  	_ =	shalt  }
0x6b: {  	_ =	shalt  }
0x6c: {  	_ =	shalt  }
0x6d: {  	_ =	shalt  }
0x6e: {  	_ =	shalt  }
0x6f: {  	_ =	shalt  }
0x70: {  	_ =	shalt  }
0x71: {  	_ =	shalt  }
0x72: {  	_ =	shalt  }
0x73: {  	_ =	shalt  }
0x74: {  	_ =	shalt  }
0x75: {  	_ =	shalt  }
0x76: {  	_ =	shalt  }
0x77: {  	_ =	shalt  }
0x78: {  	_ =	shalt  }
0x79: {  	_ =	shalt  }
0x7a: {  	_ =	shalt  }
0x7b: {  	_ =	shalt  }
0x7c: {  	_ =	shalt  }
0x7d: {  	_ =	shalt  }
0x7e: {  	_ =	shalt  }
0x7f: {  	_ =	shalt  }
0x80: {  	_ =	shalt  }
0x81: {  	_ =	shalt  }
0x82: {  	_ =	shalt  }
0x83: {  	_ =	shalt  }
0x84: {  	_ =	shalt  }
0x85: {  	_ =	shalt  }
0x86: {  	_ =	shalt  }
0x87: {  	_ =	shalt  }
.Lfunc_end0:
.L_simem_size_0:
called_computation.2_lowered:
.L_overlay_start_0:
0x88: {  	s2 =	sld [smem:$0x3FD9]  }
0x89: {  	s3 =	sld [smem:$0x3FFE];
	_ =	sdelay $0x1  }
0x8a: {  	s1 =	srdreg.scid  }
0x8b: {  	s0 =	sand.u32 $0x1, s1  }
0x8c: {  	s17 =	sshll.u32 s0, $0xA;
	s2 =	sadd.s32 s3, s2  }
0x8d: {  	s2 =	sadd.s32 s2, s17  }
0x8e: {  	[smem:$0x3FC1] =	sst s2  }
0x8f: {  	_ = 	snop  }
0x90: {  	s18 =	sld [smem:$0x3FC7];
	(tm) =	ssettm $0x1  }
0x91: {  	s19 =	sld [smem:$0x3FFB];
	_ =	sdelay $0x3  }
0x92: {  	_ =	strace s19  }
0x93: {  	s2 =	sld [smem:$0x3FFC];
	_ =	sdelay $0x3  }
0x94: {  	_ =	strace s2  }
0x95: {  	s2 =	sld [smem:$0x3FFD];
	_ =	sdelay $0x3  }
0x96: {  	_ =	strace s2  }
0x97: {  	_ =	strace $0x8FFFFFFF  }
0x98: {  	s20 =	sld [smem:$0x3FDB];
	_ =	sdelay $0x1  }
0x99: {  	s4 =	simm.s32 $_scs_section_size  }
0x9a: {  	s5 =	simm.s32 $_size__tile_overlayer_lowered;
	s6 =	simm.s32 $_tile_overlayer_lowered  }
0x9b: {  	s7 =	simm.s32 $0x1BFF;
	s21 =	sshll.u32 s6, $0x1;
	s4 =	sadd.s32 s4, s20  }
0x9c: {  	s22 =	simm.s32 $0x0;
	s5 =	sshll.u32 s5, $0x1;
	s6 =	sadd.s32 s21, s4  }
0x9d: {  	[timem:s22], [sflag:s7] =	dma.local [hbm:s6], s5  }
0x9e: {  	_ =	swait.ge [sflag:s7], s5  }
0x9f: {  	s5 =	ssub.s32 $0x0, s5;
	[sflag:s7] =	ssyncset.done $0x0  }
0xa0: {  	[sflag:s7] =	ssyncadd.s32 s5;
	_ =	sdelay $0x1  }
0xa1: {  	s23 =	simm.s32 $0x1B8B  }
0xa2: {  	_ =	swait.ge [sflag:s23], $0x1  }
0xa3: {  	[sflag:s23] =	ssyncset.done $0x0  }
0xa4: {  	[sflag:s23] =	ssyncadd.s32 $0xFFFFFFFF  }
0xa5: {  	s5 =	sld [smem:$0x0]  }
0xa6: {  	s6 =	sand.u32 $0xFFFFFFFE, s1  }
0xa7: {  	p0 =	sne.s32 s1, s6  }
0xa8: {  	s6 =	sshll.u32 @p0 s6, $0xE  }
0xa9: {  	s6 =	sadd.s32 @p0 $0x11B8D, s6;
	s7 =	sshll.u32 @p0 s5, $0x11  }
0xaa: {  	s6 =	sor.u32 @p0 s7, s6  }
0xab: {  	[sflag:s6] =	ssyncadd.remote.s32 @p0 $0x1;
	_ =	sdelay $0x1  }
0xac: {  	s6 =	simm.s32 @p0 $0x1B8D  }
0xad: {  	_ =	swait.eq @p0 [sflag:s6], $0x1  }
0xae: {  	[sflag:s6] =	ssyncadd.s32 @p0 $0xFFFFFFFF  }
0xaf: {  	s7 =	sshll.u32 @!p0 s1, $0xE  }
0xb0: {  	s7 =	sor.u32 @!p0 $0x4000, s7;
	s6 =	simm.s32 @!p0 $0x1B8D  }
0xb1: {  	s5 =	sshll.u32 @!p0 s5, $0x11;
	s7 =	sadd.s32 @!p0 $0x11B8D, s7;
	_ =	swait.eq @!p0 [sflag:s6], $0x1  }
0xb2: {  	s5 =	sor.u32 @!p0 s5, s7;
	[sflag:s6] =	ssyncadd.s32 @!p0 $0xFFFFFFFF  }
0xb3: {  	s25 =	simm.s32 $0x1B8E;
	s24 =	sld [smem:$0x3FFE];
	[sflag:s5] =	ssyncadd.remote.s32 @!p0 $0x1  }
0xb4: {  	s26 =	simm.s32 $execute0_lowered;
	[smem:$0x3FD2] =	sst s25  }
0xb5: {  	s6 =	sshll.u32 s26, $0x1;
	_ =	strace $0x8000004C;
	[dreg:$0x1] =	wrdreg $0xFFFFFFFF  }
0xb6: {  	s28 =	simm.s32 $_size_execute0_lowered;
	s4 =	sadd.s32 s4, s6;
	[dreg:$0x0] =	wrdreg $0x0  }
0xb7: {  	s6 =	sshll.u32 s28, $0x1;
	[dreg:$0x2] =	wrdreg s4  }
0xb8: {  	[dreg:$0x3] =	wrdreg s6  }
0xb9: {  	[dreg:$0x4] =	wrdreg $0xC0  }
0xba: {  	_ =	task [dreg:s22], $0x5FFFF  }
0xbb: {  	[dreg:$0x1] =	wrdreg $0xFFFFFFFF  }
0xbc: {  	[dreg:$0x0] =	wrdreg $0x60  }
0xbd: {  	[dreg:$0x2] =	wrdreg s18  }
0xbe: {  	[dreg:$0x3] =	wrdreg s24  }
0xbf: {  	[dreg:$0x4] =	wrdreg $0xB  }
0xc0: {  	_ =	task.clear_ibuf [dreg:s22], $0x5FFFF;
	_ =	strace $0x9000004C  }
0xc1: {  	s29 =	simm.s32 $0xB;
	_ =	strace $0x8000004E  }
0xc2: {  	_ =	swait.ge [sflag:s29], $0x1  }
0xc3: {  	[sflag:s29] =	ssyncadd.s32 $0xFFFFFFFF  }
0xc4: {  	_ =	strace $0x9000004E  }
0xc5: {  	_ =	sfence  }
0xc6: {  	s30 =	sld [smem:$0x0];
	_ =	sdelay $0x2  }
0xc7: {  	s31 =	sshll.u32 s1, $0xD;
	s1 =	sshrl.u32 s1, $0x2  }
0xc8: {  	s4 =	sand.u32 $0x4000, s31;
	s1 =	sadd.s32 s1, s30  }
0xc9: {  	s0 =	sor.u32 s4, s0;
	s1 =	sshll.u32 s1, $0x11  }
0xca: {  	s0 =	sor.u32 s1, s0  }
0xcb: {  	s0 =	sadd.s32 $0x8F2B, s0  }
0xcc: {  	[sflag:s0] =	ssyncadd.remote.s32 $0x1  }
0xcd: {  	_ =	sfence.sel $0xFFFF  }
0xce: {  	[dreg:$0x0] =	wrdreg $0xFFFFFFFF;
	(pc) =	sbr.abs _section_cstart, $3  }
0xcf: {  	[dreg:$0x1] =	wrdreg $0xFFFFFFFF  }
0xd0: {  	_ =	task.clear_ibuf [dreg:s22], $0x2FFFF;
	_ =	strace $0x9FFFFFFF  }
0xd1: {  	(tm) =	ssettm $0x7FFFFFFF  }
tec
execute0_lowered:
.L_overlay_start_1:
0x0: {  	(tag) =	ssettag $0x1  }
0x1: {  	s0 =	srdreg.scid  }
0x2: {  	s1 =	stileid.u32;
	s0 =	sand.u32 $0x1, s0  }
0x3: {  	s2 =	rddreg [dreg:$0x0];
	s1 =	sshll.u32 s1, $0x8;
	s3 =	sshll.u32 s0, $0x7  }
0x4: {  	s4 =	rddreg [dreg:$0x1];
	s1 =	sor.u32 s3, s1;
	s3 =	simm.s32 $0x0  }
0x5: {  	s20 =	simm.s32 $0x8880;
	[smem:$0x7FF] =	sst s3  }
0x6: {  	s21 =	simm.s32 $0x9080;
	_ =	strace $0x8000004D;
	[dreg:$0xc] =	wrdreg s20  }
0x7: {  	s22 =	simm.s32 $0x9880;
	[dreg:$0xd] =	wrdreg s21  }
0x8: {  	s23 =	simm.s32 $0xA080;
	[dreg:$0xe] =	wrdreg s22  }
0x9: {  	s24 =	simm.s32 $0xA880;
	[dreg:$0xf] =	wrdreg s23  }
0xa: {  	s25 =	simm.s32 $0xB080;
	[dreg:$0x10] =	wrdreg s24  }
0xb: {  	s6 =	simm.s32 $0xC880;
	[dreg:$0x11] =	wrdreg s25  }
0xc: {  	s7 =	simm.s32 $0xD080;
	[dreg:$0x13] =	wrdreg s6  }
0xd: {  	s8 =	simm.s32 $0xD880;
	[dreg:$0x14] =	wrdreg s7  }
0xe: {  	s9 =	simm.s32 $0xE080;
	[dreg:$0x15] =	wrdreg s8  }
0xf: {  	s10 =	simm.s32 $0xE880;
	s0 =	ssub.s32 $0x2, s0;
	[dreg:$0x16] =	wrdreg s9  }
0x10: {  	s11 =	simm.s32 $0xF080;
	s26 =	sshrl.u32 s0, $0x1;
	[dreg:$0x17] =	wrdreg s10  }
0x11: {  	s0 =	ssub.s32 s0, s26;
	s26 =	simm.s32 $0x17880;
	[dreg:$0x18] =	wrdreg s11  }
0x12: {  	s20 =	simm.s32 $0x14880;
	[smem:$0x7FD] =	sst s26  }
0x13: {  	s21 =	simm.s32 $0x15080;
	[smem:$0x7F7] =	sst s20  }
0x14: {  	s22 =	simm.s32 $0x15880;
	[smem:$0x7F8] =	sst s21  }
0x15: {  	s5 =	sshrl.u32 s1, $0x3;
	s23 =	simm.s32 $0x16080;
	[smem:$0x7F9] =	sst s22  }
0x16: {  	s1 =	sshll.u32 s1, $0x7;
	s24 =	simm.s32 $0x16880;
	[smem:$0x7FA] =	sst s23  }
0x17: {  	s5 =	sadd.s32 s5, s4;
	s25 =	simm.s32 $0x17080;
	[smem:$0x7FB] =	sst s24  }
0x18: {  	s1 =	sadd.s32 s1, s4;
	s12 =	sadd.s32 $0x2800, s5;
	[smem:$0x7FC] =	sst s25  }
0x19: {  	s13 =	sadd.s32 $0x82C00, s1;
	[dreg:$0x3] =	wrdreg s12  }
0x1a: {  	s29 =	simm.s32 $0x1;
	s14 =	sadd.s32 $0x83400, s1;
	[dreg:$0x4] =	wrdreg s13  }
0x1b: {  	s31 =	simm.s32 $0x2;
	s15 =	sadd.s32 $0x83C00, s1;
	[dreg:$0x5] =	wrdreg s14  }
0x1c: {  	s28 =	simm.s32 $0x3880;
	s16 =	sadd.s32 $0x84400, s1;
	[dreg:$0x6] =	wrdreg s15  }
0x1d: {  	s30 =	simm.s32 $0x4880;
	s17 =	sadd.s32 $0x84C00, s1;
	[dreg:$0x7] =	wrdreg s16  }
0x1e: {  	s4 =	sadd.s32 $0x100, s2;
	s18 =	sadd.s32 $0x85400, s1;
	[dreg:$0x8] =	wrdreg s17  }
0x1f: {  	s6 =	sadd.s32 $0x300, s2;
	s19 =	sadd.s32 $0x85C00, s1;
	[dreg:$0x9] =	wrdreg s18  }
0x20: {  	s7 =	smax.u32 s0, $0x1;
	s1 =	sadd.s32 $0x86400, s1;
	[dreg:$0xa] =	wrdreg s19  }
0x21: {  	s10 =	simm.s32 $0x8;
	s5 =	simm.s32 $0xB880;
	[dreg:$0xb] =	wrdreg s1  }
0x22: {  	s26 =	simm.s32 $0x3080;
	[dreg:$0x12] =	wrdreg s5;
	s12 =	simm.s32 $0xF880  }
0x23: {  	s11 =	simm.s32 $0x6080;
	s13 =	simm.s32 $0x10880;
	[dreg:$0x19] =	wrdreg s12  }
0x24: {  	s21 =	simm.s32 $0x880;
	s14 =	simm.s32 $0x11080;
	[dreg:$0x1a] =	wrdreg s13  }
0x25: {  	s22 =	simm.s32 $0x1080;
	s15 =	simm.s32 $0x11880;
	[dreg:$0x1b] =	wrdreg s14  }
0x26: {  	s23 =	simm.s32 $0x1880;
	s16 =	simm.s32 $0x12080;
	[dreg:$0x1c] =	wrdreg s15  }
0x27: {  	s24 =	simm.s32 $0x2080;
	s17 =	simm.s32 $0x12880;
	[dreg:$0x1d] =	wrdreg s16  }
0x28: {  	s25 =	simm.s32 $0x2880;
	s18 =	simm.s32 $0x13080;
	[dreg:$0x1e] =	wrdreg s17  }
0x29: {  	s5 =	sadd.s32 $0x200, s2;
	s19 =	simm.s32 $0x13880;
	[dreg:$0x1f] =	wrdreg s18  }
0x2a: {  	v2 =	vlaneseq.u32;
	s1 =	simm.s32 $0x7;
	[smem:$0x7F6] =	sst s19;
	s17 =	simm.s32 $0x80  }
0x2b: {  	vm0 =	vmmov $0xffff;
	v1 =	vshrl.u32 v2, $0x3;
	s12 =	simm.s32 $0x6880;
	s13 =	simm.s32 $0x7080;
	s14 =	simm.s32 $0x7880  }
0x2c: {  	v0 =	vand.u32 $0x7, v2;
	v2 =	vor.u32 $0x8, v2;
	v1 =	vmul.u32 $0x8, v1;
	s15 =	simm.s32 $0x8080;
	s16 =	simm.s32 $0xC080;
	s18 =	simm.s32 $0x10080  }
.LBB2_1:
0x2d: {  	s19 =	rddreg [dreg:$0x3];
	s8 =	simm.s32 $0xD  }
0x2e: {  	[tilespmem:s3], [sflag:$0xD] =	stream.linear.gather [hbm4b:s19+s3], $0x80, $0x38;
	[tilespmem:$0x18080] =	vst v63  }
0x2f: {  	_ =	swait.ge [sflag:s8], $0x80  }
0x30: {  	[sflag:s8] =	ssyncset.done $0x0  }
0x31: {  	[sflag:s8] =	ssyncadd.s32 $0xFFFFFF80  }
0x32: {  	v3 =	vld [tilespmem:$0x0];
	_ =	sdelay $0x4  }
0x33: {  	v4 =	vshll.u32 v3, $0x3  }
0x34: {  	v3 =	vand.u32 $0x7, v3;
	v4 =	vand.u32 $0xFFFFFFC0, v4  }
0x35: {  	v3 =	vor.u32 v3, v4  }
0x36: {  	v4 =	vperm.xlane v3, v0;
	_ =	sdelay $0x1  }
0x37: {  	v4 =	vadd.s32 v1, v4;
	_ =	sdelay $0x4  }
0x38: {  	[tilespmem:s17], [sflag:$0x1] =	stream.indirect_vreg.gather [hbm4b:s2+s3], $0x80, v4, vm0, $0xb8;
	[tilespmem:$0x18080] =	vst v63  }
0x39: {  	v3 =	vperm.xlane v3, v2  }
0x3a: {  	[tilespmem:s21], [sflag:$0x1] =	stream.indirect_vreg.gather [hbm4b:s4+s3], $0x80, v4, vm0, $0xb8;
	[tilespmem:$0x18080] =	vst v63  }
0x3b: {  	v3 =	vadd.s32 v1, v3  }
0x3c: {  	[tilespmem:s22], [sflag:$0x1] =	stream.indirect_vreg.gather [hbm4b:s5+s3], $0x80, v4, vm0, $0xb8;
	[tilespmem:$0x18080] =	vst v63  }
0x3d: {  	_ = 	snop  }
0x3e: {  	[tilespmem:s23], [sflag:$0x1] =	stream.indirect_vreg.gather [hbm4b:s6+s3], $0x80, v4, vm0, $0xb8;
	[tilespmem:$0x18080] =	vst v63  }
0x3f: {  	_ = 	snop  }
0x40: {  	[tilespmem:s24], [sflag:$0x1] =	stream.indirect_vreg.gather [hbm4b:s2+s3], $0x80, v3, vm0, $0xb8;
	[tilespmem:$0x18080] =	vst v63  }
0x41: {  	_ = 	snop  }
0x42: {  	[tilespmem:s25], [sflag:$0x1] =	stream.indirect_vreg.gather [hbm4b:s4+s3], $0x80, v3, vm0, $0xb8;
	[tilespmem:$0x18080] =	vst v63  }
0x43: {  	_ = 	snop  }
0x44: {  	[tilespmem:s26], [sflag:$0x1] =	stream.indirect_vreg.gather [hbm4b:s5+s3], $0x80, v3, vm0, $0xb8;
	[tilespmem:$0x18080] =	vst v63  }
0x45: {  	_ = 	snop  }
0x46: {  	[tilespmem:s28], [sflag:$0x1] =	stream.indirect_vreg.gather [hbm4b:s6+s3], $0x80, v3, vm0, $0xb8;
	[tilespmem:$0x18080] =	vst v63  }
0x47: {  	v3 =	vld [tilespmem:$0x10];
	_ =	sdelay $0x4  }
0x48: {  	v57 =	vshll.u32 v3, $0x3  }
0x49: {  	v3 =	vand.u32 $0x7, v3;
	v4 =	vand.u32 $0xFFFFFFC0, v57  }
0x4a: {  	v3 =	vor.u32 v3, v4  }
0x4b: {  	v4 =	vperm.xlane v3, v0;
	_ =	sdelay $0x1  }
0x4c: {  	v4 =	vadd.s32 v1, v4;
	_ =	sdelay $0x3  }
0x4d: {  	s0 =	simm.s32 $0x4080  }
0x4e: {  	[tilespmem:s0], [sflag:$0x2] =	stream.indirect_vreg.gather [hbm4b:s2+s3], $0x80, v4, vm0, $0xb8;
	[tilespmem:$0x18080] =	vst v63  }
0x4f: {  	v3 =	vperm.xlane v3, v2  }
0x50: {  	[tilespmem:s30], [sflag:$0x2] =	stream.indirect_vreg.gather [hbm4b:s4+s3], $0x80, v4, vm0, $0xb8;
	[tilespmem:$0x18080] =	vst v63  }
0x51: {  	s8 =	simm.s32 $0x5080;
	v3 =	vadd.s32 v1, v3  }
0x52: {  	[tilespmem:s8], [sflag:$0x2] =	stream.indirect_vreg.gather [hbm4b:s5+s3], $0x80, v4, vm0, $0xb8;
	[tilespmem:$0x18080] =	vst v63  }
0x53: {  	s9 =	simm.s32 $0x5880  }
0x54: {  	[tilespmem:s9], [sflag:$0x2] =	stream.indirect_vreg.gather [hbm4b:s6+s3], $0x80, v4, vm0, $0xb8;
	[tilespmem:$0x18080] =	vst v63  }
0x55: {  	_ = 	snop  }
0x56: {  	[tilespmem:s11], [sflag:$0x2] =	stream.indirect_vreg.gather [hbm4b:s2+s3], $0x80, v3, vm0, $0xb8;
	[tilespmem:$0x18080] =	vst v63  }
0x57: {  	_ = 	snop  }
0x58: {  	[tilespmem:s12], [sflag:$0x2] =	stream.indirect_vreg.gather [hbm4b:s4+s3], $0x80, v3, vm0, $0xb8;
	[tilespmem:$0x18080] =	vst v63  }
0x59: {  	_ = 	snop  }
0x5a: {  	[tilespmem:s13], [sflag:$0x2] =	stream.indirect_vreg.gather [hbm4b:s5+s3], $0x80, v3, vm0, $0xb8;
	[tilespmem:$0x18080] =	vst v63  }
0x5b: {  	_ = 	snop  }
0x5c: {  	[tilespmem:s14], [sflag:$0x2] =	stream.indirect_vreg.gather [hbm4b:s6+s3], $0x80, v3, vm0, $0xb8;
	[tilespmem:$0x18080] =	vst v63  }
0x5d: {  	v3 =	vld [tilespmem:$0x20];
	_ =	sdelay $0x4  }
0x5e: {  	v58 =	vshll.u32 v3, $0x3  }
0x5f: {  	v3 =	vand.u32 $0x7, v3;
	v4 =	vand.u32 $0xFFFFFFC0, v58  }
0x60: {  	v3 =	vor.u32 v3, v4  }
0x61: {  	v4 =	vperm.xlane v3, v0;
	_ =	sdelay $0x1  }
0x62: {  	v4 =	vadd.s32 v1, v4;
	_ =	sdelay $0x4  }
0x63: {  	[tilespmem:s15], [sflag:$0x3] =	stream.indirect_vreg.gather [hbm4b:s2+s3], $0x80, v4, vm0, $0xb8;
	[tilespmem:$0x18080] =	vst v63  }
0x64: {  	s9 =	rddreg [dreg:$0xc];
	v3 =	vperm.xlane v3, v2  }
0x65: {  	[tilespmem:s9], [sflag:$0x3] =	stream.indirect_vreg.gather [hbm4b:s4+s3], $0x80, v4, vm0, $0xb8;
	[tilespmem:$0x18080] =	vst v63  }
0x66: {  	s20 =	rddreg [dreg:$0xd];
	v3 =	vadd.s32 v1, v3  }
0x67: {  	[tilespmem:s20], [sflag:$0x3] =	stream.indirect_vreg.gather [hbm4b:s5+s3], $0x80, v4, vm0, $0xb8;
	[tilespmem:$0x18080] =	vst v63  }
0x68: {  	s9 =	rddreg [dreg:$0xe]  }
0x69: {  	[tilespmem:s9], [sflag:$0x3] =	stream.indirect_vreg.gather [hbm4b:s6+s3], $0x80, v4, vm0, $0xb8;
	[tilespmem:$0x18080] =	vst v63  }
0x6a: {  	s20 =	rddreg [dreg:$0xf]  }
0x6b: {  	[tilespmem:s20], [sflag:$0x3] =	stream.indirect_vreg.gather [hbm4b:s2+s3], $0x80, v3, vm0, $0xb8;
	[tilespmem:$0x18080] =	vst v63  }
0x6c: {  	s9 =	rddreg [dreg:$0x10]  }
0x6d: {  	[tilespmem:s9], [sflag:$0x3] =	stream.indirect_vreg.gather [hbm4b:s4+s3], $0x80, v3, vm0, $0xb8;
	[tilespmem:$0x18080] =	vst v63  }
0x6e: {  	s20 =	rddreg [dreg:$0x11]  }
0x6f: {  	[tilespmem:s20], [sflag:$0x3] =	stream.indirect_vreg.gather [hbm4b:s5+s3], $0x80, v3, vm0, $0xb8;
	[tilespmem:$0x18080] =	vst v63  }
0x70: {  	s9 =	rddreg [dreg:$0x12]  }
0x71: {  	[tilespmem:s9], [sflag:$0x3] =	stream.indirect_vreg.gather [hbm4b:s6+s3], $0x80, v3, vm0, $0xb8;
	[tilespmem:$0x18080] =	vst v63  }
0x72: {  	v3 =	vld [tilespmem:$0x30];
	_ =	sdelay $0x4  }
0x73: {  	v59 =	vshll.u32 v3, $0x3  }
0x74: {  	v3 =	vand.u32 $0x7, v3;
	v4 =	vand.u32 $0xFFFFFFC0, v59  }
0x75: {  	v3 =	vor.u32 v3, v4  }
0x76: {  	v4 =	vperm.xlane v3, v0;
	_ =	sdelay $0x1  }
0x77: {  	v4 =	vadd.s32 v1, v4;
	_ =	sdelay $0x4  }
0x78: {  	[tilespmem:s16], [sflag:$0x4] =	stream.indirect_vreg.gather [hbm4b:s2+s3], $0x80, v4, vm0, $0xb8;
	[tilespmem:$0x18080] =	vst v63  }
0x79: {  	s9 =	rddreg [dreg:$0x13];
	v3 =	vperm.xlane v3, v2  }
0x7a: {  	[tilespmem:s9], [sflag:$0x4] =	stream.indirect_vreg.gather [hbm4b:s4+s3], $0x80, v4, vm0, $0xb8;
	[tilespmem:$0x18080] =	vst v63  }
0x7b: {  	s20 =	rddreg [dreg:$0x14];
	v3 =	vadd.s32 v1, v3  }
0x7c: {  	[tilespmem:s20], [sflag:$0x4] =	stream.indirect_vreg.gather [hbm4b:s5+s3], $0x80, v4, vm0, $0xb8;
	[tilespmem:$0x18080] =	vst v63  }
0x7d: {  	s9 =	rddreg [dreg:$0x15]  }
0x7e: {  	[tilespmem:s9], [sflag:$0x4] =	stream.indirect_vreg.gather [hbm4b:s6+s3], $0x80, v4, vm0, $0xb8;
	[tilespmem:$0x18080] =	vst v63  }
0x7f: {  	s20 =	rddreg [dreg:$0x16]  }
0x80: {  	[tilespmem:s20], [sflag:$0x4] =	stream.indirect_vreg.gather [hbm4b:s2+s3], $0x80, v3, vm0, $0xb8;
	[tilespmem:$0x18080] =	vst v63  }
0x81: {  	s9 =	rddreg [dreg:$0x17]  }
0x82: {  	[tilespmem:s9], [sflag:$0x4] =	stream.indirect_vreg.gather [hbm4b:s4+s3], $0x80, v3, vm0, $0xb8;
	[tilespmem:$0x18080] =	vst v63  }
0x83: {  	s20 =	rddreg [dreg:$0x18]  }
0x84: {  	[tilespmem:s20], [sflag:$0x4] =	stream.indirect_vreg.gather [hbm4b:s5+s3], $0x80, v3, vm0, $0xb8;
	[tilespmem:$0x18080] =	vst v63  }
0x85: {  	s9 =	rddreg [dreg:$0x19]  }
0x86: {  	[tilespmem:s9], [sflag:$0x4] =	stream.indirect_vreg.gather [hbm4b:s6+s3], $0x80, v3, vm0, $0xb8;
	[tilespmem:$0x18080] =	vst v63  }
0x87: {  	v3 =	vld [tilespmem:$0x40];
	_ =	sdelay $0x4  }
0x88: {  	v60 =	vshll.u32 v3, $0x3  }
0x89: {  	v3 =	vand.u32 $0x7, v3;
	v4 =	vand.u32 $0xFFFFFFC0, v60  }
0x8a: {  	v3 =	vor.u32 v3, v4  }
0x8b: {  	v4 =	vperm.xlane v3, v0;
	_ =	sdelay $0x1  }
0x8c: {  	v4 =	vadd.s32 v1, v4;
	_ =	sdelay $0x3  }
0x8d: {  	s20 =	rddreg [dreg:$0x1b]  }
0x8e: {  	[tilespmem:s18], [sflag:$0x5] =	stream.indirect_vreg.gather [hbm4b:s2+s3], $0x80, v4, vm0, $0xb8;
	[tilespmem:$0x18080] =	vst v63  }
0x8f: {  	s9 =	rddreg [dreg:$0x1a];
	v3 =	vperm.xlane v3, v2  }
0x90: {  	[tilespmem:s9], [sflag:$0x5] =	stream.indirect_vreg.gather [hbm4b:s4+s3], $0x80, v4, vm0, $0xb8;
	[tilespmem:$0x18080] =	vst v63  }
0x91: {  	v3 =	vadd.s32 v1, v3;
	s9 =	rddreg [dreg:$0x1c]  }
0x92: {  	[tilespmem:s20], [sflag:$0x5] =	stream.indirect_vreg.gather [hbm4b:s5+s3], $0x80, v4, vm0, $0xb8;
	[tilespmem:$0x18080] =	vst v63  }
0x93: {  	s20 =	rddreg [dreg:$0x1d]  }
0x94: {  	[tilespmem:s9], [sflag:$0x5] =	stream.indirect_vreg.gather [hbm4b:s6+s3], $0x80, v4, vm0, $0xb8;
	[tilespmem:$0x18080] =	vst v63  }
0x95: {  	s9 =	rddreg [dreg:$0x1e]  }
0x96: {  	[tilespmem:s20], [sflag:$0x5] =	stream.indirect_vreg.gather [hbm4b:s2+s3], $0x80, v3, vm0, $0xb8;
	[tilespmem:$0x18080] =	vst v63  }
0x97: {  	s20 =	rddreg [dreg:$0x1f]  }
0x98: {  	[tilespmem:s9], [sflag:$0x5] =	stream.indirect_vreg.gather [hbm4b:s4+s3], $0x80, v3, vm0, $0xb8;
	[tilespmem:$0x18080] =	vst v63  }
0x99: {  	s9 =	sld [smem:$0x7F6]  }
0x9a: {  	[tilespmem:s20], [sflag:$0x5] =	stream.indirect_vreg.gather [hbm4b:s5+s3], $0x80, v3, vm0, $0xb8;
	[tilespmem:$0x18080] =	vst v63  }
0x9b: {  	_ = 	snop  }
0x9c: {  	[tilespmem:s9], [sflag:$0x5] =	stream.indirect_vreg.gather [hbm4b:s6+s3], $0x80, v3, vm0, $0xb8;
	[tilespmem:$0x18080] =	vst v63  }
0x9d: {  	_ =	swait.ge [sflag:s29], $0x4000  }
0x9e: {  	[sflag:s29] =	ssyncset.done $0x0  }
0x9f: {  	s9 =	rddreg [dreg:$0x4];
	[sflag:s29] =	ssyncadd.s32 $0xFFFFC000  }
0xa0: {  	[hbm4b:s9+s3] =	stream.linear.scatter [tilespmem:s17], [sflag:$0x7], $0x4000, $0x38;
	[tilespmem:$0x18080] =	vst v63  }
0xa1: {  	v3 =	vld [tilespmem:$0x50];
	_ =	sdelay $0x4  }
0xa2: {  	v61 =	vshll.u32 v3, $0x3  }
0xa3: {  	v3 =	vand.u32 $0x7, v3;
	v4 =	vand.u32 $0xFFFFFFC0, v61  }
0xa4: {  	v3 =	vor.u32 v3, v4  }
0xa5: {  	v4 =	vperm.xlane v3, v0;
	_ =	sdelay $0x1  }
0xa6: {  	v4 =	vadd.s32 v1, v4;
	_ =	sdelay $0x3  }
0xa7: {  	s19 =	sld [smem:$0x7F7];
	s9 =	simm.s32 $0x14080  }
0xa8: {  	[tilespmem:s9], [sflag:$0x6] =	stream.indirect_vreg.gather [hbm4b:s2+s3], $0x80, v4, vm0, $0xb8;
	[tilespmem:$0x18080] =	vst v63  }
0xa9: {  	s20 =	sld [smem:$0x7F8];
	v3 =	vperm.xlane v3, v2  }
0xaa: {  	[tilespmem:s19], [sflag:$0x6] =	stream.indirect_vreg.gather [hbm4b:s4+s3], $0x80, v4, vm0, $0xb8;
	[tilespmem:$0x18080] =	vst v63  }
0xab: {  	v3 =	vadd.s32 v1, v3;
	s19 =	sld [smem:$0x7F9]  }
0xac: {  	[tilespmem:s20], [sflag:$0x6] =	stream.indirect_vreg.gather [hbm4b:s5+s3], $0x80, v4, vm0, $0xb8;
	[tilespmem:$0x18080] =	vst v63  }
0xad: {  	s20 =	sld [smem:$0x7FA]  }
0xae: {  	[tilespmem:s19], [sflag:$0x6] =	stream.indirect_vreg.gather [hbm4b:s6+s3], $0x80, v4, vm0, $0xb8;
	[tilespmem:$0x18080] =	vst v63  }
0xaf: {  	s19 =	sld [smem:$0x7FB]  }
0xb0: {  	[tilespmem:s20], [sflag:$0x6] =	stream.indirect_vreg.gather [hbm4b:s2+s3], $0x80, v3, vm0, $0xb8;
	[tilespmem:$0x18080] =	vst v63  }
0xb1: {  	s20 =	sld [smem:$0x7FC]  }
0xb2: {  	[tilespmem:s19], [sflag:$0x6] =	stream.indirect_vreg.gather [hbm4b:s4+s3], $0x80, v3, vm0, $0xb8;
	[tilespmem:$0x18080] =	vst v63  }
0xb3: {  	s19 =	sld [smem:$0x7FD]  }
0xb4: {  	[tilespmem:s20], [sflag:$0x6] =	stream.indirect_vreg.gather [hbm4b:s5+s3], $0x80, v3, vm0, $0xb8;
	[tilespmem:$0x18080] =	vst v63  }
0xb5: {  	_ = 	snop  }
0xb6: {  	[tilespmem:s19], [sflag:$0x6] =	stream.indirect_vreg.gather [hbm4b:s6+s3], $0x80, v3, vm0, $0xb8;
	[tilespmem:$0x18080] =	vst v63  }
0xb7: {  	_ =	swait.ge [sflag:s31], $0x4000  }
0xb8: {  	[sflag:s31] =	ssyncset.done $0x0  }
0xb9: {  	s20 =	rddreg [dreg:$0x5];
	[sflag:s31] =	ssyncadd.s32 $0xFFFFC000  }
0xba: {  	[hbm4b:s20+s3] =	stream.linear.scatter [tilespmem:s0], [sflag:$0x8], $0x4000, $0x38;
	[tilespmem:$0x18080] =	vst v63  }
0xbb: {  	_ =	swait.ge [sflag:s1], $0x4000  }
0xbc: {  	[sflag:s1] =	ssyncset.done $0x0  }
0xbd: {  	[sflag:s1] =	ssyncadd.s32 $0xFFFFC000  }
0xbe: {  	v3 =	vld [tilespmem:$0x60];
	_ =	sdelay $0x4  }
0xbf: {  	v62 =	vshll.u32 v3, $0x3  }
0xc0: {  	v3 =	vand.u32 $0x7, v3;
	v4 =	vand.u32 $0xFFFFFFC0, v62  }
0xc1: {  	v3 =	vor.u32 v3, v4  }
0xc2: {  	v4 =	vperm.xlane v3, v0;
	_ =	sdelay $0x1  }
0xc3: {  	v4 =	vadd.s32 v1, v4;
	_ =	sdelay $0x4  }
0xc4: {  	[tilespmem:s17], [sflag:$0x1] =	stream.indirect_vreg.gather [hbm4b:s2+s3], $0x80, v4, vm0, $0xb8;
	[tilespmem:$0x18080] =	vst v63  }
0xc5: {  	v3 =	vperm.xlane v3, v2  }
0xc6: {  	[tilespmem:s21], [sflag:$0x1] =	stream.indirect_vreg.gather [hbm4b:s4+s3], $0x80, v4, vm0, $0xb8;
	[tilespmem:$0x18080] =	vst v63  }
0xc7: {  	v3 =	vadd.s32 v1, v3  }
0xc8: {  	[tilespmem:s22], [sflag:$0x1] =	stream.indirect_vreg.gather [hbm4b:s5+s3], $0x80, v4, vm0, $0xb8;
	[tilespmem:$0x18080] =	vst v63  }
0xc9: {  	_ = 	snop  }
0xca: {  	[tilespmem:s23], [sflag:$0x1] =	stream.indirect_vreg.gather [hbm4b:s6+s3], $0x80, v4, vm0, $0xb8;
	[tilespmem:$0x18080] =	vst v63  }
0xcb: {  	_ = 	snop  }
0xcc: {  	[tilespmem:s24], [sflag:$0x1] =	stream.indirect_vreg.gather [hbm4b:s2+s3], $0x80, v3, vm0, $0xb8;
	[tilespmem:$0x18080] =	vst v63  }
0xcd: {  	_ = 	snop  }
0xce: {  	[tilespmem:s25], [sflag:$0x1] =	stream.indirect_vreg.gather [hbm4b:s4+s3], $0x80, v3, vm0, $0xb8;
	[tilespmem:$0x18080] =	vst v63  }
0xcf: {  	_ = 	snop  }
0xd0: {  	[tilespmem:s26], [sflag:$0x1] =	stream.indirect_vreg.gather [hbm4b:s5+s3], $0x80, v3, vm0, $0xb8;
	[tilespmem:$0x18080] =	vst v63  }
0xd1: {  	s20 =	simm.s32 $0x3  }
0xd2: {  	[tilespmem:s28], [sflag:$0x1] =	stream.indirect_vreg.gather [hbm4b:s6+s3], $0x80, v3, vm0, $0xb8;
	[tilespmem:$0x18080] =	vst v63  }
0xd3: {  	_ =	swait.ge [sflag:s20], $0x4000  }
0xd4: {  	[sflag:s20] =	ssyncset.done $0x0  }
0xd5: {  	s19 =	rddreg [dreg:$0x6];
	[sflag:s20] =	ssyncadd.s32 $0xFFFFC000  }
0xd6: {  	[hbm4b:s19+s3] =	stream.linear.scatter [tilespmem:s15], [sflag:$0x9], $0x4000, $0x38;
	[tilespmem:$0x18080] =	vst v63  }
0xd7: {  	_ =	swait.ge [sflag:s10], $0x4000  }
0xd8: {  	[sflag:s10] =	ssyncset.done $0x0  }
0xd9: {  	[sflag:s10] =	ssyncadd.s32 $0xFFFFC000  }
0xda: {  	v3 =	vld [tilespmem:$0x70];
	_ =	sdelay $0x4  }
0xdb: {  	v63 =	vshll.u32 v3, $0x3  }
0xdc: {  	v3 =	vand.u32 $0x7, v3;
	v4 =	vand.u32 $0xFFFFFFC0, v63  }
0xdd: {  	v3 =	vor.u32 v3, v4  }
0xde: {  	v4 =	vperm.xlane v3, v0;
	_ =	sdelay $0x1  }
0xdf: {  	v4 =	vadd.s32 v1, v4;
	_ =	sdelay $0x4  }
0xe0: {  	[tilespmem:s0], [sflag:$0x2] =	stream.indirect_vreg.gather [hbm4b:s2+s3], $0x80, v4, vm0, $0xb8;
	[tilespmem:$0x18080] =	vst v63  }
0xe1: {  	v3 =	vperm.xlane v3, v2  }
0xe2: {  	[tilespmem:s30], [sflag:$0x2] =	stream.indirect_vreg.gather [hbm4b:s4+s3], $0x80, v4, vm0, $0xb8;
	[tilespmem:$0x18080] =	vst v63  }
0xe3: {  	v3 =	vadd.s32 v1, v3  }
0xe4: {  	[tilespmem:s8], [sflag:$0x2] =	stream.indirect_vreg.gather [hbm4b:s5+s3], $0x80, v4, vm0, $0xb8;
	[tilespmem:$0x18080] =	vst v63  }
0xe5: {  	s20 =	simm.s32 $0x5880  }
0xe6: {  	[tilespmem:s20], [sflag:$0x2] =	stream.indirect_vreg.gather [hbm4b:s6+s3], $0x80, v4, vm0, $0xb8;
	[tilespmem:$0x18080] =	vst v63  }
0xe7: {  	_ = 	snop  }
0xe8: {  	[tilespmem:s11], [sflag:$0x2] =	stream.indirect_vreg.gather [hbm4b:s2+s3], $0x80, v3, vm0, $0xb8;
	[tilespmem:$0x18080] =	vst v63  }
0xe9: {  	_ = 	snop  }
0xea: {  	[tilespmem:s12], [sflag:$0x2] =	stream.indirect_vreg.gather [hbm4b:s4+s3], $0x80, v3, vm0, $0xb8;
	[tilespmem:$0x18080] =	vst v63  }
0xeb: {  	_ = 	snop  }
0xec: {  	[tilespmem:s13], [sflag:$0x2] =	stream.indirect_vreg.gather [hbm4b:s5+s3], $0x80, v3, vm0, $0xb8;
	[tilespmem:$0x18080] =	vst v63  }
0xed: {  	s19 =	simm.s32 $0x4  }
0xee: {  	[tilespmem:s14], [sflag:$0x2] =	stream.indirect_vreg.gather [hbm4b:s6+s3], $0x80, v3, vm0, $0xb8;
	[tilespmem:$0x18080] =	vst v63  }
0xef: {  	_ =	swait.ge [sflag:s19], $0x4000  }
0xf0: {  	[sflag:s19] =	ssyncset.done $0x0  }
0xf1: {  	s20 =	rddreg [dreg:$0x7];
	[sflag:s19] =	ssyncadd.s32 $0xFFFFC000;
	s19 =	simm.s32 $0x5  }
0xf2: {  	[hbm4b:s20+s3] =	stream.linear.scatter [tilespmem:s16], [sflag:$0xA], $0x4000, $0x38;
	[tilespmem:$0x18080] =	vst v63  }
0xf3: {  	_ =	swait.ge [sflag:s19], $0x4000  }
0xf4: {  	[sflag:s19] =	ssyncset.done $0x0  }
0xf5: {  	s20 =	rddreg [dreg:$0x8];
	[sflag:s19] =	ssyncadd.s32 $0xFFFFC000;
	s19 =	simm.s32 $0x6  }
0xf6: {  	[hbm4b:s20+s3] =	stream.linear.scatter [tilespmem:s18], [sflag:$0xB], $0x4000, $0x38;
	[tilespmem:$0x18080] =	vst v63  }
0xf7: {  	_ =	swait.ge [sflag:s19], $0x4000  }
0xf8: {  	[sflag:s19] =	ssyncset.done $0x0  }
0xf9: {  	s20 =	rddreg [dreg:$0x9];
	[sflag:s19] =	ssyncadd.s32 $0xFFFFC000  }
0xfa: {  	[hbm4b:s20+s3] =	stream.linear.scatter [tilespmem:s9], [sflag:$0xC], $0x4000, $0x38;
	[tilespmem:$0x18080] =	vst v63  }
0xfb: {  	_ =	swait.ge [sflag:s29], $0x4000  }
0xfc: {  	[sflag:s29] =	ssyncset.done $0x0  }
0xfd: {  	s9 =	rddreg [dreg:$0xa];
	[sflag:s29] =	ssyncadd.s32 $0xFFFFC000  }
0xfe: {  	[hbm4b:s9+s3] =	stream.linear.scatter [tilespmem:s17], [sflag:$0x7], $0x4000, $0x38;
	[tilespmem:$0x18080] =	vst v63  }
0xff: {  	_ =	swait.ge [sflag:s31], $0x4000  }
0x100: {  	[sflag:s31] =	ssyncset.done $0x0  }
0x101: {  	s20 =	rddreg [dreg:$0xb];
	[sflag:s31] =	ssyncadd.s32 $0xFFFFC000  }
0x102: {  	[hbm4b:s20+s3] =	stream.linear.scatter [tilespmem:s0], [sflag:$0x8], $0x4000, $0x38;
	[tilespmem:$0x18080] =	vst v63  }
0x103: {  	_ =	swait.ge [sflag:s1], $0x4000  }
0x104: {  	[sflag:s1] =	ssyncset.done $0x0  }
0x105: {  	[sflag:s1] =	ssyncadd.s32 $0xFFFFC000  }
0x106: {  	_ =	swait.ge [sflag:s10], $0x4000  }
0x107: {  	[sflag:s10] =	ssyncset.done $0x0  }
0x108: {  	s8 =	simm.s32 $0x9;
	[sflag:s10] =	ssyncadd.s32 $0xFFFFC000  }
0x109: {  	_ =	swait.ge [sflag:s8], $0x4000  }
0x10a: {  	[sflag:s8] =	ssyncset.done $0x0  }
0x10b: {  	s9 =	simm.s32 $0xA;
	[sflag:s8] =	ssyncadd.s32 $0xFFFFC000  }
0x10c: {  	_ =	swait.ge [sflag:s9], $0x4000  }
0x10d: {  	[sflag:s9] =	ssyncset.done $0x0  }
0x10e: {  	s19 =	simm.s32 $0xB;
	[sflag:s9] =	ssyncadd.s32 $0xFFFFC000  }
0x10f: {  	p0 =	sne.s32 s7, $0x1;
	_ =	swait.ge [sflag:s19], $0x4000  }
.Ltmp0:
0x110: {  	[sflag:s19] =	ssyncset.done $0x0;
	(pc) =	sbr.rel @p0 .LBB2_1-.Ltmp0, $4  }
0x111: {  	s20 =	simm.s32 $0xC;
	[sflag:s19] =	ssyncadd.s32 $0xFFFFC000  }
0x112: {  	_ =	swait.ge [sflag:s20], $0x4000  }
0x113: {  	[sflag:s20] =	ssyncset.done $0x0  }
0x114: {  	s7 =	sadd.s32 $0xFFFFFFFF, s7;
	[sflag:s20] =	ssyncadd.s32 $0xFFFFC000  }
0x115: {  	_ =	sfence.sel $0x180000  }
0x116: {  	[bflag:$0x0] =	sbarrier.arrive $0xFFFF  }
0x117: {  	_ =	strace $0x9000004D  }
0x118: {  	s0 =	stileid.u32;
	[bflag:$0x2] =	sbarrier.arrive $0xFFFF  }
0x119: {  	p0 =	sne.s32 s0, $0x0;
	s0 =	rddreg [dreg:$0x2]  }
0x11a: {  	s0 =	sadd.s32 @!p0 $0x100000, s0  }
0x11b: {  	[sflag:s0] =	ssyncadd.tile.s32 @!p0 $0x1;
	_ =	shalt  }
.Lfunc_end2:
_tile_overlayer_lowered:
.L_overlay_start_2:
0x11c: {  	(tag) =	ssettag $0x2  }
0x11d: {  	s0 =	rddreg [dreg:$0x0];
	s2 =	stileid.u32  }
0x11e: {  	s1 =	rddreg [dreg:$0x1];
	p0 =	sne.s32 s2, $0x0  }
0x11f: {  	s3 =	rddreg [dreg:$0x2];
	[bflag:$0x3] =	sbarrier.arrive $0xFFFF;
	s2 =	simm.s32 @!p0 $0x1C0D  }
0x120: {  	[timem:s3], [sflag:s2] =	dma.local @!p0 [hbm:s0], s1  }
0x121: {  	s0 =	simm.s32 @!p0 $0xD  }
0x122: {  	_ =	swait.ge @!p0 [sflag:s0], s1  }
0x123: {  	s1 =	ssub.s32 @!p0 $0x0, s1;
	[sflag:s0] =	ssyncset.done @!p0 $0x0  }
0x124: {  	[sflag:s0] =	ssyncadd.s32 @!p0 s1  }
0x125: {  	[bflag:$0x3] =	sbarrier.arrive $0xFFFF  }
0x126: {  	_ =	shalt  }

// kernel: kernel.19.cloned.1.call-start
scs
__scs_entry_jumppad:
0x0: {  	(pc) =	sbr.rel $0x88, $3  }
0x1: {  	(tag) =	ssettag $0x0;
	lr =	simm.s32 $0x1  }
0x2: {  	[smem:$0x3F9A] =	sst lr;
	_ =	strace $0xD0000000  }
0x3: {  	_ = 	snop  }
0x4: {  	_ = 	snop  }
0x5: {  	_ = 	snop  }
0x6: {  	_ = 	snop  }
0x7: {  	_ = 	snop  }
__scs_overlays_trampoline_lowered:
0x8: {  	[smem:$0x3FA9] =	sst s0  }
0x9: {  	[smem:$0x3FAA] =	sst s1  }
0xa: {  	[smem:$0x3FAB] =	sst s2  }
0xb: {  	[smem:$0x3FAC] =	sst s3  }
0xc: {  	[smem:$0x3FAD] =	sst s4  }
0xd: {  	[smem:$0x3FAE] =	sst s5  }
0xe: {  	[smem:$0x3FAF] =	sst s6  }
0xf: {  	[smem:$0x3FB0] =	sst s7  }
0x10: {  	[smem:$0x3FB1] =	sst s8  }
0x11: {  	[smem:$0x3FB2] =	sst s9;
	s0 =	simm.s32 @!p0 $0x0  }
0x12: {  	s1 =	sld [smem:$0x3F98];
	s0 =	simm.s32 @p0 $0x1  }
0x13: {  	[smem:$0x3FB3] =	sst s0;
	s0 =	simm.s32 @!p1 $0x0  }
0x14: {  	s2 =	sld [smem:$0x3F97];
	s0 =	simm.s32 @p1 $0x1  }
0x15: {  	[smem:$0x3FB4] =	sst s0;
	s0 =	simm.s32 @!p2 $0x0  }
0x16: {  	s3 =	sld [smem:$0x3FDB];
	s0 =	simm.s32 @p2 $0x1  }
0x17: {  	s4 =	simm.s32 $0x1BF5;
	[smem:$0x3FB6] =	sst s0  }
0x18: {  	s0 =	sld [smem:$0x3F99];
	_ =	swait.ge [sflag:s4], $0x0  }
0x19: {  	s7 =	sld [smem:$0x3F9A]  }
0x1a: {  	s8 =	sadd.s32 $0xFFFFE003, lr  }
0x1b: {  	s9 =	sadd.s32 $0xFFFFFEF7, lr;
	s5 =	simm.s32 $0xFFFFFFFF;
	p2 =	slt.u32 s8, $0xFFFFF086  }
0x1c: {  	p1 =	slt.u32 s9, $0xF7A;
	s5 =	simm.s32 @!p2 $0x0  }
0x1d: {  	s5 =	simm.s32 @p1 $0x1;
	p0 =	seq.s32 s7, s2  }
0x1e: {  	s7 =	smul.u32 @!p0 $0xF7A, s2;
	p2 =	seq.s32 @!p0 s5, $0x0  }
0x1f: {  	s9 =	smul.u32 $0xF7A, s1;
	s8 =	simm.s32 @!p0 $0x1BF5;
	p2 =	por !p2, p0  }
0x20: {  	[sflag:s8] =	ssyncset.s32 @!p0 $0xFFFFF086;
	s6 =	sadd.s32 @!p0 s3, s7;
	s7 =	simm.s32 @!p0 $0x108  }
0x21: {  	s3 =	sadd.s32 s3, s9;
	s6 =	sadd.s32 @!p0 $0x88, s6;
	s7 =	simm.s32 @p2 $0x1082  }
0x22: {  	[simem:s7], [sflag:s8] =	dma.local @!p0 [hbm:s6], $0xF7A  }
0x23: {  	s9 =	sor.u32 $0xD0000000, s2;
	s6 =	simm.s32 $0x108;
	_ =	swait.ge @!p0 [sflag:s8], $0x0  }
0x24: {  	s3 =	sadd.s32 $0x88, s3;
	s6 =	simm.s32 @!p1 $0x1082;
	[sflag:s4] =	ssyncset.s32 $0xFFFFF086  }
0x25: {  	[simem:s6], [sflag:s4] =	dma.local [hbm:s3], $0xF7A  }
0x26: {  	[smem:$0x3F9A] =	sst s1;
	(tag) =	ssettag s2;
	_ =	strace s9  }
0x27: {  	s1 =	sld [smem:$0x3FAA]  }
0x28: {  	s2 =	sld [smem:$0x3FAB]  }
0x29: {  	s4 =	sld [smem:$0x3FAD]  }
0x2a: {  	p0 =	seq.s32 s5, $0x0;
	s5 =	sld [smem:$0x3FAE]  }
0x2b: {  	s6 =	sld [smem:$0x3FAF]  }
0x2c: {  	s7 =	sld [smem:$0x3FB0]  }
0x2d: {  	s3 =	simm.s32 $0x108;
	s8 =	sld [smem:$0x3FB1]  }
0x2e: {  	s3 =	simm.s32 @!p0 $0x1082;
	s9 =	sld [smem:$0x3FB2]  }
0x2f: {  	lr =	sadd.s32 s0, s3;
	s0 =	sld [smem:$0x3FA9]  }
0x30: {  	s3 =	sld [smem:$0x3FAC]  }
0x31: {  	[smem:$0x3FB5] =	sst s10  }
0x32: {  	s10 =	sld [smem:$0x3FB3];
	_ =	sdelay $0x3  }
0x33: {  	p0 =	seq.s32 s10, $0x1;
	s10 =	sld [smem:$0x3FB5];
	_ =	sdelay $0x3  }
0x34: {  	[smem:$0x3FB5] =	sst s10  }
0x35: {  	s10 =	sld [smem:$0x3FB4];
	_ =	sdelay $0x3  }
0x36: {  	p1 =	seq.s32 s10, $0x1;
	s10 =	sld [smem:$0x3FB5];
	_ =	sdelay $0x3  }
0x37: {  	[smem:$0x3FB5] =	sst s10  }
0x38: {  	s10 =	sld [smem:$0x3FB6]  }
0x39: {  	_ = 	snop;
	(pc) =	sbr.ind lr, $3  }
0x3a: {  	_ = 	snop  }
0x3b: {  	_ = 	snop  }
0x3c: {  	p2 =	seq.s32 s10, $0x1;
	s10 =	sld [smem:$0x3FB5]  }
0x3d: {  	_ =	shalt  }
0x3e: {  	_ =	shalt  }
0x3f: {  	_ =	shalt  }
0x40: {  	_ =	shalt  }
0x41: {  	_ =	shalt  }
0x42: {  	_ =	shalt  }
0x43: {  	_ =	shalt  }
0x44: {  	_ =	shalt  }
0x45: {  	_ =	shalt  }
0x46: {  	_ =	shalt  }
0x47: {  	_ =	shalt  }
0x48: {  	_ =	shalt  }
0x49: {  	_ =	shalt  }
0x4a: {  	_ =	shalt  }
0x4b: {  	_ =	shalt  }
0x4c: {  	_ =	shalt  }
0x4d: {  	_ =	shalt  }
0x4e: {  	_ =	shalt  }
0x4f: {  	_ =	shalt  }
0x50: {  	_ =	shalt  }
0x51: {  	_ =	shalt  }
0x52: {  	_ =	shalt  }
0x53: {  	_ =	shalt  }
0x54: {  	_ =	shalt  }
0x55: {  	_ =	shalt  }
0x56: {  	_ =	shalt  }
0x57: {  	_ =	shalt  }
0x58: {  	_ =	shalt  }
0x59: {  	_ =	shalt  }
0x5a: {  	_ =	shalt  }
0x5b: {  	_ =	shalt  }
0x5c: {  	_ =	shalt  }
0x5d: {  	_ =	shalt  }
0x5e: {  	_ =	shalt  }
0x5f: {  	_ =	shalt  }
0x60: {  	_ =	shalt  }
0x61: {  	_ =	shalt  }
0x62: {  	_ =	shalt  }
0x63: {  	_ =	shalt  }
0x64: {  	_ =	shalt  }
0x65: {  	_ =	shalt  }
0x66: {  	_ =	shalt  }
0x67: {  	_ =	shalt  }
0x68: {  	_ =	shalt  }
0x69: {  	_ =	shalt  }
0x6a: {  	_ =	shalt  }
0x6b: {  	_ =	shalt  }
0x6c: {  	_ =	shalt  }
0x6d: {  	_ =	shalt  }
0x6e: {  	_ =	shalt  }
0x6f: {  	_ =	shalt  }
0x70: {  	_ =	shalt  }
0x71: {  	_ =	shalt  }
0x72: {  	_ =	shalt  }
0x73: {  	_ =	shalt  }
0x74: {  	_ =	shalt  }
0x75: {  	_ =	shalt  }
0x76: {  	_ =	shalt  }
0x77: {  	_ =	shalt  }
0x78: {  	_ =	shalt  }
0x79: {  	_ =	shalt  }
0x7a: {  	_ =	shalt  }
0x7b: {  	_ =	shalt  }
0x7c: {  	_ =	shalt  }
0x7d: {  	_ =	shalt  }
0x7e: {  	_ =	shalt  }
0x7f: {  	_ =	shalt  }
0x80: {  	_ =	shalt  }
0x81: {  	_ =	shalt  }
0x82: {  	_ =	shalt  }
0x83: {  	_ =	shalt  }
0x84: {  	_ =	shalt  }
0x85: {  	_ =	shalt  }
0x86: {  	_ =	shalt  }
0x87: {  	_ =	shalt  }
.Lfunc_end0:
.L_simem_size_0:
called_computation.3_lowered:
.L_overlay_start_0:
0x88: {  	s2 =	sld [smem:$0x3FD9]  }
0x89: {  	s3 =	sld [smem:$0x3FFE];
	_ =	sdelay $0x1  }
0x8a: {  	s1 =	srdreg.scid  }
0x8b: {  	s0 =	sand.u32 $0x1, s1  }
0x8c: {  	s17 =	sshll.u32 s0, $0xA;
	s2 =	sadd.s32 s3, s2  }
0x8d: {  	s2 =	sadd.s32 s2, s17  }
0x8e: {  	[smem:$0x3FC1] =	sst s2  }
0x8f: {  	_ = 	snop  }
0x90: {  	s18 =	sld [smem:$0x3FC7];
	(tm) =	ssettm $0x1  }
0x91: {  	s19 =	sld [smem:$0x3FFB];
	_ =	sdelay $0x3  }
0x92: {  	_ =	strace s19  }
0x93: {  	s2 =	sld [smem:$0x3FFC];
	_ =	sdelay $0x3  }
0x94: {  	_ =	strace s2  }
0x95: {  	s2 =	sld [smem:$0x3FFD];
	_ =	sdelay $0x3  }
0x96: {  	_ =	strace s2  }
0x97: {  	_ =	strace $0x8FFFFFFF  }
0x98: {  	s20 =	sld [smem:$0x3FDB];
	_ =	sdelay $0x1  }
0x99: {  	s4 =	simm.s32 $_scs_section_size  }
0x9a: {  	s5 =	simm.s32 $_size__tile_overlayer_lowered;
	s6 =	simm.s32 $_tile_overlayer_lowered  }
0x9b: {  	s7 =	simm.s32 $0x1BFF;
	s21 =	sshll.u32 s6, $0x1;
	s4 =	sadd.s32 s4, s20  }
0x9c: {  	s22 =	simm.s32 $0x0;
	s5 =	sshll.u32 s5, $0x1;
	s6 =	sadd.s32 s21, s4  }
0x9d: {  	[timem:s22], [sflag:s7] =	dma.local [hbm:s6], s5  }
0x9e: {  	_ =	swait.ge [sflag:s7], s5  }
0x9f: {  	s5 =	ssub.s32 $0x0, s5;
	[sflag:s7] =	ssyncset.done $0x0  }
0xa0: {  	[sflag:s7] =	ssyncadd.s32 s5;
	_ =	sdelay $0x1  }
0xa1: {  	s23 =	simm.s32 $0x1B8B  }
0xa2: {  	_ =	swait.ge [sflag:s23], $0x1  }
0xa3: {  	[sflag:s23] =	ssyncset.done $0x0  }
0xa4: {  	[sflag:s23] =	ssyncadd.s32 $0xFFFFFFFF  }
0xa5: {  	s5 =	sld [smem:$0x0]  }
0xa6: {  	s6 =	sand.u32 $0xFFFFFFFE, s1  }
0xa7: {  	p0 =	sne.s32 s1, s6  }
0xa8: {  	s6 =	sshll.u32 @p0 s6, $0xE  }
0xa9: {  	s6 =	sadd.s32 @p0 $0x11B8D, s6;
	s7 =	sshll.u32 @p0 s5, $0x11  }
0xaa: {  	s6 =	sor.u32 @p0 s7, s6  }
0xab: {  	[sflag:s6] =	ssyncadd.remote.s32 @p0 $0x1;
	_ =	sdelay $0x1  }
0xac: {  	s6 =	simm.s32 @p0 $0x1B8D  }
0xad: {  	_ =	swait.eq @p0 [sflag:s6], $0x1  }
0xae: {  	[sflag:s6] =	ssyncadd.s32 @p0 $0xFFFFFFFF  }
0xaf: {  	s7 =	sshll.u32 @!p0 s1, $0xE  }
0xb0: {  	s7 =	sor.u32 @!p0 $0x4000, s7;
	s6 =	simm.s32 @!p0 $0x1B8D  }
0xb1: {  	s5 =	sshll.u32 @!p0 s5, $0x11;
	s7 =	sadd.s32 @!p0 $0x11B8D, s7;
	_ =	swait.eq @!p0 [sflag:s6], $0x1  }
0xb2: {  	s5 =	sor.u32 @!p0 s5, s7;
	[sflag:s6] =	ssyncadd.s32 @!p0 $0xFFFFFFFF  }
0xb3: {  	s25 =	simm.s32 $0x1B8E;
	s24 =	sld [smem:$0x3FFE];
	[sflag:s5] =	ssyncadd.remote.s32 @!p0 $0x1  }
0xb4: {  	s26 =	simm.s32 $execute0_lowered;
	[smem:$0x3FD2] =	sst s25  }
0xb5: {  	s6 =	sshll.u32 s26, $0x1;
	_ =	strace $0x8000004F;
	[dreg:$0x1] =	wrdreg $0xFFFFFFFF  }
0xb6: {  	s28 =	simm.s32 $_size_execute0_lowered;
	s4 =	sadd.s32 s4, s6;
	[dreg:$0x0] =	wrdreg $0x0  }
0xb7: {  	s6 =	sshll.u32 s28, $0x1;
	[dreg:$0x2] =	wrdreg s4  }
0xb8: {  	[dreg:$0x3] =	wrdreg s6  }
0xb9: {  	[dreg:$0x4] =	wrdreg $0xC0  }
0xba: {  	_ =	task [dreg:s22], $0x5FFFF  }
0xbb: {  	[dreg:$0x1] =	wrdreg $0xFFFFFFFF  }
0xbc: {  	[dreg:$0x0] =	wrdreg $0x60  }
0xbd: {  	[dreg:$0x2] =	wrdreg s18  }
0xbe: {  	[dreg:$0x3] =	wrdreg s24  }
0xbf: {  	[dreg:$0x4] =	wrdreg $0xC  }
0xc0: {  	_ =	task.clear_ibuf [dreg:s22], $0x5FFFF;
	_ =	strace $0x9000004F  }
0xc1: {  	s29 =	simm.s32 $0xC;
	_ =	strace $0x80000051  }
0xc2: {  	_ =	swait.ge [sflag:s29], $0x1  }
0xc3: {  	[sflag:s29] =	ssyncadd.s32 $0xFFFFFFFF  }
0xc4: {  	_ =	strace $0x90000051  }
0xc5: {  	_ =	sfence  }
0xc6: {  	s30 =	sld [smem:$0x0];
	_ =	sdelay $0x2  }
0xc7: {  	s31 =	sshll.u32 s1, $0xD;
	s1 =	sshrl.u32 s1, $0x2  }
0xc8: {  	s4 =	sand.u32 $0x4000, s31;
	s1 =	sadd.s32 s1, s30  }
0xc9: {  	s0 =	sor.u32 s4, s0;
	s1 =	sshll.u32 s1, $0x11  }
0xca: {  	s0 =	sor.u32 s1, s0  }
0xcb: {  	s0 =	sadd.s32 $0x8F2B, s0  }
0xcc: {  	[sflag:s0] =	ssyncadd.remote.s32 $0x1  }
0xcd: {  	_ =	sfence.sel $0xFFFF  }
0xce: {  	[dreg:$0x0] =	wrdreg $0xFFFFFFFF;
	(pc) =	sbr.abs _section_cstart, $3  }
0xcf: {  	[dreg:$0x1] =	wrdreg $0xFFFFFFFF  }
0xd0: {  	_ =	task.clear_ibuf [dreg:s22], $0x2FFFF;
	_ =	strace $0x9FFFFFFF  }
0xd1: {  	(tm) =	ssettm $0x7FFFFFFF  }
tec
execute0_lowered:
.L_overlay_start_1:
0x0: {  	(tag) =	ssettag $0x1  }
0x1: {  	s0 =	srdreg.scid  }
0x2: {  	s1 =	stileid.u32;
	s0 =	sand.u32 $0x1, s0  }
0x3: {  	s2 =	rddreg [dreg:$0x0];
	s1 =	sshll.u32 s1, $0x8;
	s3 =	sshll.u32 s0, $0x7  }
0x4: {  	s4 =	rddreg [dreg:$0x1];
	s1 =	sor.u32 s3, s1;
	s3 =	simm.s32 $0x0  }
0x5: {  	s20 =	simm.s32 $0x8880;
	[smem:$0x7FF] =	sst s3  }
0x6: {  	s21 =	simm.s32 $0x9080;
	_ =	strace $0x80000050;
	[dreg:$0xc] =	wrdreg s20  }
0x7: {  	s22 =	simm.s32 $0x9880;
	[dreg:$0xd] =	wrdreg s21  }
0x8: {  	s23 =	simm.s32 $0xA080;
	[dreg:$0xe] =	wrdreg s22  }
0x9: {  	s24 =	simm.s32 $0xA880;
	[dreg:$0xf] =	wrdreg s23  }
0xa: {  	s25 =	simm.s32 $0xB080;
	[dreg:$0x10] =	wrdreg s24  }
0xb: {  	s6 =	simm.s32 $0xC880;
	[dreg:$0x11] =	wrdreg s25  }
0xc: {  	s7 =	simm.s32 $0xD080;
	[dreg:$0x13] =	wrdreg s6  }
0xd: {  	s8 =	simm.s32 $0xD880;
	[dreg:$0x14] =	wrdreg s7  }
0xe: {  	s9 =	simm.s32 $0xE080;
	[dreg:$0x15] =	wrdreg s8  }
0xf: {  	s10 =	simm.s32 $0xE880;
	s0 =	ssub.s32 $0x2, s0;
	[dreg:$0x16] =	wrdreg s9  }
0x10: {  	s11 =	simm.s32 $0xF080;
	s26 =	sshrl.u32 s0, $0x1;
	[dreg:$0x17] =	wrdreg s10  }
0x11: {  	s0 =	ssub.s32 s0, s26;
	s26 =	simm.s32 $0x17880;
	[dreg:$0x18] =	wrdreg s11  }
0x12: {  	s20 =	simm.s32 $0x14880;
	[smem:$0x7FD] =	sst s26  }
0x13: {  	s21 =	simm.s32 $0x15080;
	[smem:$0x7F7] =	sst s20  }
0x14: {  	s22 =	simm.s32 $0x15880;
	[smem:$0x7F8] =	sst s21  }
0x15: {  	s5 =	sshrl.u32 s1, $0x3;
	s23 =	simm.s32 $0x16080;
	[smem:$0x7F9] =	sst s22  }
0x16: {  	s1 =	sshll.u32 s1, $0x7;
	s24 =	simm.s32 $0x16880;
	[smem:$0x7FA] =	sst s23  }
0x17: {  	s5 =	sadd.s32 s5, s4;
	s25 =	simm.s32 $0x17080;
	[smem:$0x7FB] =	sst s24  }
0x18: {  	s1 =	sadd.s32 s1, s4;
	s12 =	sadd.s32 $0x2A00, s5;
	[smem:$0x7FC] =	sst s25  }
0x19: {  	s13 =	sadd.s32 $0x102C00, s1;
	[dreg:$0x3] =	wrdreg s12  }
0x1a: {  	s29 =	simm.s32 $0x1;
	s14 =	sadd.s32 $0x103400, s1;
	[dreg:$0x4] =	wrdreg s13  }
0x1b: {  	s31 =	simm.s32 $0x2;
	s15 =	sadd.s32 $0x103C00, s1;
	[dreg:$0x5] =	wrdreg s14  }
0x1c: {  	s28 =	simm.s32 $0x3880;
	s16 =	sadd.s32 $0x104400, s1;
	[dreg:$0x6] =	wrdreg s15  }
0x1d: {  	s30 =	simm.s32 $0x4880;
	s17 =	sadd.s32 $0x104C00, s1;
	[dreg:$0x7] =	wrdreg s16  }
0x1e: {  	s4 =	sadd.s32 $0x100, s2;
	s18 =	sadd.s32 $0x105400, s1;
	[dreg:$0x8] =	wrdreg s17  }
0x1f: {  	s6 =	sadd.s32 $0x300, s2;
	s19 =	sadd.s32 $0x105C00, s1;
	[dreg:$0x9] =	wrdreg s18  }
0x20: {  	s7 =	smax.u32 s0, $0x1;
	s1 =	sadd.s32 $0x106400, s1;
	[dreg:$0xa] =	wrdreg s19  }
0x21: {  	s10 =	simm.s32 $0x8;
	s5 =	simm.s32 $0xB880;
	[dreg:$0xb] =	wrdreg s1  }
0x22: {  	s26 =	simm.s32 $0x3080;
	[dreg:$0x12] =	wrdreg s5;
	s12 =	simm.s32 $0xF880  }
0x23: {  	s11 =	simm.s32 $0x6080;
	s13 =	simm.s32 $0x10880;
	[dreg:$0x19] =	wrdreg s12  }
0x24: {  	s21 =	simm.s32 $0x880;
	s14 =	simm.s32 $0x11080;
	[dreg:$0x1a] =	wrdreg s13  }
0x25: {  	s22 =	simm.s32 $0x1080;
	s15 =	simm.s32 $0x11880;
	[dreg:$0x1b] =	wrdreg s14  }
0x26: {  	s23 =	simm.s32 $0x1880;
	s16 =	simm.s32 $0x12080;
	[dreg:$0x1c] =	wrdreg s15  }
0x27: {  	s24 =	simm.s32 $0x2080;
	s17 =	simm.s32 $0x12880;
	[dreg:$0x1d] =	wrdreg s16  }
0x28: {  	s25 =	simm.s32 $0x2880;
	s18 =	simm.s32 $0x13080;
	[dreg:$0x1e] =	wrdreg s17  }
0x29: {  	s5 =	sadd.s32 $0x200, s2;
	s19 =	simm.s32 $0x13880;
	[dreg:$0x1f] =	wrdreg s18  }
0x2a: {  	v2 =	vlaneseq.u32;
	s1 =	simm.s32 $0x7;
	[smem:$0x7F6] =	sst s19;
	s17 =	simm.s32 $0x80  }
0x2b: {  	vm0 =	vmmov $0xffff;
	v1 =	vshrl.u32 v2, $0x3;
	s12 =	simm.s32 $0x6880;
	s13 =	simm.s32 $0x7080;
	s14 =	simm.s32 $0x7880  }
0x2c: {  	v0 =	vand.u32 $0x7, v2;
	v2 =	vor.u32 $0x8, v2;
	v1 =	vmul.u32 $0x8, v1;
	s15 =	simm.s32 $0x8080;
	s16 =	simm.s32 $0xC080;
	s18 =	simm.s32 $0x10080  }
.LBB2_1:
0x2d: {  	s19 =	rddreg [dreg:$0x3];
	s8 =	simm.s32 $0xD  }
0x2e: {  	[tilespmem:s3], [sflag:$0xD] =	stream.linear.gather [hbm4b:s19+s3], $0x80, $0x38;
	[tilespmem:$0x18080] =	vst v63  }
0x2f: {  	_ =	swait.ge [sflag:s8], $0x80  }
0x30: {  	[sflag:s8] =	ssyncset.done $0x0  }
0x31: {  	[sflag:s8] =	ssyncadd.s32 $0xFFFFFF80  }
0x32: {  	v3 =	vld [tilespmem:$0x0];
	_ =	sdelay $0x4  }
0x33: {  	v4 =	vshll.u32 v3, $0x3  }
0x34: {  	v3 =	vand.u32 $0x7, v3;
	v4 =	vand.u32 $0xFFFFFFC0, v4  }
0x35: {  	v3 =	vor.u32 v3, v4  }
0x36: {  	v4 =	vperm.xlane v3, v0;
	_ =	sdelay $0x1  }
0x37: {  	v4 =	vadd.s32 v1, v4;
	_ =	sdelay $0x4  }
0x38: {  	[tilespmem:s17], [sflag:$0x1] =	stream.indirect_vreg.gather [hbm4b:s2+s3], $0x80, v4, vm0, $0xb8;
	[tilespmem:$0x18080] =	vst v63  }
0x39: {  	v3 =	vperm.xlane v3, v2  }
0x3a: {  	[tilespmem:s21], [sflag:$0x1] =	stream.indirect_vreg.gather [hbm4b:s4+s3], $0x80, v4, vm0, $0xb8;
	[tilespmem:$0x18080] =	vst v63  }
0x3b: {  	v3 =	vadd.s32 v1, v3  }
0x3c: {  	[tilespmem:s22], [sflag:$0x1] =	stream.indirect_vreg.gather [hbm4b:s5+s3], $0x80, v4, vm0, $0xb8;
	[tilespmem:$0x18080] =	vst v63  }
0x3d: {  	_ = 	snop  }
0x3e: {  	[tilespmem:s23], [sflag:$0x1] =	stream.indirect_vreg.gather [hbm4b:s6+s3], $0x80, v4, vm0, $0xb8;
	[tilespmem:$0x18080] =	vst v63  }
0x3f: {  	_ = 	snop  }
0x40: {  	[tilespmem:s24], [sflag:$0x1] =	stream.indirect_vreg.gather [hbm4b:s2+s3], $0x80, v3, vm0, $0xb8;
	[tilespmem:$0x18080] =	vst v63  }
0x41: {  	_ = 	snop  }
0x42: {  	[tilespmem:s25], [sflag:$0x1] =	stream.indirect_vreg.gather [hbm4b:s4+s3], $0x80, v3, vm0, $0xb8;
	[tilespmem:$0x18080] =	vst v63  }
0x43: {  	_ = 	snop  }
0x44: {  	[tilespmem:s26], [sflag:$0x1] =	stream.indirect_vreg.gather [hbm4b:s5+s3], $0x80, v3, vm0, $0xb8;
	[tilespmem:$0x18080] =	vst v63  }
0x45: {  	_ = 	snop  }
0x46: {  	[tilespmem:s28], [sflag:$0x1] =	stream.indirect_vreg.gather [hbm4b:s6+s3], $0x80, v3, vm0, $0xb8;
	[tilespmem:$0x18080] =	vst v63  }
0x47: {  	v3 =	vld [tilespmem:$0x10];
	_ =	sdelay $0x4  }
0x48: {  	v57 =	vshll.u32 v3, $0x3  }
0x49: {  	v3 =	vand.u32 $0x7, v3;
	v4 =	vand.u32 $0xFFFFFFC0, v57  }
0x4a: {  	v3 =	vor.u32 v3, v4  }
0x4b: {  	v4 =	vperm.xlane v3, v0;
	_ =	sdelay $0x1  }
0x4c: {  	v4 =	vadd.s32 v1, v4;
	_ =	sdelay $0x3  }
0x4d: {  	s0 =	simm.s32 $0x4080  }
0x4e: {  	[tilespmem:s0], [sflag:$0x2] =	stream.indirect_vreg.gather [hbm4b:s2+s3], $0x80, v4, vm0, $0xb8;
	[tilespmem:$0x18080] =	vst v63  }
0x4f: {  	v3 =	vperm.xlane v3, v2  }
0x50: {  	[tilespmem:s30], [sflag:$0x2] =	stream.indirect_vreg.gather [hbm4b:s4+s3], $0x80, v4, vm0, $0xb8;
	[tilespmem:$0x18080] =	vst v63  }
0x51: {  	s8 =	simm.s32 $0x5080;
	v3 =	vadd.s32 v1, v3  }
0x52: {  	[tilespmem:s8], [sflag:$0x2] =	stream.indirect_vreg.gather [hbm4b:s5+s3], $0x80, v4, vm0, $0xb8;
	[tilespmem:$0x18080] =	vst v63  }
0x53: {  	s9 =	simm.s32 $0x5880  }
0x54: {  	[tilespmem:s9], [sflag:$0x2] =	stream.indirect_vreg.gather [hbm4b:s6+s3], $0x80, v4, vm0, $0xb8;
	[tilespmem:$0x18080] =	vst v63  }
0x55: {  	_ = 	snop  }
0x56: {  	[tilespmem:s11], [sflag:$0x2] =	stream.indirect_vreg.gather [hbm4b:s2+s3], $0x80, v3, vm0, $0xb8;
	[tilespmem:$0x18080] =	vst v63  }
0x57: {  	_ = 	snop  }
0x58: {  	[tilespmem:s12], [sflag:$0x2] =	stream.indirect_vreg.gather [hbm4b:s4+s3], $0x80, v3, vm0, $0xb8;
	[tilespmem:$0x18080] =	vst v63  }
0x59: {  	_ = 	snop  }
0x5a: {  	[tilespmem:s13], [sflag:$0x2] =	stream.indirect_vreg.gather [hbm4b:s5+s3], $0x80, v3, vm0, $0xb8;
	[tilespmem:$0x18080] =	vst v63  }
0x5b: {  	_ = 	snop  }
0x5c: {  	[tilespmem:s14], [sflag:$0x2] =	stream.indirect_vreg.gather [hbm4b:s6+s3], $0x80, v3, vm0, $0xb8;
	[tilespmem:$0x18080] =	vst v63  }
0x5d: {  	v3 =	vld [tilespmem:$0x20];
	_ =	sdelay $0x4  }
0x5e: {  	v58 =	vshll.u32 v3, $0x3  }
0x5f: {  	v3 =	vand.u32 $0x7, v3;
	v4 =	vand.u32 $0xFFFFFFC0, v58  }
0x60: {  	v3 =	vor.u32 v3, v4  }
0x61: {  	v4 =	vperm.xlane v3, v0;
	_ =	sdelay $0x1  }
0x62: {  	v4 =	vadd.s32 v1, v4;
	_ =	sdelay $0x4  }
0x63: {  	[tilespmem:s15], [sflag:$0x3] =	stream.indirect_vreg.gather [hbm4b:s2+s3], $0x80, v4, vm0, $0xb8;
	[tilespmem:$0x18080] =	vst v63  }
0x64: {  	s9 =	rddreg [dreg:$0xc];
	v3 =	vperm.xlane v3, v2  }
0x65: {  	[tilespmem:s9], [sflag:$0x3] =	stream.indirect_vreg.gather [hbm4b:s4+s3], $0x80, v4, vm0, $0xb8;
	[tilespmem:$0x18080] =	vst v63  }
0x66: {  	s20 =	rddreg [dreg:$0xd];
	v3 =	vadd.s32 v1, v3  }
0x67: {  	[tilespmem:s20], [sflag:$0x3] =	stream.indirect_vreg.gather [hbm4b:s5+s3], $0x80, v4, vm0, $0xb8;
	[tilespmem:$0x18080] =	vst v63  }
0x68: {  	s9 =	rddreg [dreg:$0xe]  }
0x69: {  	[tilespmem:s9], [sflag:$0x3] =	stream.indirect_vreg.gather [hbm4b:s6+s3], $0x80, v4, vm0, $0xb8;
	[tilespmem:$0x18080] =	vst v63  }
0x6a: {  	s20 =	rddreg [dreg:$0xf]  }
0x6b: {  	[tilespmem:s20], [sflag:$0x3] =	stream.indirect_vreg.gather [hbm4b:s2+s3], $0x80, v3, vm0, $0xb8;
	[tilespmem:$0x18080] =	vst v63  }
0x6c: {  	s9 =	rddreg [dreg:$0x10]  }
0x6d: {  	[tilespmem:s9], [sflag:$0x3] =	stream.indirect_vreg.gather [hbm4b:s4+s3], $0x80, v3, vm0, $0xb8;
	[tilespmem:$0x18080] =	vst v63  }
0x6e: {  	s20 =	rddreg [dreg:$0x11]  }
0x6f: {  	[tilespmem:s20], [sflag:$0x3] =	stream.indirect_vreg.gather [hbm4b:s5+s3], $0x80, v3, vm0, $0xb8;
	[tilespmem:$0x18080] =	vst v63  }
0x70: {  	s9 =	rddreg [dreg:$0x12]  }
0x71: {  	[tilespmem:s9], [sflag:$0x3] =	stream.indirect_vreg.gather [hbm4b:s6+s3], $0x80, v3, vm0, $0xb8;
	[tilespmem:$0x18080] =	vst v63  }
0x72: {  	v3 =	vld [tilespmem:$0x30];
	_ =	sdelay $0x4  }
0x73: {  	v59 =	vshll.u32 v3, $0x3  }
0x74: {  	v3 =	vand.u32 $0x7, v3;
	v4 =	vand.u32 $0xFFFFFFC0, v59  }
0x75: {  	v3 =	vor.u32 v3, v4  }
0x76: {  	v4 =	vperm.xlane v3, v0;
	_ =	sdelay $0x1  }
0x77: {  	v4 =	vadd.s32 v1, v4;
	_ =	sdelay $0x4  }
0x78: {  	[tilespmem:s16], [sflag:$0x4] =	stream.indirect_vreg.gather [hbm4b:s2+s3], $0x80, v4, vm0, $0xb8;
	[tilespmem:$0x18080] =	vst v63  }
0x79: {  	s9 =	rddreg [dreg:$0x13];
	v3 =	vperm.xlane v3, v2  }
0x7a: {  	[tilespmem:s9], [sflag:$0x4] =	stream.indirect_vreg.gather [hbm4b:s4+s3], $0x80, v4, vm0, $0xb8;
	[tilespmem:$0x18080] =	vst v63  }
0x7b: {  	s20 =	rddreg [dreg:$0x14];
	v3 =	vadd.s32 v1, v3  }
0x7c: {  	[tilespmem:s20], [sflag:$0x4] =	stream.indirect_vreg.gather [hbm4b:s5+s3], $0x80, v4, vm0, $0xb8;
	[tilespmem:$0x18080] =	vst v63  }
0x7d: {  	s9 =	rddreg [dreg:$0x15]  }
0x7e: {  	[tilespmem:s9], [sflag:$0x4] =	stream.indirect_vreg.gather [hbm4b:s6+s3], $0x80, v4, vm0, $0xb8;
	[tilespmem:$0x18080] =	vst v63  }
0x7f: {  	s20 =	rddreg [dreg:$0x16]  }
0x80: {  	[tilespmem:s20], [sflag:$0x4] =	stream.indirect_vreg.gather [hbm4b:s2+s3], $0x80, v3, vm0, $0xb8;
	[tilespmem:$0x18080] =	vst v63  }
0x81: {  	s9 =	rddreg [dreg:$0x17]  }
0x82: {  	[tilespmem:s9], [sflag:$0x4] =	stream.indirect_vreg.gather [hbm4b:s4+s3], $0x80, v3, vm0, $0xb8;
	[tilespmem:$0x18080] =	vst v63  }
0x83: {  	s20 =	rddreg [dreg:$0x18]  }
0x84: {  	[tilespmem:s20], [sflag:$0x4] =	stream.indirect_vreg.gather [hbm4b:s5+s3], $0x80, v3, vm0, $0xb8;
	[tilespmem:$0x18080] =	vst v63  }
0x85: {  	s9 =	rddreg [dreg:$0x19]  }
0x86: {  	[tilespmem:s9], [sflag:$0x4] =	stream.indirect_vreg.gather [hbm4b:s6+s3], $0x80, v3, vm0, $0xb8;
	[tilespmem:$0x18080] =	vst v63  }
0x87: {  	v3 =	vld [tilespmem:$0x40];
	_ =	sdelay $0x4  }
0x88: {  	v60 =	vshll.u32 v3, $0x3  }
0x89: {  	v3 =	vand.u32 $0x7, v3;
	v4 =	vand.u32 $0xFFFFFFC0, v60  }
0x8a: {  	v3 =	vor.u32 v3, v4  }
0x8b: {  	v4 =	vperm.xlane v3, v0;
	_ =	sdelay $0x1  }
0x8c: {  	v4 =	vadd.s32 v1, v4;
	_ =	sdelay $0x3  }
0x8d: {  	s20 =	rddreg [dreg:$0x1b]  }
0x8e: {  	[tilespmem:s18], [sflag:$0x5] =	stream.indirect_vreg.gather [hbm4b:s2+s3], $0x80, v4, vm0, $0xb8;
	[tilespmem:$0x18080] =	vst v63  }
0x8f: {  	s9 =	rddreg [dreg:$0x1a];
	v3 =	vperm.xlane v3, v2  }
0x90: {  	[tilespmem:s9], [sflag:$0x5] =	stream.indirect_vreg.gather [hbm4b:s4+s3], $0x80, v4, vm0, $0xb8;
	[tilespmem:$0x18080] =	vst v63  }
0x91: {  	v3 =	vadd.s32 v1, v3;
	s9 =	rddreg [dreg:$0x1c]  }
0x92: {  	[tilespmem:s20], [sflag:$0x5] =	stream.indirect_vreg.gather [hbm4b:s5+s3], $0x80, v4, vm0, $0xb8;
	[tilespmem:$0x18080] =	vst v63  }
0x93: {  	s20 =	rddreg [dreg:$0x1d]  }
0x94: {  	[tilespmem:s9], [sflag:$0x5] =	stream.indirect_vreg.gather [hbm4b:s6+s3], $0x80, v4, vm0, $0xb8;
	[tilespmem:$0x18080] =	vst v63  }
0x95: {  	s9 =	rddreg [dreg:$0x1e]  }
0x96: {  	[tilespmem:s20], [sflag:$0x5] =	stream.indirect_vreg.gather [hbm4b:s2+s3], $0x80, v3, vm0, $0xb8;
	[tilespmem:$0x18080] =	vst v63  }
0x97: {  	s20 =	rddreg [dreg:$0x1f]  }
0x98: {  	[tilespmem:s9], [sflag:$0x5] =	stream.indirect_vreg.gather [hbm4b:s4+s3], $0x80, v3, vm0, $0xb8;
	[tilespmem:$0x18080] =	vst v63  }
0x99: {  	s9 =	sld [smem:$0x7F6]  }
0x9a: {  	[tilespmem:s20], [sflag:$0x5] =	stream.indirect_vreg.gather [hbm4b:s5+s3], $0x80, v3, vm0, $0xb8;
	[tilespmem:$0x18080] =	vst v63  }
0x9b: {  	_ = 	snop  }
0x9c: {  	[tilespmem:s9], [sflag:$0x5] =	stream.indirect_vreg.gather [hbm4b:s6+s3], $0x80, v3, vm0, $0xb8;
	[tilespmem:$0x18080] =	vst v63  }
0x9d: {  	_ =	swait.ge [sflag:s29], $0x4000  }
0x9e: {  	[sflag:s29] =	ssyncset.done $0x0  }
0x9f: {  	s9 =	rddreg [dreg:$0x4];
	[sflag:s29] =	ssyncadd.s32 $0xFFFFC000  }
0xa0: {  	[hbm4b:s9+s3] =	stream.linear.scatter [tilespmem:s17], [sflag:$0x7], $0x4000, $0x38;
	[tilespmem:$0x18080] =	vst v63  }
0xa1: {  	v3 =	vld [tilespmem:$0x50];
	_ =	sdelay $0x4  }
0xa2: {  	v61 =	vshll.u32 v3, $0x3  }
0xa3: {  	v3 =	vand.u32 $0x7, v3;
	v4 =	vand.u32 $0xFFFFFFC0, v61  }
0xa4: {  	v3 =	vor.u32 v3, v4  }
0xa5: {  	v4 =	vperm.xlane v3, v0;
	_ =	sdelay $0x1  }
0xa6: {  	v4 =	vadd.s32 v1, v4;
	_ =	sdelay $0x3  }
0xa7: {  	s19 =	sld [smem:$0x7F7];
	s9 =	simm.s32 $0x14080  }
0xa8: {  	[tilespmem:s9], [sflag:$0x6] =	stream.indirect_vreg.gather [hbm4b:s2+s3], $0x80, v4, vm0, $0xb8;
	[tilespmem:$0x18080] =	vst v63  }
0xa9: {  	s20 =	sld [smem:$0x7F8];
	v3 =	vperm.xlane v3, v2  }
0xaa: {  	[tilespmem:s19], [sflag:$0x6] =	stream.indirect_vreg.gather [hbm4b:s4+s3], $0x80, v4, vm0, $0xb8;
	[tilespmem:$0x18080] =	vst v63  }
0xab: {  	v3 =	vadd.s32 v1, v3;
	s19 =	sld [smem:$0x7F9]  }
0xac: {  	[tilespmem:s20], [sflag:$0x6] =	stream.indirect_vreg.gather [hbm4b:s5+s3], $0x80, v4, vm0, $0xb8;
	[tilespmem:$0x18080] =	vst v63  }
0xad: {  	s20 =	sld [smem:$0x7FA]  }
0xae: {  	[tilespmem:s19], [sflag:$0x6] =	stream.indirect_vreg.gather [hbm4b:s6+s3], $0x80, v4, vm0, $0xb8;
	[tilespmem:$0x18080] =	vst v63  }
0xaf: {  	s19 =	sld [smem:$0x7FB]  }
0xb0: {  	[tilespmem:s20], [sflag:$0x6] =	stream.indirect_vreg.gather [hbm4b:s2+s3], $0x80, v3, vm0, $0xb8;
	[tilespmem:$0x18080] =	vst v63  }
0xb1: {  	s20 =	sld [smem:$0x7FC]  }
0xb2: {  	[tilespmem:s19], [sflag:$0x6] =	stream.indirect_vreg.gather [hbm4b:s4+s3], $0x80, v3, vm0, $0xb8;
	[tilespmem:$0x18080] =	vst v63  }
0xb3: {  	s19 =	sld [smem:$0x7FD]  }
0xb4: {  	[tilespmem:s20], [sflag:$0x6] =	stream.indirect_vreg.gather [hbm4b:s5+s3], $0x80, v3, vm0, $0xb8;
	[tilespmem:$0x18080] =	vst v63  }
0xb5: {  	_ = 	snop  }
0xb6: {  	[tilespmem:s19], [sflag:$0x6] =	stream.indirect_vreg.gather [hbm4b:s6+s3], $0x80, v3, vm0, $0xb8;
	[tilespmem:$0x18080] =	vst v63  }
0xb7: {  	_ =	swait.ge [sflag:s31], $0x4000  }
0xb8: {  	[sflag:s31] =	ssyncset.done $0x0  }
0xb9: {  	s20 =	rddreg [dreg:$0x5];
	[sflag:s31] =	ssyncadd.s32 $0xFFFFC000  }
0xba: {  	[hbm4b:s20+s3] =	stream.linear.scatter [tilespmem:s0], [sflag:$0x8], $0x4000, $0x38;
	[tilespmem:$0x18080] =	vst v63  }
0xbb: {  	_ =	swait.ge [sflag:s1], $0x4000  }
0xbc: {  	[sflag:s1] =	ssyncset.done $0x0  }
0xbd: {  	[sflag:s1] =	ssyncadd.s32 $0xFFFFC000  }
0xbe: {  	v3 =	vld [tilespmem:$0x60];
	_ =	sdelay $0x4  }
0xbf: {  	v62 =	vshll.u32 v3, $0x3  }
0xc0: {  	v3 =	vand.u32 $0x7, v3;
	v4 =	vand.u32 $0xFFFFFFC0, v62  }
0xc1: {  	v3 =	vor.u32 v3, v4  }
0xc2: {  	v4 =	vperm.xlane v3, v0;
	_ =	sdelay $0x1  }
0xc3: {  	v4 =	vadd.s32 v1, v4;
	_ =	sdelay $0x4  }
0xc4: {  	[tilespmem:s17], [sflag:$0x1] =	stream.indirect_vreg.gather [hbm4b:s2+s3], $0x80, v4, vm0, $0xb8;
	[tilespmem:$0x18080] =	vst v63  }
0xc5: {  	v3 =	vperm.xlane v3, v2  }
0xc6: {  	[tilespmem:s21], [sflag:$0x1] =	stream.indirect_vreg.gather [hbm4b:s4+s3], $0x80, v4, vm0, $0xb8;
	[tilespmem:$0x18080] =	vst v63  }
0xc7: {  	v3 =	vadd.s32 v1, v3  }
0xc8: {  	[tilespmem:s22], [sflag:$0x1] =	stream.indirect_vreg.gather [hbm4b:s5+s3], $0x80, v4, vm0, $0xb8;
	[tilespmem:$0x18080] =	vst v63  }
0xc9: {  	_ = 	snop  }
0xca: {  	[tilespmem:s23], [sflag:$0x1] =	stream.indirect_vreg.gather [hbm4b:s6+s3], $0x80, v4, vm0, $0xb8;
	[tilespmem:$0x18080] =	vst v63  }
0xcb: {  	_ = 	snop  }
0xcc: {  	[tilespmem:s24], [sflag:$0x1] =	stream.indirect_vreg.gather [hbm4b:s2+s3], $0x80, v3, vm0, $0xb8;
	[tilespmem:$0x18080] =	vst v63  }
0xcd: {  	_ = 	snop  }
0xce: {  	[tilespmem:s25], [sflag:$0x1] =	stream.indirect_vreg.gather [hbm4b:s4+s3], $0x80, v3, vm0, $0xb8;
	[tilespmem:$0x18080] =	vst v63  }
0xcf: {  	_ = 	snop  }
0xd0: {  	[tilespmem:s26], [sflag:$0x1] =	stream.indirect_vreg.gather [hbm4b:s5+s3], $0x80, v3, vm0, $0xb8;
	[tilespmem:$0x18080] =	vst v63  }
0xd1: {  	s20 =	simm.s32 $0x3  }
0xd2: {  	[tilespmem:s28], [sflag:$0x1] =	stream.indirect_vreg.gather [hbm4b:s6+s3], $0x80, v3, vm0, $0xb8;
	[tilespmem:$0x18080] =	vst v63  }
0xd3: {  	_ =	swait.ge [sflag:s20], $0x4000  }
0xd4: {  	[sflag:s20] =	ssyncset.done $0x0  }
0xd5: {  	s19 =	rddreg [dreg:$0x6];
	[sflag:s20] =	ssyncadd.s32 $0xFFFFC000  }
0xd6: {  	[hbm4b:s19+s3] =	stream.linear.scatter [tilespmem:s15], [sflag:$0x9], $0x4000, $0x38;
	[tilespmem:$0x18080] =	vst v63  }
0xd7: {  	_ =	swait.ge [sflag:s10], $0x4000  }
0xd8: {  	[sflag:s10] =	ssyncset.done $0x0  }
0xd9: {  	[sflag:s10] =	ssyncadd.s32 $0xFFFFC000  }
0xda: {  	v3 =	vld [tilespmem:$0x70];
	_ =	sdelay $0x4  }
0xdb: {  	v63 =	vshll.u32 v3, $0x3  }
0xdc: {  	v3 =	vand.u32 $0x7, v3;
	v4 =	vand.u32 $0xFFFFFFC0, v63  }
0xdd: {  	v3 =	vor.u32 v3, v4  }
0xde: {  	v4 =	vperm.xlane v3, v0;
	_ =	sdelay $0x1  }
0xdf: {  	v4 =	vadd.s32 v1, v4;
	_ =	sdelay $0x4  }
0xe0: {  	[tilespmem:s0], [sflag:$0x2] =	stream.indirect_vreg.gather [hbm4b:s2+s3], $0x80, v4, vm0, $0xb8;
	[tilespmem:$0x18080] =	vst v63  }
0xe1: {  	v3 =	vperm.xlane v3, v2  }
0xe2: {  	[tilespmem:s30], [sflag:$0x2] =	stream.indirect_vreg.gather [hbm4b:s4+s3], $0x80, v4, vm0, $0xb8;
	[tilespmem:$0x18080] =	vst v63  }
0xe3: {  	v3 =	vadd.s32 v1, v3  }
0xe4: {  	[tilespmem:s8], [sflag:$0x2] =	stream.indirect_vreg.gather [hbm4b:s5+s3], $0x80, v4, vm0, $0xb8;
	[tilespmem:$0x18080] =	vst v63  }
0xe5: {  	s20 =	simm.s32 $0x5880  }
0xe6: {  	[tilespmem:s20], [sflag:$0x2] =	stream.indirect_vreg.gather [hbm4b:s6+s3], $0x80, v4, vm0, $0xb8;
	[tilespmem:$0x18080] =	vst v63  }
0xe7: {  	_ = 	snop  }
0xe8: {  	[tilespmem:s11], [sflag:$0x2] =	stream.indirect_vreg.gather [hbm4b:s2+s3], $0x80, v3, vm0, $0xb8;
	[tilespmem:$0x18080] =	vst v63  }
0xe9: {  	_ = 	snop  }
0xea: {  	[tilespmem:s12], [sflag:$0x2] =	stream.indirect_vreg.gather [hbm4b:s4+s3], $0x80, v3, vm0, $0xb8;
	[tilespmem:$0x18080] =	vst v63  }
0xeb: {  	_ = 	snop  }
0xec: {  	[tilespmem:s13], [sflag:$0x2] =	stream.indirect_vreg.gather [hbm4b:s5+s3], $0x80, v3, vm0, $0xb8;
	[tilespmem:$0x18080] =	vst v63  }
0xed: {  	s19 =	simm.s32 $0x4  }
0xee: {  	[tilespmem:s14], [sflag:$0x2] =	stream.indirect_vreg.gather [hbm4b:s6+s3], $0x80, v3, vm0, $0xb8;
	[tilespmem:$0x18080] =	vst v63  }
0xef: {  	_ =	swait.ge [sflag:s19], $0x4000  }
0xf0: {  	[sflag:s19] =	ssyncset.done $0x0  }
0xf1: {  	s20 =	rddreg [dreg:$0x7];
	[sflag:s19] =	ssyncadd.s32 $0xFFFFC000;
	s19 =	simm.s32 $0x5  }
0xf2: {  	[hbm4b:s20+s3] =	stream.linear.scatter [tilespmem:s16], [sflag:$0xA], $0x4000, $0x38;
	[tilespmem:$0x18080] =	vst v63  }
0xf3: {  	_ =	swait.ge [sflag:s19], $0x4000  }
0xf4: {  	[sflag:s19] =	ssyncset.done $0x0  }
0xf5: {  	s20 =	rddreg [dreg:$0x8];
	[sflag:s19] =	ssyncadd.s32 $0xFFFFC000;
	s19 =	simm.s32 $0x6  }
0xf6: {  	[hbm4b:s20+s3] =	stream.linear.scatter [tilespmem:s18], [sflag:$0xB], $0x4000, $0x38;
	[tilespmem:$0x18080] =	vst v63  }
0xf7: {  	_ =	swait.ge [sflag:s19], $0x4000  }
0xf8: {  	[sflag:s19] =	ssyncset.done $0x0  }
0xf9: {  	s20 =	rddreg [dreg:$0x9];
	[sflag:s19] =	ssyncadd.s32 $0xFFFFC000  }
0xfa: {  	[hbm4b:s20+s3] =	stream.linear.scatter [tilespmem:s9], [sflag:$0xC], $0x4000, $0x38;
	[tilespmem:$0x18080] =	vst v63  }
0xfb: {  	_ =	swait.ge [sflag:s29], $0x4000  }
0xfc: {  	[sflag:s29] =	ssyncset.done $0x0  }
0xfd: {  	s9 =	rddreg [dreg:$0xa];
	[sflag:s29] =	ssyncadd.s32 $0xFFFFC000  }
0xfe: {  	[hbm4b:s9+s3] =	stream.linear.scatter [tilespmem:s17], [sflag:$0x7], $0x4000, $0x38;
	[tilespmem:$0x18080] =	vst v63  }
0xff: {  	_ =	swait.ge [sflag:s31], $0x4000  }
0x100: {  	[sflag:s31] =	ssyncset.done $0x0  }
0x101: {  	s20 =	rddreg [dreg:$0xb];
	[sflag:s31] =	ssyncadd.s32 $0xFFFFC000  }
0x102: {  	[hbm4b:s20+s3] =	stream.linear.scatter [tilespmem:s0], [sflag:$0x8], $0x4000, $0x38;
	[tilespmem:$0x18080] =	vst v63  }
0x103: {  	_ =	swait.ge [sflag:s1], $0x4000  }
0x104: {  	[sflag:s1] =	ssyncset.done $0x0  }
0x105: {  	[sflag:s1] =	ssyncadd.s32 $0xFFFFC000  }
0x106: {  	_ =	swait.ge [sflag:s10], $0x4000  }
0x107: {  	[sflag:s10] =	ssyncset.done $0x0  }
0x108: {  	s8 =	simm.s32 $0x9;
	[sflag:s10] =	ssyncadd.s32 $0xFFFFC000  }
0x109: {  	_ =	swait.ge [sflag:s8], $0x4000  }
0x10a: {  	[sflag:s8] =	ssyncset.done $0x0  }
0x10b: {  	s9 =	simm.s32 $0xA;
	[sflag:s8] =	ssyncadd.s32 $0xFFFFC000  }
0x10c: {  	_ =	swait.ge [sflag:s9], $0x4000  }
0x10d: {  	[sflag:s9] =	ssyncset.done $0x0  }
0x10e: {  	s19 =	simm.s32 $0xB;
	[sflag:s9] =	ssyncadd.s32 $0xFFFFC000  }
0x10f: {  	p0 =	sne.s32 s7, $0x1;
	_ =	swait.ge [sflag:s19], $0x4000  }
.Ltmp0:
0x110: {  	[sflag:s19] =	ssyncset.done $0x0;
	(pc) =	sbr.rel @p0 .LBB2_1-.Ltmp0, $4  }
0x111: {  	s20 =	simm.s32 $0xC;
	[sflag:s19] =	ssyncadd.s32 $0xFFFFC000  }
0x112: {  	_ =	swait.ge [sflag:s20], $0x4000  }
0x113: {  	[sflag:s20] =	ssyncset.done $0x0  }
0x114: {  	s7 =	sadd.s32 $0xFFFFFFFF, s7;
	[sflag:s20] =	ssyncadd.s32 $0xFFFFC000  }
0x115: {  	_ =	sfence.sel $0x180000  }
0x116: {  	[bflag:$0x0] =	sbarrier.arrive $0xFFFF  }
0x117: {  	_ =	strace $0x90000050  }
0x118: {  	s0 =	stileid.u32;
	[bflag:$0x2] =	sbarrier.arrive $0xFFFF  }
0x119: {  	p0 =	sne.s32 s0, $0x0;
	s0 =	rddreg [dreg:$0x2]  }
0x11a: {  	s0 =	sadd.s32 @!p0 $0x100000, s0  }
0x11b: {  	[sflag:s0] =	ssyncadd.tile.s32 @!p0 $0x1;
	_ =	shalt  }
.Lfunc_end2:
_tile_overlayer_lowered:
.L_overlay_start_2:
0x11c: {  	(tag) =	ssettag $0x2  }
0x11d: {  	s0 =	rddreg [dreg:$0x0];
	s2 =	stileid.u32  }
0x11e: {  	s1 =	rddreg [dreg:$0x1];
	p0 =	sne.s32 s2, $0x0  }
0x11f: {  	s3 =	rddreg [dreg:$0x2];
	[bflag:$0x3] =	sbarrier.arrive $0xFFFF;
	s2 =	simm.s32 @!p0 $0x1C0D  }
0x120: {  	[timem:s3], [sflag:s2] =	dma.local @!p0 [hbm:s0], s1  }
0x121: {  	s0 =	simm.s32 @!p0 $0xD  }
0x122: {  	_ =	swait.ge @!p0 [sflag:s0], s1  }
0x123: {  	s1 =	ssub.s32 @!p0 $0x0, s1;
	[sflag:s0] =	ssyncset.done @!p0 $0x0  }
0x124: {  	[sflag:s0] =	ssyncadd.s32 @!p0 s1  }
0x125: {  	[bflag:$0x3] =	sbarrier.arrive $0xFFFF  }
0x126: {  	_ =	shalt  }

</sc_bundles>
